<compile_context>
chip_gen: v7x
topology: tpu7x:2x2x1
jax: 0.10.2.dev20260603
libtpu: 0.0.44.dev20260713+nightly
codegen_flags: <defaults>
</compile_context>

<pallas_src>
import jax
import jax.numpy as jnp
from jax.experimental import pallas as pl
from jax.experimental.pallas import tpu as pltpu
from jax.experimental.pallas import tpu_sc as plsc

B = 8
NPTS = 2048
NTOT = B * NPTS
E = 16
GEO = 7
SHAPE = 128
T = 512
NT = NTOT // T + E
BUFROWS = NT * T
WORDS = 128
PCHUNK = 256
LAT = 1024
DEC_OUT = 14336
DTILE = 2048
NDEC = DEC_OUT // DTILE
F32 = jnp.float32
BF16 = jnp.bfloat16


def _bf16_hi_bits(u):
    return (u + 0x7FFF + ((u >> 16) & 1)) & jnp.int32(-65536)


def _prep_body(cats_ref, x_ref, sw2_ref, sb2_ref, ew1_ref, dest_ref, te_ref, nv_ref, xt_ref, fw_ref, fb_ref, ew1g_ref):
    t = pl.program_id(0)

    @pl.when(t == 0)
    def _routing():
        c = cats_ref[...]
        r_iota = jax.lax.broadcasted_iota(jnp.int32, (128, 128), 0)
        c_iota = jax.lax.broadcasted_iota(jnp.int32, (128, 128), 1)
        u_mat = (r_iota <= c_iota).astype(BF16)
        l_mat = (c_iota < r_iota).astype(BF16)

        counts, starts, ends = [], [], []
        run = jnp.float32(0.0)
        for e in range(E):
            cnt = jnp.sum((c == e).astype(F32))
            counts.append(cnt)
            starts.append(run)
            run = run + jnp.ceil(cnt / T) * T
            ends.append(run)

        dest = jnp.zeros((128, 128), F32)
        for e in range(E):
            m_f = (c == e).astype(F32)
            lane_pre = jax.lax.dot(m_f.astype(BF16), u_mat,
                                   preferred_element_type=F32)
            rowsum = lane_pre[:, 127:128]
            rowpre = jax.lax.dot(l_mat, rowsum.astype(BF16),
                                 preferred_element_type=F32)
            cum = lane_pre + rowpre
            dest = dest + m_f * (starts[e] + cum - 1.0)
        dest_ref[...] = dest.astype(jnp.int32)

        tv = jax.lax.broadcasted_iota(jnp.int32, (1, NT), 1).astype(F32) * T
        te = jnp.zeros((1, NT), F32)
        nv = jnp.zeros((1, NT), F32)
        for e in range(E):
            te = te + (tv >= ends[e]).astype(F32)
            inb = ((tv >= starts[e]) & (tv < ends[e])).astype(F32)
            nv = nv + inb * jnp.clip(counts[e] - (tv - starts[e]), 0.0, float(T))
        te_ref[...] = jnp.minimum(te, float(E - 1)).astype(jnp.int32)
        nv_ref[...] = nv.astype(jnp.int32)

        w1c = ew1_ref[GEO:, :].astype(BF16)
        ew1g_ref[...] = jnp.concatenate(
            [ew1_ref[:GEO, :], jnp.zeros((1, 256), F32)], axis=0).astype(BF16)
        for e in range(E):
            fw_ref[e] = jax.lax.dot(sw2_ref[e].astype(BF16), w1c,
                                    preferred_element_type=F32).astype(BF16)
            fb_ref[e] = jax.lax.dot(sb2_ref[e].astype(BF16), w1c,
                                    preferred_element_type=F32)

    @pl.when(t > 0)
    def _transpose():
        x3 = x_ref[...]
        for b in range(B):
            tr = x3[:, b, :].T
            btag = jnp.full((PCHUNK, 1), float(b + 1), F32)
            codes = tr[:, GEO:]
            hi_src = jnp.concatenate(
                [tr[:, :GEO], btag, jnp.zeros((PCHUNK, 120), F32)], axis=1)
            ul = jax.lax.bitcast_convert_type(codes, jnp.int32)
            uh = jax.lax.bitcast_convert_type(hi_src, jnp.int32)
            lo16 = jax.lax.shift_right_logical(_bf16_hi_bits(ul), 16)
            xt_ref[b] = lo16 | _bf16_hi_bits(uh)


def _prep(cats32, xp, se_W2, se_b2, enc_W1):
    return pl.pallas_call(
        _prep_body,
        grid=(1 + NPTS // PCHUNK,),
        in_specs=[
            pl.BlockSpec((128, 128), lambda t: (0, 0)),
            pl.BlockSpec((135, B, PCHUNK),
                         lambda t: (0, 0, jnp.maximum(t, 1) - 1)),
            pl.BlockSpec((E, 256, SHAPE), lambda t: (0, 0, 0)),
            pl.BlockSpec((E, 1, SHAPE), lambda t: (0, 0, 0)),
            pl.BlockSpec((135, 256), lambda t: (0, 0)),
        ],
        out_specs=[
            pl.BlockSpec((128, 128), lambda t: (0, 0)),
            pl.BlockSpec((1, NT), lambda t: (0, 0)),
            pl.BlockSpec((1, NT), lambda t: (0, 0)),
            pl.BlockSpec((B, PCHUNK, WORDS),
                         lambda t: (0, jnp.maximum(t, 1) - 1, 0)),
            pl.BlockSpec((E, 256, 256), lambda t: (0, 0, 0)),
            pl.BlockSpec((E, 1, 256), lambda t: (0, 0, 0)),
            pl.BlockSpec((8, 256), lambda t: (0, 0)),
        ],
        out_shape=[
            jax.ShapeDtypeStruct((128, 128), jnp.int32),
            jax.ShapeDtypeStruct((1, NT), jnp.int32),
            jax.ShapeDtypeStruct((1, NT), jnp.int32),
            jax.ShapeDtypeStruct((B, NPTS, WORDS), jnp.int32),
            jax.ShapeDtypeStruct((E, 256, 256), BF16),
            jax.ShapeDtypeStruct((E, 1, 256), F32),
            jax.ShapeDtypeStruct((8, 256), BF16),
        ],
    )(cats32, xp, se_W2, se_b2, enc_W1)


def _sc_scatter(xt_bits, dest):
    mesh = plsc.VectorSubcoreMesh(core_axis_name="c", subcore_axis_name="s")

    @pl.kernel(out_type=jax.ShapeDtypeStruct((BUFROWS, WORDS), jnp.int32),
               mesh=mesh)
    def k(x_hbm, i_hbm, o_hbm):
        def body(x_vmem, i_vmem):
            pltpu.sync_copy(x_vmem, o_hbm.at[i_vmem.at[0]])

        pltpu.emit_pipeline(
            body,
            grid=(NTOT // 128,),
            in_specs=[
                pl.BlockSpec((128, WORDS), lambda i: (i, 0)),
                pl.BlockSpec((1, 128), lambda i: (i, 0)),
            ],
            out_specs=[],
            core_axis_name=("c", "s"),
            dimension_semantics=(pltpu.PARALLEL,),
        )(x_hbm, i_hbm)

    return k(xt_bits, dest)


def _main_body(te_ref, nv_ref, buf_ref, w1_ref, b1_ref, fw_ref, fb_ref,
               ew1g_ref, eb1_ref, ew2_ref, eb2_ref, ew3_ref,
               eb3_ref, dw1_ref, db1_ref, dw2_ref, db2_ref, dw3_ref, db3_ref,
               lat_ref, out_ref, d2_ref):
    t = pl.program_id(0)

    @pl.when(t == 0)
    def _():
        lat_ref[...] = jnp.full((B, LAT), -jnp.inf, F32)

    nv = nv_ref[0, jnp.minimum(t, NT - 1)]

    @pl.when((t < NT) & (nv > 0))
    def _tile():
        w = buf_ref[...]
        codes = jax.lax.bitcast_convert_type(
            jax.lax.shift_left(w, 16), F32).astype(BF16)
        geob = jax.lax.bitcast_convert_type(w & jnp.int32(-65536), F32)
        h = jax.lax.dot(codes, w1_ref[0], preferred_element_type=F32) + b1_ref[0]
        h = jnp.maximum(h, 0.0).astype(BF16)
        geo8 = geob[:, 0:8].astype(BF16)
        t1 = (jax.lax.dot(geo8, ew1g_ref[...], preferred_element_type=F32)
              + jax.lax.dot(h, fw_ref[0], preferred_element_type=F32)
              + eb1_ref[...] + fb_ref[0])
        t1 = jnp.maximum(t1, 0.0).astype(BF16)
        t2 = jax.lax.dot(t1, ew2_ref[...], preferred_element_type=F32) + eb2_ref[...]
        t2 = jnp.maximum(t2, 0.0).astype(BF16)
        t3 = jax.lax.dot(t2, ew3_ref[...],
                         preferred_element_type=F32).astype(BF16)

        row = jax.lax.broadcasted_iota(jnp.int32, (T, 1), 0)
        validrow = row < nv
        btag = geob[:, 7:8]
        bmin = jnp.min(jnp.where(validrow, btag, 9.0))
        bmax = jnp.max(jnp.where(validrow, btag, 0.0))
        neg = jnp.bfloat16(-jnp.inf)
        for b in range(B):
            bf = jnp.float32(b + 1)

            @pl.when((bmin <= bf) & (bf <= bmax))
            def _upd():
                mask = validrow & (btag == bf)
                cand = jnp.max(jnp.where(mask, t3, neg), axis=0, keepdims=True)
                lat_ref[b:b + 1, :] = jnp.maximum(lat_ref[b:b + 1, :],
                                                  cand.astype(F32))

    @pl.when(t == NT - 1)
    def _():
        lat_ref[...] = lat_ref[...] + eb3_ref[...]

    @pl.when(t == NT)
    def _():
        d1 = jax.lax.dot(lat_ref[...].astype(BF16), dw1_ref[...],
                         preferred_element_type=F32) + db1_ref[...]
        d1 = jnp.maximum(d1, 0.0).astype(BF16)
        d2 = jax.lax.dot(d1, dw2_ref[...], preferred_element_type=F32) + db2_ref[...]
        d2_ref[...] = jnp.maximum(d2, 0.0).astype(BF16)

    @pl.when(t >= NT)
    def _():
        out_ref[...] = (jax.lax.dot(d2_ref[...], dw3_ref[...].astype(BF16),
                                    preferred_element_type=F32) + db3_ref[...])


def _main(te, nv, buf, w1, b1, fw, fb, ew1g, eb1, ew2, eb2, ew3, eb3,
          dw1, db1, dw2, db2, dw3, db3):
    def tile_idx(t, te, nv):
        return (jnp.minimum(t, NT - 1), 0)

    def exp_idx3(t, te, nv):
        return (te[0, jnp.minimum(t, NT - 1)], 0, 0)

    def dec_idx(t, te, nv):
        return (0, jnp.maximum(t - NT, 0))

    const2 = lambda t, te, nv: (0, 0)
    grid_spec = pltpu.PrefetchScalarGridSpec(
        num_scalar_prefetch=2,
        grid=(NT + NDEC,),
        in_specs=[
            pl.BlockSpec((T, WORDS), tile_idx),
            pl.BlockSpec((1, SHAPE, 256), exp_idx3),
            pl.BlockSpec((1, 1, 256), exp_idx3),
            pl.BlockSpec((1, 256, 256), exp_idx3),
            pl.BlockSpec((1, 1, 256), exp_idx3),
            pl.BlockSpec((8, 256), const2),
            pl.BlockSpec((1, 256), const2),
            pl.BlockSpec((256, 512), const2),
            pl.BlockSpec((1, 512), const2),
            pl.BlockSpec((512, LAT), const2),
            pl.BlockSpec((1, LAT), const2),
            pl.BlockSpec((LAT, LAT), const2),
            pl.BlockSpec((1, LAT), const2),
            pl.BlockSpec((LAT, LAT), const2),
            pl.BlockSpec((1, LAT), const2),
            pl.BlockSpec((LAT, DTILE), dec_idx),
            pl.BlockSpec((1, DTILE), dec_idx),
        ],
        out_specs=[
            pl.BlockSpec((B, LAT), const2),
            pl.BlockSpec((B, DTILE), dec_idx),
        ],
        scratch_shapes=[pltpu.VMEM((B, LAT), BF16)],
    )
    return pl.pallas_call(
        _main_body,
        grid_spec=grid_spec,
        out_shape=[
            jax.ShapeDtypeStruct((B, LAT), F32),
            jax.ShapeDtypeStruct((B, DEC_OUT), F32),
        ],
    )(te, nv, buf, w1, b1, fw, fb, ew1g, eb1, ew2, eb2, ew3, eb3,
      dw1, db1, dw2, db2, dw3, db3)


def kernel(x, cats, se_W1, se_b1, se_W2, se_b2,
           enc_W1, enc_b1, enc_W2, enc_b2, enc_W3, enc_b3,
           dec_W1, dec_b1, dec_W2, dec_b2, dec_W3, dec_b3):
    cats32 = cats.astype(jnp.int32).reshape(128, 128)
    xp = jnp.transpose(x, (1, 0, 2))
    dest, te, nv, xt3, fw, fb, ew1g = _prep(
        cats32, xp, se_W2, se_b2.reshape(E, 1, SHAPE), enc_W1)
    buf = _sc_scatter(xt3.reshape(NTOT, WORDS), dest)

    latent, d = _main(
        te, nv, buf,
        se_W1.astype(BF16), se_b1.reshape(E, 1, 256),
        fw, fb,
        ew1g, enc_b1.reshape(1, 256),
        enc_W2.astype(BF16), enc_b2.reshape(1, 512),
        enc_W3.astype(BF16), enc_b3.reshape(1, LAT),
        dec_W1.astype(BF16), dec_b1.reshape(1, LAT),
        dec_W2.astype(BF16), dec_b2.reshape(1, LAT),
        dec_W3, dec_b3.reshape(1, DEC_OUT),
    )
    return d.reshape(B, NPTS, GEO), latent

# --- scband reference (transcript-rebuilt; emitter-appended) ---
"""Pipeline reference for scband-point-net-ae-455266533582 (READ-ONLY COPY).

The authoritative reference and input builder live on the scoring server;
editing this copy changes nothing except your own understanding.
"""

import jax, jax.numpy as jnp
import numpy as np

# module-level constants (picked for the undefined globals in the torch source)
B = 8            # batch
NPTS = 2048      # n_pts
SHAPE = 128      # shape_size
GEO = 7          # point_size + 1 - shape_size  (point_size = 134)
CIN = GEO + SHAPE          # 135 input channels
SC_OUT = 128     # shape_code_encoder_output_size
SC_HID = 256     # shape_code_encoder_hidden_dims = [256]
E = 16           # num_categories (experts)
INTER = GEO + SC_OUT       # intermediate_size = 135
ENC_H1, ENC_H2 = 256, 512  # encoder_hidden_dims
LAT = 1024       # latent_size
DEC_H1, DEC_H2 = 1024, 1024  # decoder_hidden_dims
PSI = 6          # point_size_intermediate
MAXPTS = 2048    # max_num_points
DEC_OUT = (PSI + 1) * MAXPTS  # 14336


def setup_inputs(seed: int = 0) -> dict:
    key = jax.random.key(seed)
    ks = jax.random.split(key, 20)
    s = 0.02
    return {
        'x': jax.random.normal(ks[0], (B, CIN, NPTS), jnp.float32),
        'cats': jax.random.randint(ks[1], (B, NPTS), 0, E, dtype=jnp.int64),
        # per-category ShapeCodeEncoder params (stacked over experts)
        'se_W1': jax.random.normal(ks[2], (E, SHAPE, SC_HID), jnp.float32) * s,
        'se_b1': jnp.zeros((E, SC_HID), jnp.float32),
        'se_W2': jax.random.normal(ks[3], (E, SC_HID, SC_OUT), jnp.float32) * s,
        'se_b2': jnp.zeros((E, SC_OUT), jnp.float32),
        # PointNetEncoder 1x1-conv trunk (equivalent to per-point linears)
        'enc_W1': jax.random.normal(ks[4], (INTER, ENC_H1), jnp.float32) * s,
        'enc_b1': jnp.zeros((ENC_H1,), jnp.float32),
        'enc_W2': jax.random.normal(ks[5], (ENC_H1, ENC_H2), jnp.float32) * s,
        'enc_b2': jnp.zeros((ENC_H2,), jnp.float32),
        'enc_W3': jax.random.normal(ks[6], (ENC_H2, LAT), jnp.float32) * s,
        'enc_b3': jnp.zeros((LAT,), jnp.float32),
        # PointNetAE decoder main_module
        'dec_W1': jax.random.normal(ks[7], (LAT, DEC_H1), jnp.float32) * s,
        'dec_b1': jnp.zeros((DEC_H1,), jnp.float32),
        'dec_W2': jax.random.normal(ks[8], (DEC_H1, DEC_H2), jnp.float32) * s,
        'dec_b2': jnp.zeros((DEC_H2,), jnp.float32),
        'dec_W3': jax.random.normal(ks[9], (DEC_H2, DEC_OUT), jnp.float32) * s,
        'dec_b3': jnp.zeros((DEC_OUT,), jnp.float32),
    }


def reference(x, cats, se_W1, se_b1, se_W2, se_b2,
              enc_W1, enc_b1, enc_W2, enc_b2, enc_W3, enc_b3,
              dec_W1, dec_b1, dec_W2, dec_b2, dec_W3, dec_b3):
    b_size, _, n_pts = x.shape
    geo = x[:, :GEO, :]                                  # [B, 7, N]
    codes = jnp.transpose(x[:, -SHAPE:, :], (0, 2, 1))   # [B, N, SHAPE]
    # per-point expert (category) routed shape encoders:
    # compute every expert's MLP, then select by cats (same math as per-point dispatch)
    h = jnp.einsum('bnd,edh->benh', codes, se_W1) + se_b1[None, :, None, :]
    h = jax.nn.relu(h)
    out_all = jnp.einsum('benh,eho->beno', h, se_W2) + se_b2[None, :, None, :]  # [B,E,N,SC_OUT]
    onehot = jax.nn.one_hot(cats, E, dtype=x.dtype)       # [B, N, E]
    sel = jnp.einsum('beno,bne->bno', out_all, onehot)    # [B, N, SC_OUT]
    x_int = jnp.concatenate([geo, jnp.transpose(sel, (0, 2, 1))], axis=1)  # [B, INTER, N]
    # 1x1 Conv1d stack == per-point linear over channels
    t = jnp.transpose(x_int, (0, 2, 1))                   # [B, N, INTER]
    t = jax.nn.relu(t @ enc_W1 + enc_b1)
    t = jax.nn.relu(t @ enc_W2 + enc_b2)
    t = t @ enc_W3 + enc_b3                                # [B, N, LAT]
    latent = jnp.max(t, axis=1)                            # max over points -> [B, LAT]
    d = jax.nn.relu(latent @ dec_W1 + dec_b1)
    d = jax.nn.relu(d @ dec_W2 + dec_b2)
    d = d @ dec_W3 + dec_b3                                # [B, DEC_OUT]
    out = d.reshape(-1, MAXPTS, PSI + 1)                   # [B, max_num_points, PSI+1]
    return out, latent


if False:  # reference __main__ guard neutralized (emitter)
    o, lc = reference(**setup_inputs())
    print(o.shape, lc.shape)

if __name__ == "__main__":
    import jax
    _d = setup_inputs()
    print(jax.jit(kernel)(*tuple(_d.values())))

</pallas_src>

<mosaic_0001>
#map = affine_map<(d0, d1) -> (0, 0)>
module attributes {stable_mosaic.version = 14 : i64} {
  func.func @k(%arg0: i32, %arg1: i32, %arg2: memref<16384x128xi32, #tpu.memory_space<hbm>>, %arg3: memref<128x128xi32, #tpu.memory_space<hbm>>, %arg4: memref<24576x128xi32, #tpu.memory_space<hbm>>) attributes {dimension_semantics = [#tpu.dimension_semantics<core_parallel>, #tpu.dimension_semantics<subcore_parallel>], iteration_bounds = array<i64: 2, 16>, scalar_prefetch = 0 : i64, scratch_operands = 0 : i64, tpu.core_type = #tpu.core_type<sc_vector_subcore>, window_params = [{transform_indices = #map}, {transform_indices = #map}, {transform_indices = #map}]} {
    %mul3A = arith.constant 1 : i32
    %mul3A_0 = arith.muli %arg1, %mul3A : i32
    %add3A = arith.constant 0 : i32
    %add3A_1 = arith.addi %add3A, %mul3A_0 : i32
    %mul3A_2 = arith.constant 16 : i32
    %mul3A_3 = arith.muli %arg0, %mul3A_2 : i32
    %add3A_4 = arith.addi %add3A_1, %mul3A_3 : i32
    %mul3A_5 = arith.constant 4 : i32
    %mul3A_6 = arith.muli %add3A_4, %mul3A_5 : i32
    "tpu.region"() ({
      %run_scoped3A = memref.alloca() : memref<2x128x128xi32, #tpu.memory_space<vmem>>
      %run_scoped3A_7 = tpu.sem_alloc : memref<2x!tpu.dma_semaphore, #tpu.memory_space<semaphore_mem>>
      %run_scoped3A_8 = memref.alloca() : memref<2x1x128xi32, #tpu.memory_space<vmem>>
      %run_scoped3A_9 = tpu.sem_alloc : memref<2x!tpu.dma_semaphore, #tpu.memory_space<semaphore_mem>>
      %add3A_10 = arith.constant 0 : i32
      %add3A_11 = arith.addi %add3A_10, %mul3A_6 : i32
      %select_n3A = arith.constant true
      %select_n3A_12 = arith.constant 0 : i32
      %select_n3A_13 = arith.constant -1 : i32
      %select_n3A_14 = arith.select %select_n3A, %select_n3A_13, %select_n3A_12 : i32
      %eq3A = arith.constant -1 : i32
      %eq3A_15 = arith.cmpi eq, %select_n3A_14, %eq3A : i32
      %select_n3A_16 = arith.constant 3 : i32
      %select_n3A_17 = arith.select %eq3A_15, %select_n3A_16, %select_n3A_14 : i32
      %add3A_18 = arith.addi %select_n3A_17, %mul3A_6 : i32
      %select_n3A_19 = arith.constant true
      %select_n3A_20 = arith.constant 0 : i32
      %select_n3A_21 = arith.constant 1 : i32
      %select_n3A_22 = arith.select %select_n3A_19, %select_n3A_21, %select_n3A_20 : i32
      %eq3A_23 = arith.constant 4 : i32
      %eq3A_24 = arith.cmpi eq, %select_n3A_22, %eq3A_23 : i32
      %select_n3A_25 = arith.constant 0 : i32
      %select_n3A_26 = arith.select %eq3A_24, %select_n3A_25, %select_n3A_22 : i32
      %add3A_27 = arith.addi %select_n3A_26, %mul3A_6 : i32
      %add3A_28 = arith.constant 1 : i32
      %add3A_29 = arith.addi %select_n3A_26, %add3A_28 : i32
      %select_n3A_30 = arith.constant true
      %select_n3A_31 = arith.select %select_n3A_30, %add3A_29, %select_n3A_26 : i32
      %eq3A_32 = arith.constant 4 : i32
      %eq3A_33 = arith.cmpi eq, %select_n3A_31, %eq3A_32 : i32
      %select_n3A_34 = arith.constant 0 : i32
      %select_n3A_35 = arith.select %eq3A_33, %select_n3A_34, %select_n3A_31 : i32
      %add3A_36 = arith.addi %select_n3A_35, %mul3A_6 : i32
      "tpu.trace_start"() <{level = 10 : i32, message = "ep_initialize_0"}> : () -> ()
      %rem3A = arith.constant 0 : i32
      %rem3A_37 = arith.constant 2 : i32
      %rem3A_38 = arith.remui %rem3A, %rem3A_37 : i32
      %mul3A_39 = arith.constant 128 : i32
      %mul3A_40 = arith.muli %mul3A_39, %add3A_11 : i32
      %dma_start3A = arith.constant 0 : i32
      %dma_start3A_41 = arith.constant 0 : i32
      %dma_start3A_42 = tpu.memref_slice %run_scoped3A[%rem3A_38, %dma_start3A, %dma_start3A_41] : memref<2x128x128xi32, #tpu.memory_space<vmem>> -> memref<1x128x128xi32, #tpu.memory_space<vmem>>
      %dma_start3A_43 = tpu.memref_squeeze %dma_start3A_42 : memref<1x128x128xi32, #tpu.memory_space<vmem>> -> memref<128x128xi32, #tpu.memory_space<vmem>>
      %dma_start3A_44 = arith.constant 0 : i32
      %dma_start3A_45 = tpu.memref_slice %arg2[%mul3A_40, %dma_start3A_44] : memref<16384x128xi32, #tpu.memory_space<hbm>> -> memref<128x128xi32, #tpu.memory_space<hbm>>
      %dma_start3A_46 = tpu.memref_slice %run_scoped3A_7[%rem3A_38] : memref<2x!tpu.dma_semaphore, #tpu.memory_space<semaphore_mem>> -> memref<1x!tpu.dma_semaphore, #tpu.memory_space<semaphore_mem>>
      %dma_start3A_47 = tpu.memref_squeeze %dma_start3A_46 : memref<1x!tpu.dma_semaphore, #tpu.memory_space<semaphore_mem>> -> memref<!tpu.dma_semaphore, #tpu.memory_space<semaphore_mem>>
      %dma_start3A_48 = arith.constant 0 : i32
      %dma_start3A_49 = arith.constant 0 : i32
      %dma_start3A_50 = tpu.memref_slice %run_scoped3A[%rem3A_38, %dma_start3A_48, %dma_start3A_49] : memref<2x128x128xi32, #tpu.memory_space<vmem>> -> memref<1x128x128xi32, #tpu.memory_space<vmem>>
      %dma_start3A_51 = tpu.memref_squeeze %dma_start3A_50 : memref<1x128x128xi32, #tpu.memory_space<vmem>> -> memref<128x128xi32, #tpu.memory_space<vmem>>
      %dma_start3A_52 = arith.constant 0 : i32
      %dma_start3A_53 = tpu.memref_slice %arg2[%mul3A_40, %dma_start3A_52] : memref<16384x128xi32, #tpu.memory_space<hbm>> -> memref<128x128xi32, #tpu.memory_space<hbm>>
      tpu.enqueue_dma source(%dma_start3A_53 : memref<128x128xi32, #tpu.memory_space<hbm>>) target(%dma_start3A_51 : memref<128x128xi32, #tpu.memory_space<vmem>>) target_semaphore(%dma_start3A_47 : memref<!tpu.dma_semaphore, #tpu.memory_space<semaphore_mem>>)
      %add3A_54 = arith.constant 0 : i32
      %add3A_55 = arith.constant 1 : i32
      %add3A_56 = arith.addi %add3A_54, %add3A_55 : i32
      %select_n3A_57 = arith.constant true
      %select_n3A_58 = arith.constant 0 : i32
      %select_n3A_59 = arith.select %select_n3A_57, %add3A_56, %select_n3A_58 : i32
      %rem3A_60 = arith.constant 0 : i32
      %rem3A_61 = arith.constant 2 : i32
      %rem3A_62 = arith.remui %rem3A_60, %rem3A_61 : i32
      %mul3A_63 = arith.constant 1 : i32
      %mul3A_64 = arith.muli %mul3A_63, %add3A_11 : i32
      %dma_start3A_65 = arith.constant 0 : i32
      %dma_start3A_66 = arith.constant 0 : i32
      %dma_start3A_67 = tpu.memref_slice %run_scoped3A_8[%rem3A_62, %dma_start3A_65, %dma_start3A_66] : memref<2x1x128xi32, #tpu.memory_space<vmem>> -> memref<1x1x128xi32, #tpu.memory_space<vmem>>
      %dma_start3A_68 = tpu.memref_squeeze %dma_start3A_67 : memref<1x1x128xi32, #tpu.memory_space<vmem>> -> memref<1x128xi32, #tpu.memory_space<vmem>>
      %dma_start3A_69 = arith.constant 0 : i32
      %dma_start3A_70 = tpu.memref_slice %arg3[%mul3A_64, %dma_start3A_69] : memref<128x128xi32, #tpu.memory_space<hbm>> -> memref<1x128xi32, #tpu.memory_space<hbm>>
      %dma_start3A_71 = tpu.memref_slice %run_scoped3A_9[%rem3A_62] : memref<2x!tpu.dma_semaphore, #tpu.memory_space<semaphore_mem>> -> memref<1x!tpu.dma_semaphore, #tpu.memory_space<semaphore_mem>>
      %dma_start3A_72 = tpu.memref_squeeze %dma_start3A_71 : memref<1x!tpu.dma_semaphore, #tpu.memory_space<semaphore_mem>> -> memref<!tpu.dma_semaphore, #tpu.memory_space<semaphore_mem>>
      %dma_start3A_73 = arith.constant 0 : i32
      %dma_start3A_74 = arith.constant 0 : i32
      %dma_start3A_75 = tpu.memref_slice %run_scoped3A_8[%rem3A_62, %dma_start3A_73, %dma_start3A_74] : memref<2x1x128xi32, #tpu.memory_space<vmem>> -> memref<1x1x128xi32, #tpu.memory_space<vmem>>
      %dma_start3A_76 = tpu.memref_squeeze %dma_start3A_75 : memref<1x1x128xi32, #tpu.memory_space<vmem>> -> memref<1x128xi32, #tpu.memory_space<vmem>>
      %dma_start3A_77 = arith.constant 0 : i32
      %dma_start3A_78 = tpu.memref_slice %arg3[%mul3A_64, %dma_start3A_77] : memref<128x128xi32, #tpu.memory_space<hbm>> -> memref<1x128xi32, #tpu.memory_space<hbm>>
      tpu.enqueue_dma source(%dma_start3A_78 : memref<1x128xi32, #tpu.memory_space<hbm>>) target(%dma_start3A_76 : memref<1x128xi32, #tpu.memory_space<vmem>>) target_semaphore(%dma_start3A_72 : memref<!tpu.dma_semaphore, #tpu.memory_space<semaphore_mem>>)
      %add3A_79 = arith.constant 0 : i32
      %add3A_80 = arith.constant 1 : i32
      %add3A_81 = arith.addi %add3A_79, %add3A_80 : i32
      %select_n3A_82 = arith.constant true
      %select_n3A_83 = arith.constant 0 : i32
      %select_n3A_84 = arith.select %select_n3A_82, %add3A_81, %select_n3A_83 : i32
      "tpu.trace_stop"() : () -> ()
      %scan3A = arith.constant 0 : i32
      %scan3A_85 = arith.constant 0 : i32
      %scan3A_86 = arith.constant 0 : i32
      %scan3A_87 = arith.constant 0 : i32
      %scan3A_88 = arith.constant 4 : i32
      %scan3A_89 = arith.addi %scan3A_87, %scan3A_88 : i32
      %scan3A_90 = arith.constant 1 : i32
      %scan3A_91:5 = scf.for %scan3A_128 = %scan3A_87 to %scan3A_89 step %scan3A_90 iter_args(%scan3A_129 = %select_n3A_59, %scan3A_130 = %scan3A, %scan3A_131 = %select_n3A_84, %scan3A_132 = %scan3A_85, %scan3A_133 = %scan3A_86) -> (i32, i32, i32, i32, i32)  : i32 {
        %eq3A_134 = arith.constant 0 : i32
        %eq3A_135 = arith.cmpi eq, %scan3A_128, %eq3A_134 : i32
        %eq3A_136 = arith.constant 3 : i32
        %eq3A_137 = arith.cmpi eq, %scan3A_128, %eq3A_136 : i32
        %add3A_138 = arith.addi %scan3A_133, %mul3A_6 : i32
        %sub3A_139 = arith.constant 1 : i32
        %sub3A_140 = arith.subi %scan3A_133, %sub3A_139 : i32
        %select_n3A_141 = arith.constant true
        %select_n3A_142 = arith.select %select_n3A_141, %sub3A_140, %scan3A_133 : i32
        %eq3A_143 = arith.constant -1 : i32
        %eq3A_144 = arith.cmpi eq, %select_n3A_142, %eq3A_143 : i32
        %select_n3A_145 = arith.constant 3 : i32
        %select_n3A_146 = arith.select %eq3A_144, %select_n3A_145, %select_n3A_142 : i32
        %add3A_147 = arith.addi %select_n3A_146, %mul3A_6 : i32
        %add3A_148 = arith.constant 1 : i32
        %add3A_149 = arith.addi %scan3A_133, %add3A_148 : i32
        %select_n3A_150 = arith.constant true
        %select_n3A_151 = arith.select %select_n3A_150, %add3A_149, %scan3A_133 : i32
        %eq3A_152 = arith.constant 4 : i32
        %eq3A_153 = arith.cmpi eq, %select_n3A_151, %eq3A_152 : i32
        %select_n3A_154 = arith.constant 0 : i32
        %select_n3A_155 = arith.select %eq3A_153, %select_n3A_154, %select_n3A_151 : i32
        %add3A_156 = arith.addi %select_n3A_155, %mul3A_6 : i32
        %add3A_157 = arith.constant 1 : i32
        %add3A_158 = arith.addi %select_n3A_155, %add3A_157 : i32
        %select_n3A_159 = arith.constant true
        %select_n3A_160 = arith.select %select_n3A_159, %add3A_158, %select_n3A_155 : i32
        %eq3A_161 = arith.constant 4 : i32
        %eq3A_162 = arith.cmpi eq, %select_n3A_160, %eq3A_161 : i32
        %select_n3A_163 = arith.constant 0 : i32
        %select_n3A_164 = arith.select %eq3A_162, %select_n3A_163, %select_n3A_160 : i32
        %add3A_165 = arith.addi %select_n3A_164, %mul3A_6 : i32
        %ne3A = arith.cmpi ne, %add3A_138, %add3A_156 : i32
        %or3A = arith.constant false
        %or3A_166 = arith.ori %or3A, %ne3A : i1
        %or3A_167 = arith.constant false
        %or3A_168 = arith.ori %or3A_166, %or3A_167 : i1
        %ge3A = arith.constant 3 : i32
        %ge3A_169 = arith.cmpi sge, %scan3A_128, %ge3A : i32
        %not3A = arith.constant true
        %not3A_170 = arith.xori %ge3A_169, %not3A : i1
        %and3A = arith.andi %or3A_168, %not3A_170 : i1
        %convert_element_type3A = arith.extui %and3A : i1 to i32
        %cond3A = arith.constant 0 : i32
        %cond3A_171 = arith.cmpi ne, %convert_element_type3A, %cond3A : i32
        scf.if %cond3A_171 {
          "tpu.trace_start"() <{level = 10 : i32, message = "ep_copy_in"}> : () -> ()
          %rem3A_292 = arith.constant 2 : i32
          %rem3A_293 = arith.remui %scan3A_129, %rem3A_292 : i32
          %mul3A_294 = arith.constant 128 : i32
          %mul3A_295 = arith.muli %mul3A_294, %add3A_156 : i32
          %dma_start3A_296 = arith.constant 0 : i32
          %dma_start3A_297 = arith.constant 0 : i32
          %dma_start3A_298 = tpu.memref_slice %run_scoped3A[%rem3A_293, %dma_start3A_296, %dma_start3A_297] : memref<2x128x128xi32, #tpu.memory_space<vmem>> -> memref<1x128x128xi32, #tpu.memory_space<vmem>>
          %dma_start3A_299 = tpu.memref_squeeze %dma_start3A_298 : memref<1x128x128xi32, #tpu.memory_space<vmem>> -> memref<128x128xi32, #tpu.memory_space<vmem>>
          %dma_start3A_300 = arith.constant 0 : i32
          %dma_start3A_301 = tpu.memref_slice %arg2[%mul3A_295, %dma_start3A_300] : memref<16384x128xi32, #tpu.memory_space<hbm>> -> memref<128x128xi32, #tpu.memory_space<hbm>>
          %dma_start3A_302 = tpu.memref_slice %run_scoped3A_7[%rem3A_293] : memref<2x!tpu.dma_semaphore, #tpu.memory_space<semaphore_mem>> -> memref<1x!tpu.dma_semaphore, #tpu.memory_space<semaphore_mem>>
          %dma_start3A_303 = tpu.memref_squeeze %dma_start3A_302 : memref<1x!tpu.dma_semaphore, #tpu.memory_space<semaphore_mem>> -> memref<!tpu.dma_semaphore, #tpu.memory_space<semaphore_mem>>
          %dma_start3A_304 = arith.constant 0 : i32
          %dma_start3A_305 = arith.constant 0 : i32
          %dma_start3A_306 = tpu.memref_slice %run_scoped3A[%rem3A_293, %dma_start3A_304, %dma_start3A_305] : memref<2x128x128xi32, #tpu.memory_space<vmem>> -> memref<1x128x128xi32, #tpu.memory_space<vmem>>
          %dma_start3A_307 = tpu.memref_squeeze %dma_start3A_306 : memref<1x128x128xi32, #tpu.memory_space<vmem>> -> memref<128x128xi32, #tpu.memory_space<vmem>>
          %dma_start3A_308 = arith.constant 0 : i32
          %dma_start3A_309 = tpu.memref_slice %arg2[%mul3A_295, %dma_start3A_308] : memref<16384x128xi32, #tpu.memory_space<hbm>> -> memref<128x128xi32, #tpu.memory_space<hbm>>
          tpu.enqueue_dma source(%dma_start3A_309 : memref<128x128xi32, #tpu.memory_space<hbm>>) target(%dma_start3A_307 : memref<128x128xi32, #tpu.memory_space<vmem>>) target_semaphore(%dma_start3A_303 : memref<!tpu.dma_semaphore, #tpu.memory_space<semaphore_mem>>)
          "tpu.trace_stop"() : () -> ()
        } else {
        }
        %and3A_172 = arith.constant true
        %and3A_173 = arith.andi %and3A, %and3A_172 : i1
        %add3A_174 = arith.constant 1 : i32
        %add3A_175 = arith.addi %scan3A_129, %add3A_174 : i32
        %select_n3A_176 = arith.select %and3A_173, %add3A_175, %scan3A_129 : i32
        %ne3A_177 = arith.cmpi ne, %add3A_138, %add3A_156 : i32
        %or3A_178 = arith.constant false
        %or3A_179 = arith.ori %or3A_178, %ne3A_177 : i1
        %or3A_180 = arith.constant false
        %or3A_181 = arith.ori %or3A_179, %or3A_180 : i1
        %ge3A_182 = arith.constant 3 : i32
        %ge3A_183 = arith.cmpi sge, %scan3A_128, %ge3A_182 : i32
        %not3A_184 = arith.constant true
        %not3A_185 = arith.xori %ge3A_183, %not3A_184 : i1
        %and3A_186 = arith.andi %or3A_181, %not3A_185 : i1
        %convert_element_type3A_187 = arith.extui %and3A_186 : i1 to i32
        %cond3A_188 = arith.constant 0 : i32
        %cond3A_189 = arith.cmpi ne, %convert_element_type3A_187, %cond3A_188 : i32
        scf.if %cond3A_189 {
          "tpu.trace_start"() <{level = 10 : i32, message = "ep_copy_in"}> : () -> ()
          %rem3A_292 = arith.constant 2 : i32
          %rem3A_293 = arith.remui %scan3A_131, %rem3A_292 : i32
          %mul3A_294 = arith.constant 1 : i32
          %mul3A_295 = arith.muli %mul3A_294, %add3A_156 : i32
          %dma_start3A_296 = arith.constant 0 : i32
          %dma_start3A_297 = arith.constant 0 : i32
          %dma_start3A_298 = tpu.memref_slice %run_scoped3A_8[%rem3A_293, %dma_start3A_296, %dma_start3A_297] : memref<2x1x128xi32, #tpu.memory_space<vmem>> -> memref<1x1x128xi32, #tpu.memory_space<vmem>>
          %dma_start3A_299 = tpu.memref_squeeze %dma_start3A_298 : memref<1x1x128xi32, #tpu.memory_space<vmem>> -> memref<1x128xi32, #tpu.memory_space<vmem>>
          %dma_start3A_300 = arith.constant 0 : i32
          %dma_start3A_301 = tpu.memref_slice %arg3[%mul3A_295, %dma_start3A_300] : memref<128x128xi32, #tpu.memory_space<hbm>> -> memref<1x128xi32, #tpu.memory_space<hbm>>
          %dma_start3A_302 = tpu.memref_slice %run_scoped3A_9[%rem3A_293] : memref<2x!tpu.dma_semaphore, #tpu.memory_space<semaphore_mem>> -> memref<1x!tpu.dma_semaphore, #tpu.memory_space<semaphore_mem>>
          %dma_start3A_303 = tpu.memref_squeeze %dma_start3A_302 : memref<1x!tpu.dma_semaphore, #tpu.memory_space<semaphore_mem>> -> memref<!tpu.dma_semaphore, #tpu.memory_space<semaphore_mem>>
          %dma_start3A_304 = arith.constant 0 : i32
          %dma_start3A_305 = arith.constant 0 : i32
          %dma_start3A_306 = tpu.memref_slice %run_scoped3A_8[%rem3A_293, %dma_start3A_304, %dma_start3A_305] : memref<2x1x128xi32, #tpu.memory_space<vmem>> -> memref<1x1x128xi32, #tpu.memory_space<vmem>>
          %dma_start3A_307 = tpu.memref_squeeze %dma_start3A_306 : memref<1x1x128xi32, #tpu.memory_space<vmem>> -> memref<1x128xi32, #tpu.memory_space<vmem>>
          %dma_start3A_308 = arith.constant 0 : i32
          %dma_start3A_309 = tpu.memref_slice %arg3[%mul3A_295, %dma_start3A_308] : memref<128x128xi32, #tpu.memory_space<hbm>> -> memref<1x128xi32, #tpu.memory_space<hbm>>
          tpu.enqueue_dma source(%dma_start3A_309 : memref<1x128xi32, #tpu.memory_space<hbm>>) target(%dma_start3A_307 : memref<1x128xi32, #tpu.memory_space<vmem>>) target_semaphore(%dma_start3A_303 : memref<!tpu.dma_semaphore, #tpu.memory_space<semaphore_mem>>)
          "tpu.trace_stop"() : () -> ()
        } else {
        }
        %and3A_190 = arith.constant true
        %and3A_191 = arith.andi %and3A_186, %and3A_190 : i1
        %add3A_192 = arith.constant 1 : i32
        %add3A_193 = arith.addi %scan3A_131, %add3A_192 : i32
        %select_n3A_194 = arith.select %and3A_191, %add3A_193, %scan3A_131 : i32
        %ne3A_195 = arith.cmpi ne, %add3A_138, %add3A_147 : i32
        %or3A_196 = arith.constant false
        %or3A_197 = arith.ori %or3A_196, %ne3A_195 : i1
        %or3A_198 = arith.constant false
        %or3A_199 = arith.ori %or3A_197, %or3A_198 : i1
        %or3A_200 = arith.ori %or3A_199, %eq3A_135 : i1
        %convert_element_type3A_201 = arith.extui %or3A_200 : i1 to i32
        %cond3A_202 = arith.constant 0 : i32
        %cond3A_203 = arith.cmpi ne, %convert_element_type3A_201, %cond3A_202 : i32
        scf.if %cond3A_203 {
          "tpu.trace_start"() <{level = 10 : i32, message = "ep_wait_in"}> : () -> ()
          %mul3A_292 = arith.constant 128 : i32
          %mul3A_293 = arith.muli %mul3A_292, %add3A_138 : i32
          %rem3A_294 = arith.constant 2 : i32
          %rem3A_295 = arith.remui %scan3A_130, %rem3A_294 : i32
          %dma_wait3A = arith.constant 0 : i32
          %dma_wait3A_296 = arith.constant 0 : i32
          %dma_wait3A_297 = tpu.memref_slice %run_scoped3A[%rem3A_295, %dma_wait3A, %dma_wait3A_296] : memref<2x128x128xi32, #tpu.memory_space<vmem>> -> memref<1x128x128xi32, #tpu.memory_space<vmem>>
          %dma_wait3A_298 = tpu.memref_squeeze %dma_wait3A_297 : memref<1x128x128xi32, #tpu.memory_space<vmem>> -> memref<128x128xi32, #tpu.memory_space<vmem>>
          %dma_wait3A_299 = arith.constant 0 : i32
          %dma_wait3A_300 = tpu.memref_slice %arg2[%mul3A_293, %dma_wait3A_299] : memref<16384x128xi32, #tpu.memory_space<hbm>> -> memref<128x128xi32, #tpu.memory_space<hbm>>
          %dma_wait3A_301 = tpu.memref_slice %run_scoped3A_7[%rem3A_295] : memref<2x!tpu.dma_semaphore, #tpu.memory_space<semaphore_mem>> -> memref<1x!tpu.dma_semaphore, #tpu.memory_space<semaphore_mem>>
          %dma_wait3A_302 = tpu.memref_squeeze %dma_wait3A_301 : memref<1x!tpu.dma_semaphore, #tpu.memory_space<semaphore_mem>> -> memref<!tpu.dma_semaphore, #tpu.memory_space<semaphore_mem>>
          %dma_wait3A_303 = arith.constant 0 : i32
          %dma_wait3A_304 = arith.constant 0 : i32
          %dma_wait3A_305 = tpu.memref_slice %run_scoped3A[%rem3A_295, %dma_wait3A_303, %dma_wait3A_304] : memref<2x128x128xi32, #tpu.memory_space<vmem>> -> memref<1x128x128xi32, #tpu.memory_space<vmem>>
          %dma_wait3A_306 = tpu.memref_squeeze %dma_wait3A_305 : memref<1x128x128xi32, #tpu.memory_space<vmem>> -> memref<128x128xi32, #tpu.memory_space<vmem>>
          %dma_wait3A_307 = arith.constant 0 : i32
          %dma_wait3A_308 = tpu.memref_slice %arg2[%mul3A_293, %dma_wait3A_307] : memref<16384x128xi32, #tpu.memory_space<hbm>> -> memref<128x128xi32, #tpu.memory_space<hbm>>
          tpu.wait_dma2 semaphore(%dma_wait3A_302 : memref<!tpu.dma_semaphore, #tpu.memory_space<semaphore_mem>>) src(%dma_wait3A_308 : memref<128x128xi32, #tpu.memory_space<hbm>>) dst(%dma_wait3A_306 : memref<128x128xi32, #tpu.memory_space<vmem>>)
          "tpu.trace_stop"() : () -> ()
        } else {
        }
        %ne3A_204 = arith.cmpi ne, %add3A_138, %add3A_147 : i32
        %or3A_205 = arith.constant false
        %or3A_206 = arith.ori %or3A_205, %ne3A_204 : i1
        %or3A_207 = arith.constant false
        %or3A_208 = arith.ori %or3A_206, %or3A_207 : i1
        %or3A_209 = arith.ori %or3A_208, %eq3A_135 : i1
        %convert_element_type3A_210 = arith.extui %or3A_209 : i1 to i32
        %cond3A_211 = arith.constant 0 : i32
        %cond3A_212 = arith.cmpi ne, %convert_element_type3A_210, %cond3A_211 : i32
        scf.if %cond3A_212 {
          "tpu.trace_start"() <{level = 10 : i32, message = "ep_wait_in"}> : () -> ()
          %mul3A_292 = arith.constant 1 : i32
          %mul3A_293 = arith.muli %mul3A_292, %add3A_138 : i32
          %rem3A_294 = arith.constant 2 : i32
          %rem3A_295 = arith.remui %scan3A_132, %rem3A_294 : i32
          %dma_wait3A = arith.constant 0 : i32
          %dma_wait3A_296 = arith.constant 0 : i32
          %dma_wait3A_297 = tpu.memref_slice %run_scoped3A_8[%rem3A_295, %dma_wait3A, %dma_wait3A_296] : memref<2x1x128xi32, #tpu.memory_space<vmem>> -> memref<1x1x128xi32, #tpu.memory_space<vmem>>
          %dma_wait3A_298 = tpu.memref_squeeze %dma_wait3A_297 : memref<1x1x128xi32, #tpu.memory_space<vmem>> -> memref<1x128xi32, #tpu.memory_space<vmem>>
          %dma_wait3A_299 = arith.constant 0 : i32
          %dma_wait3A_300 = tpu.memref_slice %arg3[%mul3A_293, %dma_wait3A_299] : memref<128x128xi32, #tpu.memory_space<hbm>> -> memref<1x128xi32, #tpu.memory_space<hbm>>
          %dma_wait3A_301 = tpu.memref_slice %run_scoped3A_9[%rem3A_295] : memref<2x!tpu.dma_semaphore, #tpu.memory_space<semaphore_mem>> -> memref<1x!tpu.dma_semaphore, #tpu.memory_space<semaphore_mem>>
          %dma_wait3A_302 = tpu.memref_squeeze %dma_wait3A_301 : memref<1x!tpu.dma_semaphore, #tpu.memory_space<semaphore_mem>> -> memref<!tpu.dma_semaphore, #tpu.memory_space<semaphore_mem>>
          %dma_wait3A_303 = arith.constant 0 : i32
          %dma_wait3A_304 = arith.constant 0 : i32
          %dma_wait3A_305 = tpu.memref_slice %run_scoped3A_8[%rem3A_295, %dma_wait3A_303, %dma_wait3A_304] : memref<2x1x128xi32, #tpu.memory_space<vmem>> -> memref<1x1x128xi32, #tpu.memory_space<vmem>>
          %dma_wait3A_306 = tpu.memref_squeeze %dma_wait3A_305 : memref<1x1x128xi32, #tpu.memory_space<vmem>> -> memref<1x128xi32, #tpu.memory_space<vmem>>
          %dma_wait3A_307 = arith.constant 0 : i32
          %dma_wait3A_308 = tpu.memref_slice %arg3[%mul3A_293, %dma_wait3A_307] : memref<128x128xi32, #tpu.memory_space<hbm>> -> memref<1x128xi32, #tpu.memory_space<hbm>>
          tpu.wait_dma2 semaphore(%dma_wait3A_302 : memref<!tpu.dma_semaphore, #tpu.memory_space<semaphore_mem>>) src(%dma_wait3A_308 : memref<1x128xi32, #tpu.memory_space<hbm>>) dst(%dma_wait3A_306 : memref<1x128xi32, #tpu.memory_space<vmem>>)
          "tpu.trace_stop"() : () -> ()
        } else {
        }
        %rem3A_213 = arith.constant 2 : i32
        %rem3A_214 = arith.remui %scan3A_130, %rem3A_213 : i32
        %rem3A_215 = arith.constant 2 : i32
        %rem3A_216 = arith.remui %scan3A_132, %rem3A_215 : i32
        %run_scoped3A_217 = arith.constant 0 : i32
        "tpu.trace_start"() <{level = 10 : i32, message = "ep_run_kernel"}> : () -> ()
        "tpu.region"() ({
          %run_scoped3A_292 = tpu.sem_alloc : memref<!tpu.dma_semaphore, #tpu.memory_space<semaphore_mem>>
          %dma_start3A_293 = arith.constant 0 : i32
          %dma_start3A_294 = arith.constant 0 : i32
          %dma_start3A_295 = tpu.memref_slice %run_scoped3A[%rem3A_214, %dma_start3A_293, %dma_start3A_294] : memref<2x128x128xi32, #tpu.memory_space<vmem>> -> memref<1x128x128xi32, #tpu.memory_space<vmem>>
          %dma_start3A_296 = tpu.memref_squeeze %dma_start3A_295 : memref<1x128x128xi32, #tpu.memory_space<vmem>> -> memref<128x128xi32, #tpu.memory_space<vmem>>
          %dma_start3A_297 = arith.constant 0 : i32
          %dma_start3A_298 = arith.constant 0 : i32
          %dma_start3A_299 = tpu.memref_slice %run_scoped3A_8[%rem3A_216, %dma_start3A_297, %dma_start3A_298] : memref<2x1x128xi32, #tpu.memory_space<vmem>> -> memref<1x1x128xi32, #tpu.memory_space<vmem>>
          %dma_start3A_300 = tpu.memref_squeeze %dma_start3A_299 : memref<1x1x128xi32, #tpu.memory_space<vmem>> -> memref<1x128xi32, #tpu.memory_space<vmem>>
          %dma_start3A_301 = arith.constant 0 : i32
          %dma_start3A_302 = tpu.memref_slice %dma_start3A_300[%run_scoped3A_217, %dma_start3A_301] : memref<1x128xi32, #tpu.memory_space<vmem>> -> memref<1x128xi32, #tpu.memory_space<vmem>>
          %dma_start3A_303 = tpu.memref_squeeze %dma_start3A_302 : memref<1x128xi32, #tpu.memory_space<vmem>> -> memref<128xi32, #tpu.memory_space<vmem>>
          %dma_start3A_304 = arith.constant 0 : i32
          %dma_start3A_305 = arith.constant 0 : i32
          %dma_start3A_306 = tpu.memref_slice %arg4[%dma_start3A_304, %dma_start3A_305] : memref<24576x128xi32, #tpu.memory_space<hbm>> -> memref<24576x128xi32, #tpu.memory_space<hbm>>
          tpu.enqueue_indirect_dma source(%dma_start3A_296 : memref<128x128xi32, #tpu.memory_space<vmem>>) target(%dma_start3A_306 : memref<24576x128xi32, #tpu.memory_space<hbm>>) offsets(%dma_start3A_303 : memref<128xi32, #tpu.memory_space<vmem>>) semaphore(%run_scoped3A_292 : memref<!tpu.dma_semaphore, #tpu.memory_space<semaphore_mem>>)
          %dma_wait3A = arith.constant 0 : i32
          %dma_wait3A_307 = arith.constant 0 : i32
          %dma_wait3A_308 = tpu.memref_slice %run_scoped3A[%rem3A_214, %dma_wait3A, %dma_wait3A_307] : memref<2x128x128xi32, #tpu.memory_space<vmem>> -> memref<1x128x128xi32, #tpu.memory_space<vmem>>
          %dma_wait3A_309 = tpu.memref_squeeze %dma_wait3A_308 : memref<1x128x128xi32, #tpu.memory_space<vmem>> -> memref<128x128xi32, #tpu.memory_space<vmem>>
          %dma_wait3A_310 = arith.constant 0 : i32
          %dma_wait3A_311 = arith.constant 0 : i32
          %dma_wait3A_312 = tpu.memref_slice %run_scoped3A_8[%rem3A_216, %dma_wait3A_310, %dma_wait3A_311] : memref<2x1x128xi32, #tpu.memory_space<vmem>> -> memref<1x1x128xi32, #tpu.memory_space<vmem>>
          %dma_wait3A_313 = tpu.memref_squeeze %dma_wait3A_312 : memref<1x1x128xi32, #tpu.memory_space<vmem>> -> memref<1x128xi32, #tpu.memory_space<vmem>>
          %dma_wait3A_314 = arith.constant 0 : i32
          %dma_wait3A_315 = tpu.memref_slice %dma_wait3A_313[%run_scoped3A_217, %dma_wait3A_314] : memref<1x128xi32, #tpu.memory_space<vmem>> -> memref<1x128xi32, #tpu.memory_space<vmem>>
          %dma_wait3A_316 = tpu.memref_squeeze %dma_wait3A_315 : memref<1x128xi32, #tpu.memory_space<vmem>> -> memref<128xi32, #tpu.memory_space<vmem>>
          %dma_wait3A_317 = arith.constant 0 : i32
          %dma_wait3A_318 = arith.constant 0 : i32
          %dma_wait3A_319 = tpu.memref_slice %arg4[%dma_wait3A_317, %dma_wait3A_318] : memref<24576x128xi32, #tpu.memory_space<hbm>> -> memref<24576x128xi32, #tpu.memory_space<hbm>>
          tpu.wait_indirect_dma semaphore(%run_scoped3A_292 : memref<!tpu.dma_semaphore, #tpu.memory_space<semaphore_mem>>) src(%dma_wait3A_309 : memref<128x128xi32, #tpu.memory_space<vmem>>) dst(%dma_wait3A_319 : memref<24576x128xi32, #tpu.memory_space<hbm>>)
          tpu.yield
        }) : () -> ()
        "tpu.trace_stop"() : () -> ()
        %ne3A_218 = arith.cmpi ne, %add3A_138, %add3A_156 : i32
        %or3A_219 = arith.constant false
        %or3A_220 = arith.ori %or3A_219, %ne3A_218 : i1
        %or3A_221 = arith.constant false
        %or3A_222 = arith.ori %or3A_220, %or3A_221 : i1
        %or3A_223 = arith.ori %or3A_222, %eq3A_137 : i1
        %convert_element_type3A_224 = arith.extui %or3A_223 : i1 to i32
        %cond3A_225 = arith.constant 0 : i32
        %cond3A_226 = arith.cmpi ne, %convert_element_type3A_224, %cond3A_225 : i32
        scf.if %cond3A_226 {
        } else {
        }
        %and3A_227 = arith.constant false
        %and3A_228 = arith.andi %or3A_223, %and3A_227 : i1
        %ne3A_229 = arith.cmpi ne, %add3A_138, %add3A_156 : i32
        %or3A_230 = arith.constant false
        %or3A_231 = arith.ori %or3A_230, %ne3A_229 : i1
        %or3A_232 = arith.constant false
        %or3A_233 = arith.ori %or3A_231, %or3A_232 : i1
        %or3A_234 = arith.ori %or3A_233, %eq3A_137 : i1
        %convert_element_type3A_235 = arith.extui %or3A_234 : i1 to i32
        %cond3A_236 = arith.constant 0 : i32
        %cond3A_237 = arith.cmpi ne, %convert_element_type3A_235, %cond3A_236 : i32
        scf.if %cond3A_237 {
        } else {
        }
        %and3A_238 = arith.constant false
        %and3A_239 = arith.andi %or3A_234, %and3A_238 : i1
        %ne3A_240 = arith.cmpi ne, %add3A_138, %add3A_147 : i32
        %or3A_241 = arith.constant false
        %or3A_242 = arith.ori %or3A_241, %ne3A_240 : i1
        %or3A_243 = arith.constant false
        %or3A_244 = arith.ori %or3A_242, %or3A_243 : i1
        %not3A_245 = arith.constant true
        %not3A_246 = arith.xori %eq3A_135, %not3A_245 : i1
        %and3A_247 = arith.andi %or3A_244, %not3A_246 : i1
        %convert_element_type3A_248 = arith.extui %and3A_247 : i1 to i32
        %cond3A_249 = arith.constant 0 : i32
        %cond3A_250 = arith.cmpi ne, %convert_element_type3A_248, %cond3A_249 : i32
        scf.if %cond3A_250 {
        } else {
        }
        %and3A_251 = arith.constant false
        %and3A_252 = arith.andi %and3A_247, %and3A_251 : i1
        %ne3A_253 = arith.cmpi ne, %add3A_138, %add3A_147 : i32
        %or3A_254 = arith.constant false
        %or3A_255 = arith.ori %or3A_254, %ne3A_253 : i1
        %or3A_256 = arith.constant false
        %or3A_257 = arith.ori %or3A_255, %or3A_256 : i1
        %not3A_258 = arith.constant true
        %not3A_259 = arith.xori %eq3A_135, %not3A_258 : i1
        %and3A_260 = arith.andi %or3A_257, %not3A_259 : i1
        %convert_element_type3A_261 = arith.extui %and3A_260 : i1 to i32
        %cond3A_262 = arith.constant 0 : i32
        %cond3A_263 = arith.cmpi ne, %convert_element_type3A_261, %cond3A_262 : i32
        scf.if %cond3A_263 {
        } else {
        }
        %and3A_264 = arith.constant false
        %and3A_265 = arith.andi %and3A_260, %and3A_264 : i1
        %ne3A_266 = arith.cmpi ne, %add3A_138, %add3A_156 : i32
        %or3A_267 = arith.constant false
        %or3A_268 = arith.ori %or3A_267, %ne3A_266 : i1
        %or3A_269 = arith.constant false
        %or3A_270 = arith.ori %or3A_268, %or3A_269 : i1
        %or3A_271 = arith.ori %or3A_270, %eq3A_137 : i1
        %add3A_272 = arith.constant 1 : i32
        %add3A_273 = arith.addi %scan3A_130, %add3A_272 : i32
        %select_n3A_274 = arith.select %or3A_271, %add3A_273, %scan3A_130 : i32
        %ne3A_275 = arith.cmpi ne, %add3A_138, %add3A_156 : i32
        %or3A_276 = arith.constant false
        %or3A_277 = arith.ori %or3A_276, %ne3A_275 : i1
        %or3A_278 = arith.constant false
        %or3A_279 = arith.ori %or3A_277, %or3A_278 : i1
        %or3A_280 = arith.ori %or3A_279, %eq3A_137 : i1
        %add3A_281 = arith.constant 1 : i32
        %add3A_282 = arith.addi %scan3A_132, %add3A_281 : i32
        %select_n3A_283 = arith.select %or3A_280, %add3A_282, %scan3A_132 : i32
        %add3A_284 = arith.constant 1 : i32
        %add3A_285 = arith.addi %scan3A_133, %add3A_284 : i32
        %select_n3A_286 = arith.constant true
        %select_n3A_287 = arith.select %select_n3A_286, %add3A_285, %scan3A_133 : i32
        %eq3A_288 = arith.constant 4 : i32
        %eq3A_289 = arith.cmpi eq, %select_n3A_287, %eq3A_288 : i32
        %select_n3A_290 = arith.constant 0 : i32
        %select_n3A_291 = arith.select %eq3A_289, %select_n3A_290, %select_n3A_287 : i32
        scf.yield %select_n3A_176, %select_n3A_274, %select_n3A_194, %select_n3A_283, %select_n3A_291 : i32, i32, i32, i32, i32
      }
      %scan3A_92 = arith.constant 4 : i32
      %sub3A = arith.constant 1 : i32
      %sub3A_93 = arith.subi %scan3A_91#4, %sub3A : i32
      %select_n3A_94 = arith.constant true
      %select_n3A_95 = arith.select %select_n3A_94, %sub3A_93, %scan3A_91#4 : i32
      %eq3A_96 = arith.constant -1 : i32
      %eq3A_97 = arith.cmpi eq, %select_n3A_95, %eq3A_96 : i32
      %select_n3A_98 = arith.constant 3 : i32
      %select_n3A_99 = arith.select %eq3A_97, %select_n3A_98, %select_n3A_95 : i32
      %add3A_100 = arith.addi %select_n3A_99, %mul3A_6 : i32
      %sub3A_101 = arith.constant 1 : i32
      %sub3A_102 = arith.subi %select_n3A_99, %sub3A_101 : i32
      %select_n3A_103 = arith.constant true
      %select_n3A_104 = arith.select %select_n3A_103, %sub3A_102, %select_n3A_99 : i32
      %eq3A_105 = arith.constant -1 : i32
      %eq3A_106 = arith.cmpi eq, %select_n3A_104, %eq3A_105 : i32
      %select_n3A_107 = arith.constant 3 : i32
      %select_n3A_108 = arith.select %eq3A_106, %select_n3A_107, %select_n3A_104 : i32
      %add3A_109 = arith.addi %select_n3A_108, %mul3A_6 : i32
      %add3A_110 = arith.constant 1 : i32
      %add3A_111 = arith.addi %select_n3A_99, %add3A_110 : i32
      %select_n3A_112 = arith.constant true
      %select_n3A_113 = arith.select %select_n3A_112, %add3A_111, %select_n3A_99 : i32
      %eq3A_114 = arith.constant 4 : i32
      %eq3A_115 = arith.cmpi eq, %select_n3A_113, %eq3A_114 : i32
      %select_n3A_116 = arith.constant 0 : i32
      %select_n3A_117 = arith.select %eq3A_115, %select_n3A_116, %select_n3A_113 : i32
      %add3A_118 = arith.addi %select_n3A_117, %mul3A_6 : i32
      %add3A_119 = arith.constant 1 : i32
      %add3A_120 = arith.addi %select_n3A_117, %add3A_119 : i32
      %select_n3A_121 = arith.constant true
      %select_n3A_122 = arith.select %select_n3A_121, %add3A_120, %select_n3A_117 : i32
      %eq3A_123 = arith.constant 4 : i32
      %eq3A_124 = arith.cmpi eq, %select_n3A_122, %eq3A_123 : i32
      %select_n3A_125 = arith.constant 0 : i32
      %select_n3A_126 = arith.select %eq3A_124, %select_n3A_125, %select_n3A_122 : i32
      %add3A_127 = arith.addi %select_n3A_126, %mul3A_6 : i32
      tpu.yield
    }) : () -> ()
    return
  }
}

module attributes {stable_mosaic.version = 14 : i64} {
  func.func @_prep_body(%arg0: i32, %arg1: memref<128x128xi32, #tpu.memory_space<vmem>>, %arg2: memref<135x8x256xf32, #tpu.memory_space<vmem>>, %arg3: memref<16x256x128xf32, #tpu.memory_space<vmem>>, %arg4: memref<16x1x128xf32, #tpu.memory_space<vmem>>, %arg5: memref<135x256xf32, #tpu.memory_space<vmem>>, %arg6: memref<128x128xi32, #tpu.memory_space<vmem>>, %arg7: memref<1x48xi32, #tpu.memory_space<vmem>>, %arg8: memref<1x48xi32, #tpu.memory_space<vmem>>, %arg9: memref<8x256x128xi32, #tpu.memory_space<vmem>>, %arg10: memref<16x256x256xbf16, #tpu.memory_space<vmem>>, %arg11: memref<16x1x256xf32, #tpu.memory_space<vmem>>, %arg12: memref<8x256xbf16, #tpu.memory_space<vmem>>) attributes {dimension_semantics = [#tpu.dimension_semantics<arbitrary>], iteration_bounds = array<i64: 9>, scalar_prefetch = 0 : i64, scratch_operands = 0 : i64, tpu.core_type = #tpu.core_type<tc>, window_params = [{pipeline_mode = #tpu.pipeline_mode<synchronous>, transform_indices = @transform_0, window_bounds = array<i64: 128, 128>}, {transform_indices = @transform_1, window_bounds = array<i64: 135, 8, 256>}, {pipeline_mode = #tpu.pipeline_mode<synchronous>, transform_indices = @transform_2, window_bounds = array<i64: 16, 256, 128>}, {pipeline_mode = #tpu.pipeline_mode<synchronous>, transform_indices = @transform_3, window_bounds = array<i64: 16, 1, 128>}, {pipeline_mode = #tpu.pipeline_mode<synchronous>, transform_indices = @transform_4, window_bounds = array<i64: 135, 256>}, {pipeline_mode = #tpu.pipeline_mode<synchronous>, transform_indices = @transform_5, window_bounds = array<i64: 128, 128>}, {pipeline_mode = #tpu.pipeline_mode<synchronous>, transform_indices = @transform_6, window_bounds = array<i64: 1, 48>}, {pipeline_mode = #tpu.pipeline_mode<synchronous>, transform_indices = @transform_7, window_bounds = array<i64: 1, 48>}, {transform_indices = @transform_8, window_bounds = array<i64: 8, 256, 128>}, {pipeline_mode = #tpu.pipeline_mode<synchronous>, transform_indices = @transform_9, window_bounds = array<i64: 16, 256, 256>}, {pipeline_mode = #tpu.pipeline_mode<synchronous>, transform_indices = @transform_10, window_bounds = array<i64: 16, 1, 256>}, {pipeline_mode = #tpu.pipeline_mode<synchronous>, transform_indices = @transform_11, window_bounds = array<i64: 8, 256>}]} {
    %eq3A = arith.constant 0 : i32
    %eq3A_0 = arith.cmpi eq, %arg0, %eq3A : i32
    %convert_element_type3A = arith.extui %eq3A_0 : i1 to i32
    %cond3A = arith.constant 0 : i32
    %cond3A_1 = arith.cmpi ne, %convert_element_type3A, %cond3A : i32
    scf.if %cond3A_1 {
      %get3A = arith.constant 0 : index
      %get3A_6 = arith.constant 0 : index
      %get3A_7 = vector.load %arg1[%get3A, %get3A_6] : memref<128x128xi32, #tpu.memory_space<vmem>>, vector<128x128xi32>
      %iota3A = tpu.iota {dimensions = array<i32: 0>} : vector<128x128xi32>
      %iota3A_8 = tpu.iota {dimensions = array<i32: 1>} : vector<128x128xi32>
      %le3A = arith.cmpi sle, %iota3A, %iota3A_8 : vector<128x128xi32>
      %convert_element_type3A_9 = arith.extui %le3A : vector<128x128xi1> to vector<128x128xi32>
      %convert_element_type3A_10 = arith.sitofp %convert_element_type3A_9 : vector<128x128xi32> to vector<128x128xf32>
      %convert_element_type3A_11 = arith.truncf %convert_element_type3A_10 : vector<128x128xf32> to vector<128x128xbf16>
      %lt3A = arith.cmpi slt, %iota3A_8, %iota3A : vector<128x128xi32>
      %convert_element_type3A_12 = arith.extui %lt3A : vector<128x128xi1> to vector<128x128xi32>
      %convert_element_type3A_13 = arith.sitofp %convert_element_type3A_12 : vector<128x128xi32> to vector<128x128xf32>
      %convert_element_type3A_14 = arith.truncf %convert_element_type3A_13 : vector<128x128xf32> to vector<128x128xbf16>
      %eq3A_15 = arith.constant 0 : i32
      %eq3A_16 = vector.broadcast %eq3A_15 : i32 to vector<128x128xi32>
      %eq3A_17 = arith.cmpi eq, %get3A_7, %eq3A_16 : vector<128x128xi32>
      %convert_element_type3A_18 = arith.extui %eq3A_17 : vector<128x128xi1> to vector<128x128xi32>
      %convert_element_type3A_19 = arith.sitofp %convert_element_type3A_18 : vector<128x128xi32> to vector<128x128xf32>
      %reduce_sum3A = vector.shape_cast %convert_element_type3A_19 : vector<128x128xf32> to vector<1x128x128xf32>
      %reduce_sum3A_20 = arith.constant dense<0.000000e+00> : vector<1xf32>
      %reduce_sum3A_21 = vector.multi_reduction <add>, %reduce_sum3A, %reduce_sum3A_20 [1, 2] : vector<1x128x128xf32> to vector<1xf32>
      %reduce_sum3A_22 = vector.shape_cast %reduce_sum3A_21 : vector<1xf32> to vector<1x1x1xf32>
      %reduce_sum3A_23 = vector.extract %reduce_sum3A_22[0, 0, 0] : f32 from vector<1x1x1xf32>
      %div3A = arith.constant 5.120000e+02 : f32
      %div3A_24 = arith.divf %reduce_sum3A_23, %div3A : f32
      %ceil3A = math.ceil %div3A_24 : f32
      %mul3A = arith.constant 5.120000e+02 : f32
      %mul3A_25 = arith.mulf %ceil3A, %mul3A : f32
      %add3A = arith.constant 0.000000e+00 : f32
      %add3A_26 = arith.addf %add3A, %mul3A_25 : f32
      %eq3A_27 = arith.constant 1 : i32
      %eq3A_28 = vector.broadcast %eq3A_27 : i32 to vector<128x128xi32>
      %eq3A_29 = arith.cmpi eq, %get3A_7, %eq3A_28 : vector<128x128xi32>
      %convert_element_type3A_30 = arith.extui %eq3A_29 : vector<128x128xi1> to vector<128x128xi32>
      %convert_element_type3A_31 = arith.sitofp %convert_element_type3A_30 : vector<128x128xi32> to vector<128x128xf32>
      %reduce_sum3A_32 = vector.shape_cast %convert_element_type3A_31 : vector<128x128xf32> to vector<1x128x128xf32>
      %reduce_sum3A_33 = arith.constant dense<0.000000e+00> : vector<1xf32>
      %reduce_sum3A_34 = vector.multi_reduction <add>, %reduce_sum3A_32, %reduce_sum3A_33 [1, 2] : vector<1x128x128xf32> to vector<1xf32>
      %reduce_sum3A_35 = vector.shape_cast %reduce_sum3A_34 : vector<1xf32> to vector<1x1x1xf32>
      %reduce_sum3A_36 = vector.extract %reduce_sum3A_35[0, 0, 0] : f32 from vector<1x1x1xf32>
      %div3A_37 = arith.constant 5.120000e+02 : f32
      %div3A_38 = arith.divf %reduce_sum3A_36, %div3A_37 : f32
      %ceil3A_39 = math.ceil %div3A_38 : f32
      %mul3A_40 = arith.constant 5.120000e+02 : f32
      %mul3A_41 = arith.mulf %ceil3A_39, %mul3A_40 : f32
      %add3A_42 = arith.addf %add3A_26, %mul3A_41 : f32
      %eq3A_43 = arith.constant 2 : i32
      %eq3A_44 = vector.broadcast %eq3A_43 : i32 to vector<128x128xi32>
      %eq3A_45 = arith.cmpi eq, %get3A_7, %eq3A_44 : vector<128x128xi32>
      %convert_element_type3A_46 = arith.extui %eq3A_45 : vector<128x128xi1> to vector<128x128xi32>
      %convert_element_type3A_47 = arith.sitofp %convert_element_type3A_46 : vector<128x128xi32> to vector<128x128xf32>
      %reduce_sum3A_48 = vector.shape_cast %convert_element_type3A_47 : vector<128x128xf32> to vector<1x128x128xf32>
      %reduce_sum3A_49 = arith.constant dense<0.000000e+00> : vector<1xf32>
      %reduce_sum3A_50 = vector.multi_reduction <add>, %reduce_sum3A_48, %reduce_sum3A_49 [1, 2] : vector<1x128x128xf32> to vector<1xf32>
      %reduce_sum3A_51 = vector.shape_cast %reduce_sum3A_50 : vector<1xf32> to vector<1x1x1xf32>
      %reduce_sum3A_52 = vector.extract %reduce_sum3A_51[0, 0, 0] : f32 from vector<1x1x1xf32>
      %div3A_53 = arith.constant 5.120000e+02 : f32
      %div3A_54 = arith.divf %reduce_sum3A_52, %div3A_53 : f32
      %ceil3A_55 = math.ceil %div3A_54 : f32
      %mul3A_56 = arith.constant 5.120000e+02 : f32
      %mul3A_57 = arith.mulf %ceil3A_55, %mul3A_56 : f32
      %add3A_58 = arith.addf %add3A_42, %mul3A_57 : f32
      %eq3A_59 = arith.constant 3 : i32
      %eq3A_60 = vector.broadcast %eq3A_59 : i32 to vector<128x128xi32>
      %eq3A_61 = arith.cmpi eq, %get3A_7, %eq3A_60 : vector<128x128xi32>
      %convert_element_type3A_62 = arith.extui %eq3A_61 : vector<128x128xi1> to vector<128x128xi32>
      %convert_element_type3A_63 = arith.sitofp %convert_element_type3A_62 : vector<128x128xi32> to vector<128x128xf32>
      %reduce_sum3A_64 = vector.shape_cast %convert_element_type3A_63 : vector<128x128xf32> to vector<1x128x128xf32>
      %reduce_sum3A_65 = arith.constant dense<0.000000e+00> : vector<1xf32>
      %reduce_sum3A_66 = vector.multi_reduction <add>, %reduce_sum3A_64, %reduce_sum3A_65 [1, 2] : vector<1x128x128xf32> to vector<1xf32>
      %reduce_sum3A_67 = vector.shape_cast %reduce_sum3A_66 : vector<1xf32> to vector<1x1x1xf32>
      %reduce_sum3A_68 = vector.extract %reduce_sum3A_67[0, 0, 0] : f32 from vector<1x1x1xf32>
      %div3A_69 = arith.constant 5.120000e+02 : f32
      %div3A_70 = arith.divf %reduce_sum3A_68, %div3A_69 : f32
      %ceil3A_71 = math.ceil %div3A_70 : f32
      %mul3A_72 = arith.constant 5.120000e+02 : f32
      %mul3A_73 = arith.mulf %ceil3A_71, %mul3A_72 : f32
      %add3A_74 = arith.addf %add3A_58, %mul3A_73 : f32
      %eq3A_75 = arith.constant 4 : i32
      %eq3A_76 = vector.broadcast %eq3A_75 : i32 to vector<128x128xi32>
      %eq3A_77 = arith.cmpi eq, %get3A_7, %eq3A_76 : vector<128x128xi32>
      %convert_element_type3A_78 = arith.extui %eq3A_77 : vector<128x128xi1> to vector<128x128xi32>
      %convert_element_type3A_79 = arith.sitofp %convert_element_type3A_78 : vector<128x128xi32> to vector<128x128xf32>
      %reduce_sum3A_80 = vector.shape_cast %convert_element_type3A_79 : vector<128x128xf32> to vector<1x128x128xf32>
      %reduce_sum3A_81 = arith.constant dense<0.000000e+00> : vector<1xf32>
      %reduce_sum3A_82 = vector.multi_reduction <add>, %reduce_sum3A_80, %reduce_sum3A_81 [1, 2] : vector<1x128x128xf32> to vector<1xf32>
      %reduce_sum3A_83 = vector.shape_cast %reduce_sum3A_82 : vector<1xf32> to vector<1x1x1xf32>
      %reduce_sum3A_84 = vector.extract %reduce_sum3A_83[0, 0, 0] : f32 from vector<1x1x1xf32>
      %div3A_85 = arith.constant 5.120000e+02 : f32
      %div3A_86 = arith.divf %reduce_sum3A_84, %div3A_85 : f32
      %ceil3A_87 = math.ceil %div3A_86 : f32
      %mul3A_88 = arith.constant 5.120000e+02 : f32
      %mul3A_89 = arith.mulf %ceil3A_87, %mul3A_88 : f32
      %add3A_90 = arith.addf %add3A_74, %mul3A_89 : f32
      %eq3A_91 = arith.constant 5 : i32
      %eq3A_92 = vector.broadcast %eq3A_91 : i32 to vector<128x128xi32>
      %eq3A_93 = arith.cmpi eq, %get3A_7, %eq3A_92 : vector<128x128xi32>
      %convert_element_type3A_94 = arith.extui %eq3A_93 : vector<128x128xi1> to vector<128x128xi32>
      %convert_element_type3A_95 = arith.sitofp %convert_element_type3A_94 : vector<128x128xi32> to vector<128x128xf32>
      %reduce_sum3A_96 = vector.shape_cast %convert_element_type3A_95 : vector<128x128xf32> to vector<1x128x128xf32>
      %reduce_sum3A_97 = arith.constant dense<0.000000e+00> : vector<1xf32>
      %reduce_sum3A_98 = vector.multi_reduction <add>, %reduce_sum3A_96, %reduce_sum3A_97 [1, 2] : vector<1x128x128xf32> to vector<1xf32>
      %reduce_sum3A_99 = vector.shape_cast %reduce_sum3A_98 : vector<1xf32> to vector<1x1x1xf32>
      %reduce_sum3A_100 = vector.extract %reduce_sum3A_99[0, 0, 0] : f32 from vector<1x1x1xf32>
      %div3A_101 = arith.constant 5.120000e+02 : f32
      %div3A_102 = arith.divf %reduce_sum3A_100, %div3A_101 : f32
      %ceil3A_103 = math.ceil %div3A_102 : f32
      %mul3A_104 = arith.constant 5.120000e+02 : f32
      %mul3A_105 = arith.mulf %ceil3A_103, %mul3A_104 : f32
      %add3A_106 = arith.addf %add3A_90, %mul3A_105 : f32
      %eq3A_107 = arith.constant 6 : i32
      %eq3A_108 = vector.broadcast %eq3A_107 : i32 to vector<128x128xi32>
      %eq3A_109 = arith.cmpi eq, %get3A_7, %eq3A_108 : vector<128x128xi32>
      %convert_element_type3A_110 = arith.extui %eq3A_109 : vector<128x128xi1> to vector<128x128xi32>
      %convert_element_type3A_111 = arith.sitofp %convert_element_type3A_110 : vector<128x128xi32> to vector<128x128xf32>
      %reduce_sum3A_112 = vector.shape_cast %convert_element_type3A_111 : vector<128x128xf32> to vector<1x128x128xf32>
      %reduce_sum3A_113 = arith.constant dense<0.000000e+00> : vector<1xf32>
      %reduce_sum3A_114 = vector.multi_reduction <add>, %reduce_sum3A_112, %reduce_sum3A_113 [1, 2] : vector<1x128x128xf32> to vector<1xf32>
      %reduce_sum3A_115 = vector.shape_cast %reduce_sum3A_114 : vector<1xf32> to vector<1x1x1xf32>
      %reduce_sum3A_116 = vector.extract %reduce_sum3A_115[0, 0, 0] : f32 from vector<1x1x1xf32>
      %div3A_117 = arith.constant 5.120000e+02 : f32
      %div3A_118 = arith.divf %reduce_sum3A_116, %div3A_117 : f32
      %ceil3A_119 = math.ceil %div3A_118 : f32
      %mul3A_120 = arith.constant 5.120000e+02 : f32
      %mul3A_121 = arith.mulf %ceil3A_119, %mul3A_120 : f32
      %add3A_122 = arith.addf %add3A_106, %mul3A_121 : f32
      %eq3A_123 = arith.constant 7 : i32
      %eq3A_124 = vector.broadcast %eq3A_123 : i32 to vector<128x128xi32>
      %eq3A_125 = arith.cmpi eq, %get3A_7, %eq3A_124 : vector<128x128xi32>
      %convert_element_type3A_126 = arith.extui %eq3A_125 : vector<128x128xi1> to vector<128x128xi32>
      %convert_element_type3A_127 = arith.sitofp %convert_element_type3A_126 : vector<128x128xi32> to vector<128x128xf32>
      %reduce_sum3A_128 = vector.shape_cast %convert_element_type3A_127 : vector<128x128xf32> to vector<1x128x128xf32>
      %reduce_sum3A_129 = arith.constant dense<0.000000e+00> : vector<1xf32>
      %reduce_sum3A_130 = vector.multi_reduction <add>, %reduce_sum3A_128, %reduce_sum3A_129 [1, 2] : vector<1x128x128xf32> to vector<1xf32>
      %reduce_sum3A_131 = vector.shape_cast %reduce_sum3A_130 : vector<1xf32> to vector<1x1x1xf32>
      %reduce_sum3A_132 = vector.extract %reduce_sum3A_131[0, 0, 0] : f32 from vector<1x1x1xf32>
      %div3A_133 = arith.constant 5.120000e+02 : f32
      %div3A_134 = arith.divf %reduce_sum3A_132, %div3A_133 : f32
      %ceil3A_135 = math.ceil %div3A_134 : f32
      %mul3A_136 = arith.constant 5.120000e+02 : f32
      %mul3A_137 = arith.mulf %ceil3A_135, %mul3A_136 : f32
      %add3A_138 = arith.addf %add3A_122, %mul3A_137 : f32
      %eq3A_139 = arith.constant 8 : i32
      %eq3A_140 = vector.broadcast %eq3A_139 : i32 to vector<128x128xi32>
      %eq3A_141 = arith.cmpi eq, %get3A_7, %eq3A_140 : vector<128x128xi32>
      %convert_element_type3A_142 = arith.extui %eq3A_141 : vector<128x128xi1> to vector<128x128xi32>
      %convert_element_type3A_143 = arith.sitofp %convert_element_type3A_142 : vector<128x128xi32> to vector<128x128xf32>
      %reduce_sum3A_144 = vector.shape_cast %convert_element_type3A_143 : vector<128x128xf32> to vector<1x128x128xf32>
      %reduce_sum3A_145 = arith.constant dense<0.000000e+00> : vector<1xf32>
      %reduce_sum3A_146 = vector.multi_reduction <add>, %reduce_sum3A_144, %reduce_sum3A_145 [1, 2] : vector<1x128x128xf32> to vector<1xf32>
      %reduce_sum3A_147 = vector.shape_cast %reduce_sum3A_146 : vector<1xf32> to vector<1x1x1xf32>
      %reduce_sum3A_148 = vector.extract %reduce_sum3A_147[0, 0, 0] : f32 from vector<1x1x1xf32>
      %div3A_149 = arith.constant 5.120000e+02 : f32
      %div3A_150 = arith.divf %reduce_sum3A_148, %div3A_149 : f32
      %ceil3A_151 = math.ceil %div3A_150 : f32
      %mul3A_152 = arith.constant 5.120000e+02 : f32
      %mul3A_153 = arith.mulf %ceil3A_151, %mul3A_152 : f32
      %add3A_154 = arith.addf %add3A_138, %mul3A_153 : f32
      %eq3A_155 = arith.constant 9 : i32
      %eq3A_156 = vector.broadcast %eq3A_155 : i32 to vector<128x128xi32>
      %eq3A_157 = arith.cmpi eq, %get3A_7, %eq3A_156 : vector<128x128xi32>
      %convert_element_type3A_158 = arith.extui %eq3A_157 : vector<128x128xi1> to vector<128x128xi32>
      %convert_element_type3A_159 = arith.sitofp %convert_element_type3A_158 : vector<128x128xi32> to vector<128x128xf32>
      %reduce_sum3A_160 = vector.shape_cast %convert_element_type3A_159 : vector<128x128xf32> to vector<1x128x128xf32>
      %reduce_sum3A_161 = arith.constant dense<0.000000e+00> : vector<1xf32>
      %reduce_sum3A_162 = vector.multi_reduction <add>, %reduce_sum3A_160, %reduce_sum3A_161 [1, 2] : vector<1x128x128xf32> to vector<1xf32>
      %reduce_sum3A_163 = vector.shape_cast %reduce_sum3A_162 : vector<1xf32> to vector<1x1x1xf32>
      %reduce_sum3A_164 = vector.extract %reduce_sum3A_163[0, 0, 0] : f32 from vector<1x1x1xf32>
      %div3A_165 = arith.constant 5.120000e+02 : f32
      %div3A_166 = arith.divf %reduce_sum3A_164, %div3A_165 : f32
      %ceil3A_167 = math.ceil %div3A_166 : f32
      %mul3A_168 = arith.constant 5.120000e+02 : f32
      %mul3A_169 = arith.mulf %ceil3A_167, %mul3A_168 : f32
      %add3A_170 = arith.addf %add3A_154, %mul3A_169 : f32
      %eq3A_171 = arith.constant 10 : i32
      %eq3A_172 = vector.broadcast %eq3A_171 : i32 to vector<128x128xi32>
      %eq3A_173 = arith.cmpi eq, %get3A_7, %eq3A_172 : vector<128x128xi32>
      %convert_element_type3A_174 = arith.extui %eq3A_173 : vector<128x128xi1> to vector<128x128xi32>
      %convert_element_type3A_175 = arith.sitofp %convert_element_type3A_174 : vector<128x128xi32> to vector<128x128xf32>
      %reduce_sum3A_176 = vector.shape_cast %convert_element_type3A_175 : vector<128x128xf32> to vector<1x128x128xf32>
      %reduce_sum3A_177 = arith.constant dense<0.000000e+00> : vector<1xf32>
      %reduce_sum3A_178 = vector.multi_reduction <add>, %reduce_sum3A_176, %reduce_sum3A_177 [1, 2] : vector<1x128x128xf32> to vector<1xf32>
      %reduce_sum3A_179 = vector.shape_cast %reduce_sum3A_178 : vector<1xf32> to vector<1x1x1xf32>
      %reduce_sum3A_180 = vector.extract %reduce_sum3A_179[0, 0, 0] : f32 from vector<1x1x1xf32>
      %div3A_181 = arith.constant 5.120000e+02 : f32
      %div3A_182 = arith.divf %reduce_sum3A_180, %div3A_181 : f32
      %ceil3A_183 = math.ceil %div3A_182 : f32
      %mul3A_184 = arith.constant 5.120000e+02 : f32
      %mul3A_185 = arith.mulf %ceil3A_183, %mul3A_184 : f32
      %add3A_186 = arith.addf %add3A_170, %mul3A_185 : f32
      %eq3A_187 = arith.constant 11 : i32
      %eq3A_188 = vector.broadcast %eq3A_187 : i32 to vector<128x128xi32>
      %eq3A_189 = arith.cmpi eq, %get3A_7, %eq3A_188 : vector<128x128xi32>
      %convert_element_type3A_190 = arith.extui %eq3A_189 : vector<128x128xi1> to vector<128x128xi32>
      %convert_element_type3A_191 = arith.sitofp %convert_element_type3A_190 : vector<128x128xi32> to vector<128x128xf32>
      %reduce_sum3A_192 = vector.shape_cast %convert_element_type3A_191 : vector<128x128xf32> to vector<1x128x128xf32>
      %reduce_sum3A_193 = arith.constant dense<0.000000e+00> : vector<1xf32>
      %reduce_sum3A_194 = vector.multi_reduction <add>, %reduce_sum3A_192, %reduce_sum3A_193 [1, 2] : vector<1x128x128xf32> to vector<1xf32>
      %reduce_sum3A_195 = vector.shape_cast %reduce_sum3A_194 : vector<1xf32> to vector<1x1x1xf32>
      %reduce_sum3A_196 = vector.extract %reduce_sum3A_195[0, 0, 0] : f32 from vector<1x1x1xf32>
      %div3A_197 = arith.constant 5.120000e+02 : f32
      %div3A_198 = arith.divf %reduce_sum3A_196, %div3A_197 : f32
      %ceil3A_199 = math.ceil %div3A_198 : f32
      %mul3A_200 = arith.constant 5.120000e+02 : f32
      %mul3A_201 = arith.mulf %ceil3A_199, %mul3A_200 : f32
      %add3A_202 = arith.addf %add3A_186, %mul3A_201 : f32
      %eq3A_203 = arith.constant 12 : i32
      %eq3A_204 = vector.broadcast %eq3A_203 : i32 to vector<128x128xi32>
      %eq3A_205 = arith.cmpi eq, %get3A_7, %eq3A_204 : vector<128x128xi32>
      %convert_element_type3A_206 = arith.extui %eq3A_205 : vector<128x128xi1> to vector<128x128xi32>
      %convert_element_type3A_207 = arith.sitofp %convert_element_type3A_206 : vector<128x128xi32> to vector<128x128xf32>
      %reduce_sum3A_208 = vector.shape_cast %convert_element_type3A_207 : vector<128x128xf32> to vector<1x128x128xf32>
      %reduce_sum3A_209 = arith.constant dense<0.000000e+00> : vector<1xf32>
      %reduce_sum3A_210 = vector.multi_reduction <add>, %reduce_sum3A_208, %reduce_sum3A_209 [1, 2] : vector<1x128x128xf32> to vector<1xf32>
      %reduce_sum3A_211 = vector.shape_cast %reduce_sum3A_210 : vector<1xf32> to vector<1x1x1xf32>
      %reduce_sum3A_212 = vector.extract %reduce_sum3A_211[0, 0, 0] : f32 from vector<1x1x1xf32>
      %div3A_213 = arith.constant 5.120000e+02 : f32
      %div3A_214 = arith.divf %reduce_sum3A_212, %div3A_213 : f32
      %ceil3A_215 = math.ceil %div3A_214 : f32
      %mul3A_216 = arith.constant 5.120000e+02 : f32
      %mul3A_217 = arith.mulf %ceil3A_215, %mul3A_216 : f32
      %add3A_218 = arith.addf %add3A_202, %mul3A_217 : f32
      %eq3A_219 = arith.constant 13 : i32
      %eq3A_220 = vector.broadcast %eq3A_219 : i32 to vector<128x128xi32>
      %eq3A_221 = arith.cmpi eq, %get3A_7, %eq3A_220 : vector<128x128xi32>
      %convert_element_type3A_222 = arith.extui %eq3A_221 : vector<128x128xi1> to vector<128x128xi32>
      %convert_element_type3A_223 = arith.sitofp %convert_element_type3A_222 : vector<128x128xi32> to vector<128x128xf32>
      %reduce_sum3A_224 = vector.shape_cast %convert_element_type3A_223 : vector<128x128xf32> to vector<1x128x128xf32>
      %reduce_sum3A_225 = arith.constant dense<0.000000e+00> : vector<1xf32>
      %reduce_sum3A_226 = vector.multi_reduction <add>, %reduce_sum3A_224, %reduce_sum3A_225 [1, 2] : vector<1x128x128xf32> to vector<1xf32>
      %reduce_sum3A_227 = vector.shape_cast %reduce_sum3A_226 : vector<1xf32> to vector<1x1x1xf32>
      %reduce_sum3A_228 = vector.extract %reduce_sum3A_227[0, 0, 0] : f32 from vector<1x1x1xf32>
      %div3A_229 = arith.constant 5.120000e+02 : f32
      %div3A_230 = arith.divf %reduce_sum3A_228, %div3A_229 : f32
      %ceil3A_231 = math.ceil %div3A_230 : f32
      %mul3A_232 = arith.constant 5.120000e+02 : f32
      %mul3A_233 = arith.mulf %ceil3A_231, %mul3A_232 : f32
      %add3A_234 = arith.addf %add3A_218, %mul3A_233 : f32
      %eq3A_235 = arith.constant 14 : i32
      %eq3A_236 = vector.broadcast %eq3A_235 : i32 to vector<128x128xi32>
      %eq3A_237 = arith.cmpi eq, %get3A_7, %eq3A_236 : vector<128x128xi32>
      %convert_element_type3A_238 = arith.extui %eq3A_237 : vector<128x128xi1> to vector<128x128xi32>
      %convert_element_type3A_239 = arith.sitofp %convert_element_type3A_238 : vector<128x128xi32> to vector<128x128xf32>
      %reduce_sum3A_240 = vector.shape_cast %convert_element_type3A_239 : vector<128x128xf32> to vector<1x128x128xf32>
      %reduce_sum3A_241 = arith.constant dense<0.000000e+00> : vector<1xf32>
      %reduce_sum3A_242 = vector.multi_reduction <add>, %reduce_sum3A_240, %reduce_sum3A_241 [1, 2] : vector<1x128x128xf32> to vector<1xf32>
      %reduce_sum3A_243 = vector.shape_cast %reduce_sum3A_242 : vector<1xf32> to vector<1x1x1xf32>
      %reduce_sum3A_244 = vector.extract %reduce_sum3A_243[0, 0, 0] : f32 from vector<1x1x1xf32>
      %div3A_245 = arith.constant 5.120000e+02 : f32
      %div3A_246 = arith.divf %reduce_sum3A_244, %div3A_245 : f32
      %ceil3A_247 = math.ceil %div3A_246 : f32
      %mul3A_248 = arith.constant 5.120000e+02 : f32
      %mul3A_249 = arith.mulf %ceil3A_247, %mul3A_248 : f32
      %add3A_250 = arith.addf %add3A_234, %mul3A_249 : f32
      %eq3A_251 = arith.constant 15 : i32
      %eq3A_252 = vector.broadcast %eq3A_251 : i32 to vector<128x128xi32>
      %eq3A_253 = arith.cmpi eq, %get3A_7, %eq3A_252 : vector<128x128xi32>
      %convert_element_type3A_254 = arith.extui %eq3A_253 : vector<128x128xi1> to vector<128x128xi32>
      %convert_element_type3A_255 = arith.sitofp %convert_element_type3A_254 : vector<128x128xi32> to vector<128x128xf32>
      %reduce_sum3A_256 = vector.shape_cast %convert_element_type3A_255 : vector<128x128xf32> to vector<1x128x128xf32>
      %reduce_sum3A_257 = arith.constant dense<0.000000e+00> : vector<1xf32>
      %reduce_sum3A_258 = vector.multi_reduction <add>, %reduce_sum3A_256, %reduce_sum3A_257 [1, 2] : vector<1x128x128xf32> to vector<1xf32>
      %reduce_sum3A_259 = vector.shape_cast %reduce_sum3A_258 : vector<1xf32> to vector<1x1x1xf32>
      %reduce_sum3A_260 = vector.extract %reduce_sum3A_259[0, 0, 0] : f32 from vector<1x1x1xf32>
      %div3A_261 = arith.constant 5.120000e+02 : f32
      %div3A_262 = arith.divf %reduce_sum3A_260, %div3A_261 : f32
      %ceil3A_263 = math.ceil %div3A_262 : f32
      %mul3A_264 = arith.constant 5.120000e+02 : f32
      %mul3A_265 = arith.mulf %ceil3A_263, %mul3A_264 : f32
      %add3A_266 = arith.addf %add3A_250, %mul3A_265 : f32
      %broadcast_in_dim3A = arith.constant 0.000000e+00 : f32
      %broadcast_in_dim3A_267 = vector.broadcast %broadcast_in_dim3A : f32 to vector<128x128xf32>
      %eq3A_268 = arith.constant 0 : i32
      %eq3A_269 = vector.broadcast %eq3A_268 : i32 to vector<128x128xi32>
      %eq3A_270 = arith.cmpi eq, %get3A_7, %eq3A_269 : vector<128x128xi32>
      %convert_element_type3A_271 = arith.extui %eq3A_270 : vector<128x128xi1> to vector<128x128xi32>
      %convert_element_type3A_272 = arith.sitofp %convert_element_type3A_271 : vector<128x128xi32> to vector<128x128xf32>
      %convert_element_type3A_273 = arith.truncf %convert_element_type3A_272 : vector<128x128xf32> to vector<128x128xbf16>
      %dot_general3A = arith.constant dense<0.000000e+00> : vector<128x128xf32>
      %dot_general3A_274 = tpu.matmul %convert_element_type3A_273, %convert_element_type3A_11, %dot_general3A {dimension_numbers = #tpu.dot_dimension_numbers<[1], [0], [0], [1], [0, 0, 1, 1], [], []>, transpose_lhs_hint = false} : vector<128x128xbf16>, vector<128x128xbf16>, vector<128x128xf32> -> vector<128x128xf32>
      %slice3A = vector.extract_strided_slice %dot_general3A_274 {offsets = [0, 127], sizes = [128, 1], strides = [1, 1]} : vector<128x128xf32> to vector<128x1xf32>
      %convert_element_type3A_275 = arith.truncf %slice3A : vector<128x1xf32> to vector<128x1xbf16>
      %dot_general3A_276 = arith.constant dense<0.000000e+00> : vector<128x1xf32>
      %dot_general3A_277 = tpu.matmul %convert_element_type3A_14, %convert_element_type3A_275, %dot_general3A_276 {dimension_numbers = #tpu.dot_dimension_numbers<[1], [0], [0], [1], [0, 0, 1, 1], [], []>, transpose_lhs_hint = false} : vector<128x128xbf16>, vector<128x1xbf16>, vector<128x1xf32> -> vector<128x1xf32>
      %add3A_278 = vector.broadcast %dot_general3A_277 : vector<128x1xf32> to vector<128x128xf32>
      %add3A_279 = arith.addf %dot_general3A_274, %add3A_278 : vector<128x128xf32>
      %add3A_280 = arith.constant 0.000000e+00 : f32
      %add3A_281 = vector.broadcast %add3A_280 : f32 to vector<128x128xf32>
      %add3A_282 = arith.addf %add3A_281, %add3A_279 : vector<128x128xf32>
      %sub3A = arith.constant 1.000000e+00 : f32
      %sub3A_283 = vector.broadcast %sub3A : f32 to vector<128x128xf32>
      %sub3A_284 = arith.subf %add3A_282, %sub3A_283 : vector<128x128xf32>
      %mul3A_285 = arith.mulf %convert_element_type3A_272, %sub3A_284 : vector<128x128xf32>
      %add3A_286 = arith.addf %broadcast_in_dim3A_267, %mul3A_285 : vector<128x128xf32>
      %eq3A_287 = arith.constant 1 : i32
      %eq3A_288 = vector.broadcast %eq3A_287 : i32 to vector<128x128xi32>
      %eq3A_289 = arith.cmpi eq, %get3A_7, %eq3A_288 : vector<128x128xi32>
      %convert_element_type3A_290 = arith.extui %eq3A_289 : vector<128x128xi1> to vector<128x128xi32>
      %convert_element_type3A_291 = arith.sitofp %convert_element_type3A_290 : vector<128x128xi32> to vector<128x128xf32>
      %convert_element_type3A_292 = arith.truncf %convert_element_type3A_291 : vector<128x128xf32> to vector<128x128xbf16>
      %dot_general3A_293 = arith.constant dense<0.000000e+00> : vector<128x128xf32>
      %dot_general3A_294 = tpu.matmul %convert_element_type3A_292, %convert_element_type3A_11, %dot_general3A_293 {dimension_numbers = #tpu.dot_dimension_numbers<[1], [0], [0], [1], [0, 0, 1, 1], [], []>, transpose_lhs_hint = false} : vector<128x128xbf16>, vector<128x128xbf16>, vector<128x128xf32> -> vector<128x128xf32>
      %slice3A_295 = vector.extract_strided_slice %dot_general3A_294 {offsets = [0, 127], sizes = [128, 1], strides = [1, 1]} : vector<128x128xf32> to vector<128x1xf32>
      %convert_element_type3A_296 = arith.truncf %slice3A_295 : vector<128x1xf32> to vector<128x1xbf16>
      %dot_general3A_297 = arith.constant dense<0.000000e+00> : vector<128x1xf32>
      %dot_general3A_298 = tpu.matmul %convert_element_type3A_14, %convert_element_type3A_296, %dot_general3A_297 {dimension_numbers = #tpu.dot_dimension_numbers<[1], [0], [0], [1], [0, 0, 1, 1], [], []>, transpose_lhs_hint = false} : vector<128x128xbf16>, vector<128x1xbf16>, vector<128x1xf32> -> vector<128x1xf32>
      %add3A_299 = vector.broadcast %dot_general3A_298 : vector<128x1xf32> to vector<128x128xf32>
      %add3A_300 = arith.addf %dot_general3A_294, %add3A_299 : vector<128x128xf32>
      %add3A_301 = vector.broadcast %add3A_26 : f32 to vector<128x128xf32>
      %add3A_302 = arith.addf %add3A_301, %add3A_300 : vector<128x128xf32>
      %sub3A_303 = arith.constant 1.000000e+00 : f32
      %sub3A_304 = vector.broadcast %sub3A_303 : f32 to vector<128x128xf32>
      %sub3A_305 = arith.subf %add3A_302, %sub3A_304 : vector<128x128xf32>
      %mul3A_306 = arith.mulf %convert_element_type3A_291, %sub3A_305 : vector<128x128xf32>
      %add3A_307 = arith.addf %add3A_286, %mul3A_306 : vector<128x128xf32>
      %eq3A_308 = arith.constant 2 : i32
      %eq3A_309 = vector.broadcast %eq3A_308 : i32 to vector<128x128xi32>
      %eq3A_310 = arith.cmpi eq, %get3A_7, %eq3A_309 : vector<128x128xi32>
      %convert_element_type3A_311 = arith.extui %eq3A_310 : vector<128x128xi1> to vector<128x128xi32>
      %convert_element_type3A_312 = arith.sitofp %convert_element_type3A_311 : vector<128x128xi32> to vector<128x128xf32>
      %convert_element_type3A_313 = arith.truncf %convert_element_type3A_312 : vector<128x128xf32> to vector<128x128xbf16>
      %dot_general3A_314 = arith.constant dense<0.000000e+00> : vector<128x128xf32>
      %dot_general3A_315 = tpu.matmul %convert_element_type3A_313, %convert_element_type3A_11, %dot_general3A_314 {dimension_numbers = #tpu.dot_dimension_numbers<[1], [0], [0], [1], [0, 0, 1, 1], [], []>, transpose_lhs_hint = false} : vector<128x128xbf16>, vector<128x128xbf16>, vector<128x128xf32> -> vector<128x128xf32>
      %slice3A_316 = vector.extract_strided_slice %dot_general3A_315 {offsets = [0, 127], sizes = [128, 1], strides = [1, 1]} : vector<128x128xf32> to vector<128x1xf32>
      %convert_element_type3A_317 = arith.truncf %slice3A_316 : vector<128x1xf32> to vector<128x1xbf16>
      %dot_general3A_318 = arith.constant dense<0.000000e+00> : vector<128x1xf32>
      %dot_general3A_319 = tpu.matmul %convert_element_type3A_14, %convert_element_type3A_317, %dot_general3A_318 {dimension_numbers = #tpu.dot_dimension_numbers<[1], [0], [0], [1], [0, 0, 1, 1], [], []>, transpose_lhs_hint = false} : vector<128x128xbf16>, vector<128x1xbf16>, vector<128x1xf32> -> vector<128x1xf32>
      %add3A_320 = vector.broadcast %dot_general3A_319 : vector<128x1xf32> to vector<128x128xf32>
      %add3A_321 = arith.addf %dot_general3A_315, %add3A_320 : vector<128x128xf32>
      %add3A_322 = vector.broadcast %add3A_42 : f32 to vector<128x128xf32>
      %add3A_323 = arith.addf %add3A_322, %add3A_321 : vector<128x128xf32>
      %sub3A_324 = arith.constant 1.000000e+00 : f32
      %sub3A_325 = vector.broadcast %sub3A_324 : f32 to vector<128x128xf32>
      %sub3A_326 = arith.subf %add3A_323, %sub3A_325 : vector<128x128xf32>
      %mul3A_327 = arith.mulf %convert_element_type3A_312, %sub3A_326 : vector<128x128xf32>
      %add3A_328 = arith.addf %add3A_307, %mul3A_327 : vector<128x128xf32>
      %eq3A_329 = arith.constant 3 : i32
      %eq3A_330 = vector.broadcast %eq3A_329 : i32 to vector<128x128xi32>
      %eq3A_331 = arith.cmpi eq, %get3A_7, %eq3A_330 : vector<128x128xi32>
      %convert_element_type3A_332 = arith.extui %eq3A_331 : vector<128x128xi1> to vector<128x128xi32>
      %convert_element_type3A_333 = arith.sitofp %convert_element_type3A_332 : vector<128x128xi32> to vector<128x128xf32>
      %convert_element_type3A_334 = arith.truncf %convert_element_type3A_333 : vector<128x128xf32> to vector<128x128xbf16>
      %dot_general3A_335 = arith.constant dense<0.000000e+00> : vector<128x128xf32>
      %dot_general3A_336 = tpu.matmul %convert_element_type3A_334, %convert_element_type3A_11, %dot_general3A_335 {dimension_numbers = #tpu.dot_dimension_numbers<[1], [0], [0], [1], [0, 0, 1, 1], [], []>, transpose_lhs_hint = false} : vector<128x128xbf16>, vector<128x128xbf16>, vector<128x128xf32> -> vector<128x128xf32>
      %slice3A_337 = vector.extract_strided_slice %dot_general3A_336 {offsets = [0, 127], sizes = [128, 1], strides = [1, 1]} : vector<128x128xf32> to vector<128x1xf32>
      %convert_element_type3A_338 = arith.truncf %slice3A_337 : vector<128x1xf32> to vector<128x1xbf16>
      %dot_general3A_339 = arith.constant dense<0.000000e+00> : vector<128x1xf32>
      %dot_general3A_340 = tpu.matmul %convert_element_type3A_14, %convert_element_type3A_338, %dot_general3A_339 {dimension_numbers = #tpu.dot_dimension_numbers<[1], [0], [0], [1], [0, 0, 1, 1], [], []>, transpose_lhs_hint = false} : vector<128x128xbf16>, vector<128x1xbf16>, vector<128x1xf32> -> vector<128x1xf32>
      %add3A_341 = vector.broadcast %dot_general3A_340 : vector<128x1xf32> to vector<128x128xf32>
      %add3A_342 = arith.addf %dot_general3A_336, %add3A_341 : vector<128x128xf32>
      %add3A_343 = vector.broadcast %add3A_58 : f32 to vector<128x128xf32>
      %add3A_344 = arith.addf %add3A_343, %add3A_342 : vector<128x128xf32>
      %sub3A_345 = arith.constant 1.000000e+00 : f32
      %sub3A_346 = vector.broadcast %sub3A_345 : f32 to vector<128x128xf32>
      %sub3A_347 = arith.subf %add3A_344, %sub3A_346 : vector<128x128xf32>
      %mul3A_348 = arith.mulf %convert_element_type3A_333, %sub3A_347 : vector<128x128xf32>
      %add3A_349 = arith.addf %add3A_328, %mul3A_348 : vector<128x128xf32>
      %eq3A_350 = arith.constant 4 : i32
      %eq3A_351 = vector.broadcast %eq3A_350 : i32 to vector<128x128xi32>
      %eq3A_352 = arith.cmpi eq, %get3A_7, %eq3A_351 : vector<128x128xi32>
      %convert_element_type3A_353 = arith.extui %eq3A_352 : vector<128x128xi1> to vector<128x128xi32>
      %convert_element_type3A_354 = arith.sitofp %convert_element_type3A_353 : vector<128x128xi32> to vector<128x128xf32>
      %convert_element_type3A_355 = arith.truncf %convert_element_type3A_354 : vector<128x128xf32> to vector<128x128xbf16>
      %dot_general3A_356 = arith.constant dense<0.000000e+00> : vector<128x128xf32>
      %dot_general3A_357 = tpu.matmul %convert_element_type3A_355, %convert_element_type3A_11, %dot_general3A_356 {dimension_numbers = #tpu.dot_dimension_numbers<[1], [0], [0], [1], [0, 0, 1, 1], [], []>, transpose_lhs_hint = false} : vector<128x128xbf16>, vector<128x128xbf16>, vector<128x128xf32> -> vector<128x128xf32>
      %slice3A_358 = vector.extract_strided_slice %dot_general3A_357 {offsets = [0, 127], sizes = [128, 1], strides = [1, 1]} : vector<128x128xf32> to vector<128x1xf32>
      %convert_element_type3A_359 = arith.truncf %slice3A_358 : vector<128x1xf32> to vector<128x1xbf16>
      %dot_general3A_360 = arith.constant dense<0.000000e+00> : vector<128x1xf32>
      %dot_general3A_361 = tpu.matmul %convert_element_type3A_14, %convert_element_type3A_359, %dot_general3A_360 {dimension_numbers = #tpu.dot_dimension_numbers<[1], [0], [0], [1], [0, 0, 1, 1], [], []>, transpose_lhs_hint = false} : vector<128x128xbf16>, vector<128x1xbf16>, vector<128x1xf32> -> vector<128x1xf32>
      %add3A_362 = vector.broadcast %dot_general3A_361 : vector<128x1xf32> to vector<128x128xf32>
      %add3A_363 = arith.addf %dot_general3A_357, %add3A_362 : vector<128x128xf32>
      %add3A_364 = vector.broadcast %add3A_74 : f32 to vector<128x128xf32>
      %add3A_365 = arith.addf %add3A_364, %add3A_363 : vector<128x128xf32>
      %sub3A_366 = arith.constant 1.000000e+00 : f32
      %sub3A_367 = vector.broadcast %sub3A_366 : f32 to vector<128x128xf32>
      %sub3A_368 = arith.subf %add3A_365, %sub3A_367 : vector<128x128xf32>
      %mul3A_369 = arith.mulf %convert_element_type3A_354, %sub3A_368 : vector<128x128xf32>
      %add3A_370 = arith.addf %add3A_349, %mul3A_369 : vector<128x128xf32>
      %eq3A_371 = arith.constant 5 : i32
      %eq3A_372 = vector.broadcast %eq3A_371 : i32 to vector<128x128xi32>
      %eq3A_373 = arith.cmpi eq, %get3A_7, %eq3A_372 : vector<128x128xi32>
      %convert_element_type3A_374 = arith.extui %eq3A_373 : vector<128x128xi1> to vector<128x128xi32>
      %convert_element_type3A_375 = arith.sitofp %convert_element_type3A_374 : vector<128x128xi32> to vector<128x128xf32>
      %convert_element_type3A_376 = arith.truncf %convert_element_type3A_375 : vector<128x128xf32> to vector<128x128xbf16>
      %dot_general3A_377 = arith.constant dense<0.000000e+00> : vector<128x128xf32>
      %dot_general3A_378 = tpu.matmul %convert_element_type3A_376, %convert_element_type3A_11, %dot_general3A_377 {dimension_numbers = #tpu.dot_dimension_numbers<[1], [0], [0], [1], [0, 0, 1, 1], [], []>, transpose_lhs_hint = false} : vector<128x128xbf16>, vector<128x128xbf16>, vector<128x128xf32> -> vector<128x128xf32>
      %slice3A_379 = vector.extract_strided_slice %dot_general3A_378 {offsets = [0, 127], sizes = [128, 1], strides = [1, 1]} : vector<128x128xf32> to vector<128x1xf32>
      %convert_element_type3A_380 = arith.truncf %slice3A_379 : vector<128x1xf32> to vector<128x1xbf16>
      %dot_general3A_381 = arith.constant dense<0.000000e+00> : vector<128x1xf32>
      %dot_general3A_382 = tpu.matmul %convert_element_type3A_14, %convert_element_type3A_380, %dot_general3A_381 {dimension_numbers = #tpu.dot_dimension_numbers<[1], [0], [0], [1], [0, 0, 1, 1], [], []>, transpose_lhs_hint = false} : vector<128x128xbf16>, vector<128x1xbf16>, vector<128x1xf32> -> vector<128x1xf32>
      %add3A_383 = vector.broadcast %dot_general3A_382 : vector<128x1xf32> to vector<128x128xf32>
      %add3A_384 = arith.addf %dot_general3A_378, %add3A_383 : vector<128x128xf32>
      %add3A_385 = vector.broadcast %add3A_90 : f32 to vector<128x128xf32>
      %add3A_386 = arith.addf %add3A_385, %add3A_384 : vector<128x128xf32>
      %sub3A_387 = arith.constant 1.000000e+00 : f32
      %sub3A_388 = vector.broadcast %sub3A_387 : f32 to vector<128x128xf32>
      %sub3A_389 = arith.subf %add3A_386, %sub3A_388 : vector<128x128xf32>
      %mul3A_390 = arith.mulf %convert_element_type3A_375, %sub3A_389 : vector<128x128xf32>
      %add3A_391 = arith.addf %add3A_370, %mul3A_390 : vector<128x128xf32>
      %eq3A_392 = arith.constant 6 : i32
      %eq3A_393 = vector.broadcast %eq3A_392 : i32 to vector<128x128xi32>
      %eq3A_394 = arith.cmpi eq, %get3A_7, %eq3A_393 : vector<128x128xi32>
      %convert_element_type3A_395 = arith.extui %eq3A_394 : vector<128x128xi1> to vector<128x128xi32>
      %convert_element_type3A_396 = arith.sitofp %convert_element_type3A_395 : vector<128x128xi32> to vector<128x128xf32>
      %convert_element_type3A_397 = arith.truncf %convert_element_type3A_396 : vector<128x128xf32> to vector<128x128xbf16>
      %dot_general3A_398 = arith.constant dense<0.000000e+00> : vector<128x128xf32>
      %dot_general3A_399 = tpu.matmul %convert_element_type3A_397, %convert_element_type3A_11, %dot_general3A_398 {dimension_numbers = #tpu.dot_dimension_numbers<[1], [0], [0], [1], [0, 0, 1, 1], [], []>, transpose_lhs_hint = false} : vector<128x128xbf16>, vector<128x128xbf16>, vector<128x128xf32> -> vector<128x128xf32>
      %slice3A_400 = vector.extract_strided_slice %dot_general3A_399 {offsets = [0, 127], sizes = [128, 1], strides = [1, 1]} : vector<128x128xf32> to vector<128x1xf32>
      %convert_element_type3A_401 = arith.truncf %slice3A_400 : vector<128x1xf32> to vector<128x1xbf16>
      %dot_general3A_402 = arith.constant dense<0.000000e+00> : vector<128x1xf32>
      %dot_general3A_403 = tpu.matmul %convert_element_type3A_14, %convert_element_type3A_401, %dot_general3A_402 {dimension_numbers = #tpu.dot_dimension_numbers<[1], [0], [0], [1], [0, 0, 1, 1], [], []>, transpose_lhs_hint = false} : vector<128x128xbf16>, vector<128x1xbf16>, vector<128x1xf32> -> vector<128x1xf32>
      %add3A_404 = vector.broadcast %dot_general3A_403 : vector<128x1xf32> to vector<128x128xf32>
      %add3A_405 = arith.addf %dot_general3A_399, %add3A_404 : vector<128x128xf32>
      %add3A_406 = vector.broadcast %add3A_106 : f32 to vector<128x128xf32>
      %add3A_407 = arith.addf %add3A_406, %add3A_405 : vector<128x128xf32>
      %sub3A_408 = arith.constant 1.000000e+00 : f32
      %sub3A_409 = vector.broadcast %sub3A_408 : f32 to vector<128x128xf32>
      %sub3A_410 = arith.subf %add3A_407, %sub3A_409 : vector<128x128xf32>
      %mul3A_411 = arith.mulf %convert_element_type3A_396, %sub3A_410 : vector<128x128xf32>
      %add3A_412 = arith.addf %add3A_391, %mul3A_411 : vector<128x128xf32>
      %eq3A_413 = arith.constant 7 : i32
      %eq3A_414 = vector.broadcast %eq3A_413 : i32 to vector<128x128xi32>
      %eq3A_415 = arith.cmpi eq, %get3A_7, %eq3A_414 : vector<128x128xi32>
      %convert_element_type3A_416 = arith.extui %eq3A_415 : vector<128x128xi1> to vector<128x128xi32>
      %convert_element_type3A_417 = arith.sitofp %convert_element_type3A_416 : vector<128x128xi32> to vector<128x128xf32>
      %convert_element_type3A_418 = arith.truncf %convert_element_type3A_417 : vector<128x128xf32> to vector<128x128xbf16>
      %dot_general3A_419 = arith.constant dense<0.000000e+00> : vector<128x128xf32>
      %dot_general3A_420 = tpu.matmul %convert_element_type3A_418, %convert_element_type3A_11, %dot_general3A_419 {dimension_numbers = #tpu.dot_dimension_numbers<[1], [0], [0], [1], [0, 0, 1, 1], [], []>, transpose_lhs_hint = false} : vector<128x128xbf16>, vector<128x128xbf16>, vector<128x128xf32> -> vector<128x128xf32>
      %slice3A_421 = vector.extract_strided_slice %dot_general3A_420 {offsets = [0, 127], sizes = [128, 1], strides = [1, 1]} : vector<128x128xf32> to vector<128x1xf32>
      %convert_element_type3A_422 = arith.truncf %slice3A_421 : vector<128x1xf32> to vector<128x1xbf16>
      %dot_general3A_423 = arith.constant dense<0.000000e+00> : vector<128x1xf32>
      %dot_general3A_424 = tpu.matmul %convert_element_type3A_14, %convert_element_type3A_422, %dot_general3A_423 {dimension_numbers = #tpu.dot_dimension_numbers<[1], [0], [0], [1], [0, 0, 1, 1], [], []>, transpose_lhs_hint = false} : vector<128x128xbf16>, vector<128x1xbf16>, vector<128x1xf32> -> vector<128x1xf32>
      %add3A_425 = vector.broadcast %dot_general3A_424 : vector<128x1xf32> to vector<128x128xf32>
      %add3A_426 = arith.addf %dot_general3A_420, %add3A_425 : vector<128x128xf32>
      %add3A_427 = vector.broadcast %add3A_122 : f32 to vector<128x128xf32>
      %add3A_428 = arith.addf %add3A_427, %add3A_426 : vector<128x128xf32>
      %sub3A_429 = arith.constant 1.000000e+00 : f32
      %sub3A_430 = vector.broadcast %sub3A_429 : f32 to vector<128x128xf32>
      %sub3A_431 = arith.subf %add3A_428, %sub3A_430 : vector<128x128xf32>
      %mul3A_432 = arith.mulf %convert_element_type3A_417, %sub3A_431 : vector<128x128xf32>
      %add3A_433 = arith.addf %add3A_412, %mul3A_432 : vector<128x128xf32>
      %eq3A_434 = arith.constant 8 : i32
      %eq3A_435 = vector.broadcast %eq3A_434 : i32 to vector<128x128xi32>
      %eq3A_436 = arith.cmpi eq, %get3A_7, %eq3A_435 : vector<128x128xi32>
      %convert_element_type3A_437 = arith.extui %eq3A_436 : vector<128x128xi1> to vector<128x128xi32>
      %convert_element_type3A_438 = arith.sitofp %convert_element_type3A_437 : vector<128x128xi32> to vector<128x128xf32>
      %convert_element_type3A_439 = arith.truncf %convert_element_type3A_438 : vector<128x128xf32> to vector<128x128xbf16>
      %dot_general3A_440 = arith.constant dense<0.000000e+00> : vector<128x128xf32>
      %dot_general3A_441 = tpu.matmul %convert_element_type3A_439, %convert_element_type3A_11, %dot_general3A_440 {dimension_numbers = #tpu.dot_dimension_numbers<[1], [0], [0], [1], [0, 0, 1, 1], [], []>, transpose_lhs_hint = false} : vector<128x128xbf16>, vector<128x128xbf16>, vector<128x128xf32> -> vector<128x128xf32>
      %slice3A_442 = vector.extract_strided_slice %dot_general3A_441 {offsets = [0, 127], sizes = [128, 1], strides = [1, 1]} : vector<128x128xf32> to vector<128x1xf32>
      %convert_element_type3A_443 = arith.truncf %slice3A_442 : vector<128x1xf32> to vector<128x1xbf16>
      %dot_general3A_444 = arith.constant dense<0.000000e+00> : vector<128x1xf32>
      %dot_general3A_445 = tpu.matmul %convert_element_type3A_14, %convert_element_type3A_443, %dot_general3A_444 {dimension_numbers = #tpu.dot_dimension_numbers<[1], [0], [0], [1], [0, 0, 1, 1], [], []>, transpose_lhs_hint = false} : vector<128x128xbf16>, vector<128x1xbf16>, vector<128x1xf32> -> vector<128x1xf32>
      %add3A_446 = vector.broadcast %dot_general3A_445 : vector<128x1xf32> to vector<128x128xf32>
      %add3A_447 = arith.addf %dot_general3A_441, %add3A_446 : vector<128x128xf32>
      %add3A_448 = vector.broadcast %add3A_138 : f32 to vector<128x128xf32>
      %add3A_449 = arith.addf %add3A_448, %add3A_447 : vector<128x128xf32>
      %sub3A_450 = arith.constant 1.000000e+00 : f32
      %sub3A_451 = vector.broadcast %sub3A_450 : f32 to vector<128x128xf32>
      %sub3A_452 = arith.subf %add3A_449, %sub3A_451 : vector<128x128xf32>
      %mul3A_453 = arith.mulf %convert_element_type3A_438, %sub3A_452 : vector<128x128xf32>
      %add3A_454 = arith.addf %add3A_433, %mul3A_453 : vector<128x128xf32>
      %eq3A_455 = arith.constant 9 : i32
      %eq3A_456 = vector.broadcast %eq3A_455 : i32 to vector<128x128xi32>
      %eq3A_457 = arith.cmpi eq, %get3A_7, %eq3A_456 : vector<128x128xi32>
      %convert_element_type3A_458 = arith.extui %eq3A_457 : vector<128x128xi1> to vector<128x128xi32>
      %convert_element_type3A_459 = arith.sitofp %convert_element_type3A_458 : vector<128x128xi32> to vector<128x128xf32>
      %convert_element_type3A_460 = arith.truncf %convert_element_type3A_459 : vector<128x128xf32> to vector<128x128xbf16>
      %dot_general3A_461 = arith.constant dense<0.000000e+00> : vector<128x128xf32>
      %dot_general3A_462 = tpu.matmul %convert_element_type3A_460, %convert_element_type3A_11, %dot_general3A_461 {dimension_numbers = #tpu.dot_dimension_numbers<[1], [0], [0], [1], [0, 0, 1, 1], [], []>, transpose_lhs_hint = false} : vector<128x128xbf16>, vector<128x128xbf16>, vector<128x128xf32> -> vector<128x128xf32>
      %slice3A_463 = vector.extract_strided_slice %dot_general3A_462 {offsets = [0, 127], sizes = [128, 1], strides = [1, 1]} : vector<128x128xf32> to vector<128x1xf32>
      %convert_element_type3A_464 = arith.truncf %slice3A_463 : vector<128x1xf32> to vector<128x1xbf16>
      %dot_general3A_465 = arith.constant dense<0.000000e+00> : vector<128x1xf32>
      %dot_general3A_466 = tpu.matmul %convert_element_type3A_14, %convert_element_type3A_464, %dot_general3A_465 {dimension_numbers = #tpu.dot_dimension_numbers<[1], [0], [0], [1], [0, 0, 1, 1], [], []>, transpose_lhs_hint = false} : vector<128x128xbf16>, vector<128x1xbf16>, vector<128x1xf32> -> vector<128x1xf32>
      %add3A_467 = vector.broadcast %dot_general3A_466 : vector<128x1xf32> to vector<128x128xf32>
      %add3A_468 = arith.addf %dot_general3A_462, %add3A_467 : vector<128x128xf32>
      %add3A_469 = vector.broadcast %add3A_154 : f32 to vector<128x128xf32>
      %add3A_470 = arith.addf %add3A_469, %add3A_468 : vector<128x128xf32>
      %sub3A_471 = arith.constant 1.000000e+00 : f32
      %sub3A_472 = vector.broadcast %sub3A_471 : f32 to vector<128x128xf32>
      %sub3A_473 = arith.subf %add3A_470, %sub3A_472 : vector<128x128xf32>
      %mul3A_474 = arith.mulf %convert_element_type3A_459, %sub3A_473 : vector<128x128xf32>
      %add3A_475 = arith.addf %add3A_454, %mul3A_474 : vector<128x128xf32>
      %eq3A_476 = arith.constant 10 : i32
      %eq3A_477 = vector.broadcast %eq3A_476 : i32 to vector<128x128xi32>
      %eq3A_478 = arith.cmpi eq, %get3A_7, %eq3A_477 : vector<128x128xi32>
      %convert_element_type3A_479 = arith.extui %eq3A_478 : vector<128x128xi1> to vector<128x128xi32>
      %convert_element_type3A_480 = arith.sitofp %convert_element_type3A_479 : vector<128x128xi32> to vector<128x128xf32>
      %convert_element_type3A_481 = arith.truncf %convert_element_type3A_480 : vector<128x128xf32> to vector<128x128xbf16>
      %dot_general3A_482 = arith.constant dense<0.000000e+00> : vector<128x128xf32>
      %dot_general3A_483 = tpu.matmul %convert_element_type3A_481, %convert_element_type3A_11, %dot_general3A_482 {dimension_numbers = #tpu.dot_dimension_numbers<[1], [0], [0], [1], [0, 0, 1, 1], [], []>, transpose_lhs_hint = false} : vector<128x128xbf16>, vector<128x128xbf16>, vector<128x128xf32> -> vector<128x128xf32>
      %slice3A_484 = vector.extract_strided_slice %dot_general3A_483 {offsets = [0, 127], sizes = [128, 1], strides = [1, 1]} : vector<128x128xf32> to vector<128x1xf32>
      %convert_element_type3A_485 = arith.truncf %slice3A_484 : vector<128x1xf32> to vector<128x1xbf16>
      %dot_general3A_486 = arith.constant dense<0.000000e+00> : vector<128x1xf32>
      %dot_general3A_487 = tpu.matmul %convert_element_type3A_14, %convert_element_type3A_485, %dot_general3A_486 {dimension_numbers = #tpu.dot_dimension_numbers<[1], [0], [0], [1], [0, 0, 1, 1], [], []>, transpose_lhs_hint = false} : vector<128x128xbf16>, vector<128x1xbf16>, vector<128x1xf32> -> vector<128x1xf32>
      %add3A_488 = vector.broadcast %dot_general3A_487 : vector<128x1xf32> to vector<128x128xf32>
      %add3A_489 = arith.addf %dot_general3A_483, %add3A_488 : vector<128x128xf32>
      %add3A_490 = vector.broadcast %add3A_170 : f32 to vector<128x128xf32>
      %add3A_491 = arith.addf %add3A_490, %add3A_489 : vector<128x128xf32>
      %sub3A_492 = arith.constant 1.000000e+00 : f32
      %sub3A_493 = vector.broadcast %sub3A_492 : f32 to vector<128x128xf32>
      %sub3A_494 = arith.subf %add3A_491, %sub3A_493 : vector<128x128xf32>
      %mul3A_495 = arith.mulf %convert_element_type3A_480, %sub3A_494 : vector<128x128xf32>
      %add3A_496 = arith.addf %add3A_475, %mul3A_495 : vector<128x128xf32>
      %eq3A_497 = arith.constant 11 : i32
      %eq3A_498 = vector.broadcast %eq3A_497 : i32 to vector<128x128xi32>
      %eq3A_499 = arith.cmpi eq, %get3A_7, %eq3A_498 : vector<128x128xi32>
      %convert_element_type3A_500 = arith.extui %eq3A_499 : vector<128x128xi1> to vector<128x128xi32>
      %convert_element_type3A_501 = arith.sitofp %convert_element_type3A_500 : vector<128x128xi32> to vector<128x128xf32>
      %convert_element_type3A_502 = arith.truncf %convert_element_type3A_501 : vector<128x128xf32> to vector<128x128xbf16>
      %dot_general3A_503 = arith.constant dense<0.000000e+00> : vector<128x128xf32>
      %dot_general3A_504 = tpu.matmul %convert_element_type3A_502, %convert_element_type3A_11, %dot_general3A_503 {dimension_numbers = #tpu.dot_dimension_numbers<[1], [0], [0], [1], [0, 0, 1, 1], [], []>, transpose_lhs_hint = false} : vector<128x128xbf16>, vector<128x128xbf16>, vector<128x128xf32> -> vector<128x128xf32>
      %slice3A_505 = vector.extract_strided_slice %dot_general3A_504 {offsets = [0, 127], sizes = [128, 1], strides = [1, 1]} : vector<128x128xf32> to vector<128x1xf32>
      %convert_element_type3A_506 = arith.truncf %slice3A_505 : vector<128x1xf32> to vector<128x1xbf16>
      %dot_general3A_507 = arith.constant dense<0.000000e+00> : vector<128x1xf32>
      %dot_general3A_508 = tpu.matmul %convert_element_type3A_14, %convert_element_type3A_506, %dot_general3A_507 {dimension_numbers = #tpu.dot_dimension_numbers<[1], [0], [0], [1], [0, 0, 1, 1], [], []>, transpose_lhs_hint = false} : vector<128x128xbf16>, vector<128x1xbf16>, vector<128x1xf32> -> vector<128x1xf32>
      %add3A_509 = vector.broadcast %dot_general3A_508 : vector<128x1xf32> to vector<128x128xf32>
      %add3A_510 = arith.addf %dot_general3A_504, %add3A_509 : vector<128x128xf32>
      %add3A_511 = vector.broadcast %add3A_186 : f32 to vector<128x128xf32>
      %add3A_512 = arith.addf %add3A_511, %add3A_510 : vector<128x128xf32>
      %sub3A_513 = arith.constant 1.000000e+00 : f32
      %sub3A_514 = vector.broadcast %sub3A_513 : f32 to vector<128x128xf32>
      %sub3A_515 = arith.subf %add3A_512, %sub3A_514 : vector<128x128xf32>
      %mul3A_516 = arith.mulf %convert_element_type3A_501, %sub3A_515 : vector<128x128xf32>
      %add3A_517 = arith.addf %add3A_496, %mul3A_516 : vector<128x128xf32>
      %eq3A_518 = arith.constant 12 : i32
      %eq3A_519 = vector.broadcast %eq3A_518 : i32 to vector<128x128xi32>
      %eq3A_520 = arith.cmpi eq, %get3A_7, %eq3A_519 : vector<128x128xi32>
      %convert_element_type3A_521 = arith.extui %eq3A_520 : vector<128x128xi1> to vector<128x128xi32>
      %convert_element_type3A_522 = arith.sitofp %convert_element_type3A_521 : vector<128x128xi32> to vector<128x128xf32>
      %convert_element_type3A_523 = arith.truncf %convert_element_type3A_522 : vector<128x128xf32> to vector<128x128xbf16>
      %dot_general3A_524 = arith.constant dense<0.000000e+00> : vector<128x128xf32>
      %dot_general3A_525 = tpu.matmul %convert_element_type3A_523, %convert_element_type3A_11, %dot_general3A_524 {dimension_numbers = #tpu.dot_dimension_numbers<[1], [0], [0], [1], [0, 0, 1, 1], [], []>, transpose_lhs_hint = false} : vector<128x128xbf16>, vector<128x128xbf16>, vector<128x128xf32> -> vector<128x128xf32>
      %slice3A_526 = vector.extract_strided_slice %dot_general3A_525 {offsets = [0, 127], sizes = [128, 1], strides = [1, 1]} : vector<128x128xf32> to vector<128x1xf32>
      %convert_element_type3A_527 = arith.truncf %slice3A_526 : vector<128x1xf32> to vector<128x1xbf16>
      %dot_general3A_528 = arith.constant dense<0.000000e+00> : vector<128x1xf32>
      %dot_general3A_529 = tpu.matmul %convert_element_type3A_14, %convert_element_type3A_527, %dot_general3A_528 {dimension_numbers = #tpu.dot_dimension_numbers<[1], [0], [0], [1], [0, 0, 1, 1], [], []>, transpose_lhs_hint = false} : vector<128x128xbf16>, vector<128x1xbf16>, vector<128x1xf32> -> vector<128x1xf32>
      %add3A_530 = vector.broadcast %dot_general3A_529 : vector<128x1xf32> to vector<128x128xf32>
      %add3A_531 = arith.addf %dot_general3A_525, %add3A_530 : vector<128x128xf32>
      %add3A_532 = vector.broadcast %add3A_202 : f32 to vector<128x128xf32>
      %add3A_533 = arith.addf %add3A_532, %add3A_531 : vector<128x128xf32>
      %sub3A_534 = arith.constant 1.000000e+00 : f32
      %sub3A_535 = vector.broadcast %sub3A_534 : f32 to vector<128x128xf32>
      %sub3A_536 = arith.subf %add3A_533, %sub3A_535 : vector<128x128xf32>
      %mul3A_537 = arith.mulf %convert_element_type3A_522, %sub3A_536 : vector<128x128xf32>
      %add3A_538 = arith.addf %add3A_517, %mul3A_537 : vector<128x128xf32>
      %eq3A_539 = arith.constant 13 : i32
      %eq3A_540 = vector.broadcast %eq3A_539 : i32 to vector<128x128xi32>
      %eq3A_541 = arith.cmpi eq, %get3A_7, %eq3A_540 : vector<128x128xi32>
      %convert_element_type3A_542 = arith.extui %eq3A_541 : vector<128x128xi1> to vector<128x128xi32>
      %convert_element_type3A_543 = arith.sitofp %convert_element_type3A_542 : vector<128x128xi32> to vector<128x128xf32>
      %convert_element_type3A_544 = arith.truncf %convert_element_type3A_543 : vector<128x128xf32> to vector<128x128xbf16>
      %dot_general3A_545 = arith.constant dense<0.000000e+00> : vector<128x128xf32>
      %dot_general3A_546 = tpu.matmul %convert_element_type3A_544, %convert_element_type3A_11, %dot_general3A_545 {dimension_numbers = #tpu.dot_dimension_numbers<[1], [0], [0], [1], [0, 0, 1, 1], [], []>, transpose_lhs_hint = false} : vector<128x128xbf16>, vector<128x128xbf16>, vector<128x128xf32> -> vector<128x128xf32>
      %slice3A_547 = vector.extract_strided_slice %dot_general3A_546 {offsets = [0, 127], sizes = [128, 1], strides = [1, 1]} : vector<128x128xf32> to vector<128x1xf32>
      %convert_element_type3A_548 = arith.truncf %slice3A_547 : vector<128x1xf32> to vector<128x1xbf16>
      %dot_general3A_549 = arith.constant dense<0.000000e+00> : vector<128x1xf32>
      %dot_general3A_550 = tpu.matmul %convert_element_type3A_14, %convert_element_type3A_548, %dot_general3A_549 {dimension_numbers = #tpu.dot_dimension_numbers<[1], [0], [0], [1], [0, 0, 1, 1], [], []>, transpose_lhs_hint = false} : vector<128x128xbf16>, vector<128x1xbf16>, vector<128x1xf32> -> vector<128x1xf32>
      %add3A_551 = vector.broadcast %dot_general3A_550 : vector<128x1xf32> to vector<128x128xf32>
      %add3A_552 = arith.addf %dot_general3A_546, %add3A_551 : vector<128x128xf32>
      %add3A_553 = vector.broadcast %add3A_218 : f32 to vector<128x128xf32>
      %add3A_554 = arith.addf %add3A_553, %add3A_552 : vector<128x128xf32>
      %sub3A_555 = arith.constant 1.000000e+00 : f32
      %sub3A_556 = vector.broadcast %sub3A_555 : f32 to vector<128x128xf32>
      %sub3A_557 = arith.subf %add3A_554, %sub3A_556 : vector<128x128xf32>
      %mul3A_558 = arith.mulf %convert_element_type3A_543, %sub3A_557 : vector<128x128xf32>
      %add3A_559 = arith.addf %add3A_538, %mul3A_558 : vector<128x128xf32>
      %eq3A_560 = arith.constant 14 : i32
      %eq3A_561 = vector.broadcast %eq3A_560 : i32 to vector<128x128xi32>
      %eq3A_562 = arith.cmpi eq, %get3A_7, %eq3A_561 : vector<128x128xi32>
      %convert_element_type3A_563 = arith.extui %eq3A_562 : vector<128x128xi1> to vector<128x128xi32>
      %convert_element_type3A_564 = arith.sitofp %convert_element_type3A_563 : vector<128x128xi32> to vector<128x128xf32>
      %convert_element_type3A_565 = arith.truncf %convert_element_type3A_564 : vector<128x128xf32> to vector<128x128xbf16>
      %dot_general3A_566 = arith.constant dense<0.000000e+00> : vector<128x128xf32>
      %dot_general3A_567 = tpu.matmul %convert_element_type3A_565, %convert_element_type3A_11, %dot_general3A_566 {dimension_numbers = #tpu.dot_dimension_numbers<[1], [0], [0], [1], [0, 0, 1, 1], [], []>, transpose_lhs_hint = false} : vector<128x128xbf16>, vector<128x128xbf16>, vector<128x128xf32> -> vector<128x128xf32>
      %slice3A_568 = vector.extract_strided_slice %dot_general3A_567 {offsets = [0, 127], sizes = [128, 1], strides = [1, 1]} : vector<128x128xf32> to vector<128x1xf32>
      %convert_element_type3A_569 = arith.truncf %slice3A_568 : vector<128x1xf32> to vector<128x1xbf16>
      %dot_general3A_570 = arith.constant dense<0.000000e+00> : vector<128x1xf32>
      %dot_general3A_571 = tpu.matmul %convert_element_type3A_14, %convert_element_type3A_569, %dot_general3A_570 {dimension_numbers = #tpu.dot_dimension_numbers<[1], [0], [0], [1], [0, 0, 1, 1], [], []>, transpose_lhs_hint = false} : vector<128x128xbf16>, vector<128x1xbf16>, vector<128x1xf32> -> vector<128x1xf32>
      %add3A_572 = vector.broadcast %dot_general3A_571 : vector<128x1xf32> to vector<128x128xf32>
      %add3A_573 = arith.addf %dot_general3A_567, %add3A_572 : vector<128x128xf32>
      %add3A_574 = vector.broadcast %add3A_234 : f32 to vector<128x128xf32>
      %add3A_575 = arith.addf %add3A_574, %add3A_573 : vector<128x128xf32>
      %sub3A_576 = arith.constant 1.000000e+00 : f32
      %sub3A_577 = vector.broadcast %sub3A_576 : f32 to vector<128x128xf32>
      %sub3A_578 = arith.subf %add3A_575, %sub3A_577 : vector<128x128xf32>
      %mul3A_579 = arith.mulf %convert_element_type3A_564, %sub3A_578 : vector<128x128xf32>
      %add3A_580 = arith.addf %add3A_559, %mul3A_579 : vector<128x128xf32>
      %eq3A_581 = arith.constant 15 : i32
      %eq3A_582 = vector.broadcast %eq3A_581 : i32 to vector<128x128xi32>
      %eq3A_583 = arith.cmpi eq, %get3A_7, %eq3A_582 : vector<128x128xi32>
      %convert_element_type3A_584 = arith.extui %eq3A_583 : vector<128x128xi1> to vector<128x128xi32>
      %convert_element_type3A_585 = arith.sitofp %convert_element_type3A_584 : vector<128x128xi32> to vector<128x128xf32>
      %convert_element_type3A_586 = arith.truncf %convert_element_type3A_585 : vector<128x128xf32> to vector<128x128xbf16>
      %dot_general3A_587 = arith.constant dense<0.000000e+00> : vector<128x128xf32>
      %dot_general3A_588 = tpu.matmul %convert_element_type3A_586, %convert_element_type3A_11, %dot_general3A_587 {dimension_numbers = #tpu.dot_dimension_numbers<[1], [0], [0], [1], [0, 0, 1, 1], [], []>, transpose_lhs_hint = false} : vector<128x128xbf16>, vector<128x128xbf16>, vector<128x128xf32> -> vector<128x128xf32>
      %slice3A_589 = vector.extract_strided_slice %dot_general3A_588 {offsets = [0, 127], sizes = [128, 1], strides = [1, 1]} : vector<128x128xf32> to vector<128x1xf32>
      %convert_element_type3A_590 = arith.truncf %slice3A_589 : vector<128x1xf32> to vector<128x1xbf16>
      %dot_general3A_591 = arith.constant dense<0.000000e+00> : vector<128x1xf32>
      %dot_general3A_592 = tpu.matmul %convert_element_type3A_14, %convert_element_type3A_590, %dot_general3A_591 {dimension_numbers = #tpu.dot_dimension_numbers<[1], [0], [0], [1], [0, 0, 1, 1], [], []>, transpose_lhs_hint = false} : vector<128x128xbf16>, vector<128x1xbf16>, vector<128x1xf32> -> vector<128x1xf32>
      %add3A_593 = vector.broadcast %dot_general3A_592 : vector<128x1xf32> to vector<128x128xf32>
      %add3A_594 = arith.addf %dot_general3A_588, %add3A_593 : vector<128x128xf32>
      %add3A_595 = vector.broadcast %add3A_250 : f32 to vector<128x128xf32>
      %add3A_596 = arith.addf %add3A_595, %add3A_594 : vector<128x128xf32>
      %sub3A_597 = arith.constant 1.000000e+00 : f32
      %sub3A_598 = vector.broadcast %sub3A_597 : f32 to vector<128x128xf32>
      %sub3A_599 = arith.subf %add3A_596, %sub3A_598 : vector<128x128xf32>
      %mul3A_600 = arith.mulf %convert_element_type3A_585, %sub3A_599 : vector<128x128xf32>
      %add3A_601 = arith.addf %add3A_580, %mul3A_600 : vector<128x128xf32>
      %convert_element_type3A_602 = arith.fptosi %add3A_601 : vector<128x128xf32> to vector<128x128xi32>
      %swap3A = arith.constant 0 : index
      %swap3A_603 = arith.constant 0 : index
      %swap3A_604 = vector.load %arg6[%swap3A, %swap3A_603] : memref<128x128xi32, #tpu.memory_space<vmem>>, vector<128x128xi32>
      tpu.vector_store %arg6[%swap3A, %swap3A_603], %convert_element_type3A_602 {strides = array<i32>} : memref<128x128xi32, #tpu.memory_space<vmem>>, vector<128x128xi32>,
      %iota3A_605 = tpu.iota {dimensions = array<i32: 1>} : vector<1x48xi32>
      %convert_element_type3A_606 = arith.sitofp %iota3A_605 : vector<1x48xi32> to vector<1x48xf32>
      %mul3A_607 = arith.constant 5.120000e+02 : f32
      %mul3A_608 = vector.broadcast %mul3A_607 : f32 to vector<1x48xf32>
      %mul3A_609 = arith.mulf %convert_element_type3A_606, %mul3A_608 : vector<1x48xf32>
      %broadcast_in_dim3A_610 = arith.constant 0.000000e+00 : f32
      %broadcast_in_dim3A_611 = vector.broadcast %broadcast_in_dim3A_610 : f32 to vector<1x48xf32>
      %broadcast_in_dim3A_612 = arith.constant 0.000000e+00 : f32
      %broadcast_in_dim3A_613 = vector.broadcast %broadcast_in_dim3A_612 : f32 to vector<1x48xf32>
      %ge3A = vector.broadcast %add3A_26 : f32 to vector<1x48xf32>
      %ge3A_614 = arith.cmpf oge, %mul3A_609, %ge3A : vector<1x48xf32>
      %convert_element_type3A_615 = arith.extui %ge3A_614 : vector<1x48xi1> to vector<1x48xi32>
      %convert_element_type3A_616 = arith.sitofp %convert_element_type3A_615 : vector<1x48xi32> to vector<1x48xf32>
      %add3A_617 = arith.addf %broadcast_in_dim3A_611, %convert_element_type3A_616 : vector<1x48xf32>
      %ge3A_618 = arith.constant 0.000000e+00 : f32
      %ge3A_619 = vector.broadcast %ge3A_618 : f32 to vector<1x48xf32>
      %ge3A_620 = arith.cmpf oge, %mul3A_609, %ge3A_619 : vector<1x48xf32>
      %lt3A_621 = vector.broadcast %add3A_26 : f32 to vector<1x48xf32>
      %lt3A_622 = arith.cmpf olt, %mul3A_609, %lt3A_621 : vector<1x48xf32>
      %and3A = arith.andi %ge3A_620, %lt3A_622 : vector<1x48xi1>
      %convert_element_type3A_623 = arith.extui %and3A : vector<1x48xi1> to vector<1x48xi32>
      %convert_element_type3A_624 = arith.sitofp %convert_element_type3A_623 : vector<1x48xi32> to vector<1x48xf32>
      %sub3A_625 = arith.constant 0.000000e+00 : f32
      %sub3A_626 = vector.broadcast %sub3A_625 : f32 to vector<1x48xf32>
      %sub3A_627 = arith.subf %mul3A_609, %sub3A_626 : vector<1x48xf32>
      %sub3A_628 = vector.broadcast %reduce_sum3A_23 : f32 to vector<1x48xf32>
      %sub3A_629 = arith.subf %sub3A_628, %sub3A_627 : vector<1x48xf32>
      %jit3A = arith.constant 0.000000e+00 : f32
      %jit3A_630 = arith.constant 5.120000e+02 : f32
      %max3A = vector.broadcast %jit3A : f32 to vector<1x48xf32>
      %max3A_631 = arith.maximumf %max3A, %sub3A_629 : vector<1x48xf32>
      %min3A = vector.broadcast %jit3A_630 : f32 to vector<1x48xf32>
      %min3A_632 = arith.minimumf %min3A, %max3A_631 : vector<1x48xf32>
      %mul3A_633 = arith.mulf %convert_element_type3A_624, %min3A_632 : vector<1x48xf32>
      %add3A_634 = arith.addf %broadcast_in_dim3A_613, %mul3A_633 : vector<1x48xf32>
      %ge3A_635 = vector.broadcast %add3A_42 : f32 to vector<1x48xf32>
      %ge3A_636 = arith.cmpf oge, %mul3A_609, %ge3A_635 : vector<1x48xf32>
      %convert_element_type3A_637 = arith.extui %ge3A_636 : vector<1x48xi1> to vector<1x48xi32>
      %convert_element_type3A_638 = arith.sitofp %convert_element_type3A_637 : vector<1x48xi32> to vector<1x48xf32>
      %add3A_639 = arith.addf %add3A_617, %convert_element_type3A_638 : vector<1x48xf32>
      %ge3A_640 = vector.broadcast %add3A_26 : f32 to vector<1x48xf32>
      %ge3A_641 = arith.cmpf oge, %mul3A_609, %ge3A_640 : vector<1x48xf32>
      %lt3A_642 = vector.broadcast %add3A_42 : f32 to vector<1x48xf32>
      %lt3A_643 = arith.cmpf olt, %mul3A_609, %lt3A_642 : vector<1x48xf32>
      %and3A_644 = arith.andi %ge3A_641, %lt3A_643 : vector<1x48xi1>
      %convert_element_type3A_645 = arith.extui %and3A_644 : vector<1x48xi1> to vector<1x48xi32>
      %convert_element_type3A_646 = arith.sitofp %convert_element_type3A_645 : vector<1x48xi32> to vector<1x48xf32>
      %sub3A_647 = vector.broadcast %add3A_26 : f32 to vector<1x48xf32>
      %sub3A_648 = arith.subf %mul3A_609, %sub3A_647 : vector<1x48xf32>
      %sub3A_649 = vector.broadcast %reduce_sum3A_36 : f32 to vector<1x48xf32>
      %sub3A_650 = arith.subf %sub3A_649, %sub3A_648 : vector<1x48xf32>
      %jit3A_651 = arith.constant 0.000000e+00 : f32
      %jit3A_652 = arith.constant 5.120000e+02 : f32
      %max3A_653 = vector.broadcast %jit3A_651 : f32 to vector<1x48xf32>
      %max3A_654 = arith.maximumf %max3A_653, %sub3A_650 : vector<1x48xf32>
      %min3A_655 = vector.broadcast %jit3A_652 : f32 to vector<1x48xf32>
      %min3A_656 = arith.minimumf %min3A_655, %max3A_654 : vector<1x48xf32>
      %mul3A_657 = arith.mulf %convert_element_type3A_646, %min3A_656 : vector<1x48xf32>
      %add3A_658 = arith.addf %add3A_634, %mul3A_657 : vector<1x48xf32>
      %ge3A_659 = vector.broadcast %add3A_58 : f32 to vector<1x48xf32>
      %ge3A_660 = arith.cmpf oge, %mul3A_609, %ge3A_659 : vector<1x48xf32>
      %convert_element_type3A_661 = arith.extui %ge3A_660 : vector<1x48xi1> to vector<1x48xi32>
      %convert_element_type3A_662 = arith.sitofp %convert_element_type3A_661 : vector<1x48xi32> to vector<1x48xf32>
      %add3A_663 = arith.addf %add3A_639, %convert_element_type3A_662 : vector<1x48xf32>
      %ge3A_664 = vector.broadcast %add3A_42 : f32 to vector<1x48xf32>
      %ge3A_665 = arith.cmpf oge, %mul3A_609, %ge3A_664 : vector<1x48xf32>
      %lt3A_666 = vector.broadcast %add3A_58 : f32 to vector<1x48xf32>
      %lt3A_667 = arith.cmpf olt, %mul3A_609, %lt3A_666 : vector<1x48xf32>
      %and3A_668 = arith.andi %ge3A_665, %lt3A_667 : vector<1x48xi1>
      %convert_element_type3A_669 = arith.extui %and3A_668 : vector<1x48xi1> to vector<1x48xi32>
      %convert_element_type3A_670 = arith.sitofp %convert_element_type3A_669 : vector<1x48xi32> to vector<1x48xf32>
      %sub3A_671 = vector.broadcast %add3A_42 : f32 to vector<1x48xf32>
      %sub3A_672 = arith.subf %mul3A_609, %sub3A_671 : vector<1x48xf32>
      %sub3A_673 = vector.broadcast %reduce_sum3A_52 : f32 to vector<1x48xf32>
      %sub3A_674 = arith.subf %sub3A_673, %sub3A_672 : vector<1x48xf32>
      %jit3A_675 = arith.constant 0.000000e+00 : f32
      %jit3A_676 = arith.constant 5.120000e+02 : f32
      %max3A_677 = vector.broadcast %jit3A_675 : f32 to vector<1x48xf32>
      %max3A_678 = arith.maximumf %max3A_677, %sub3A_674 : vector<1x48xf32>
      %min3A_679 = vector.broadcast %jit3A_676 : f32 to vector<1x48xf32>
      %min3A_680 = arith.minimumf %min3A_679, %max3A_678 : vector<1x48xf32>
      %mul3A_681 = arith.mulf %convert_element_type3A_670, %min3A_680 : vector<1x48xf32>
      %add3A_682 = arith.addf %add3A_658, %mul3A_681 : vector<1x48xf32>
      %ge3A_683 = vector.broadcast %add3A_74 : f32 to vector<1x48xf32>
      %ge3A_684 = arith.cmpf oge, %mul3A_609, %ge3A_683 : vector<1x48xf32>
      %convert_element_type3A_685 = arith.extui %ge3A_684 : vector<1x48xi1> to vector<1x48xi32>
      %convert_element_type3A_686 = arith.sitofp %convert_element_type3A_685 : vector<1x48xi32> to vector<1x48xf32>
      %add3A_687 = arith.addf %add3A_663, %convert_element_type3A_686 : vector<1x48xf32>
      %ge3A_688 = vector.broadcast %add3A_58 : f32 to vector<1x48xf32>
      %ge3A_689 = arith.cmpf oge, %mul3A_609, %ge3A_688 : vector<1x48xf32>
      %lt3A_690 = vector.broadcast %add3A_74 : f32 to vector<1x48xf32>
      %lt3A_691 = arith.cmpf olt, %mul3A_609, %lt3A_690 : vector<1x48xf32>
      %and3A_692 = arith.andi %ge3A_689, %lt3A_691 : vector<1x48xi1>
      %convert_element_type3A_693 = arith.extui %and3A_692 : vector<1x48xi1> to vector<1x48xi32>
      %convert_element_type3A_694 = arith.sitofp %convert_element_type3A_693 : vector<1x48xi32> to vector<1x48xf32>
      %sub3A_695 = vector.broadcast %add3A_58 : f32 to vector<1x48xf32>
      %sub3A_696 = arith.subf %mul3A_609, %sub3A_695 : vector<1x48xf32>
      %sub3A_697 = vector.broadcast %reduce_sum3A_68 : f32 to vector<1x48xf32>
      %sub3A_698 = arith.subf %sub3A_697, %sub3A_696 : vector<1x48xf32>
      %jit3A_699 = arith.constant 0.000000e+00 : f32
      %jit3A_700 = arith.constant 5.120000e+02 : f32
      %max3A_701 = vector.broadcast %jit3A_699 : f32 to vector<1x48xf32>
      %max3A_702 = arith.maximumf %max3A_701, %sub3A_698 : vector<1x48xf32>
      %min3A_703 = vector.broadcast %jit3A_700 : f32 to vector<1x48xf32>
      %min3A_704 = arith.minimumf %min3A_703, %max3A_702 : vector<1x48xf32>
      %mul3A_705 = arith.mulf %convert_element_type3A_694, %min3A_704 : vector<1x48xf32>
      %add3A_706 = arith.addf %add3A_682, %mul3A_705 : vector<1x48xf32>
      %ge3A_707 = vector.broadcast %add3A_90 : f32 to vector<1x48xf32>
      %ge3A_708 = arith.cmpf oge, %mul3A_609, %ge3A_707 : vector<1x48xf32>
      %convert_element_type3A_709 = arith.extui %ge3A_708 : vector<1x48xi1> to vector<1x48xi32>
      %convert_element_type3A_710 = arith.sitofp %convert_element_type3A_709 : vector<1x48xi32> to vector<1x48xf32>
      %add3A_711 = arith.addf %add3A_687, %convert_element_type3A_710 : vector<1x48xf32>
      %ge3A_712 = vector.broadcast %add3A_74 : f32 to vector<1x48xf32>
      %ge3A_713 = arith.cmpf oge, %mul3A_609, %ge3A_712 : vector<1x48xf32>
      %lt3A_714 = vector.broadcast %add3A_90 : f32 to vector<1x48xf32>
      %lt3A_715 = arith.cmpf olt, %mul3A_609, %lt3A_714 : vector<1x48xf32>
      %and3A_716 = arith.andi %ge3A_713, %lt3A_715 : vector<1x48xi1>
      %convert_element_type3A_717 = arith.extui %and3A_716 : vector<1x48xi1> to vector<1x48xi32>
      %convert_element_type3A_718 = arith.sitofp %convert_element_type3A_717 : vector<1x48xi32> to vector<1x48xf32>
      %sub3A_719 = vector.broadcast %add3A_74 : f32 to vector<1x48xf32>
      %sub3A_720 = arith.subf %mul3A_609, %sub3A_719 : vector<1x48xf32>
      %sub3A_721 = vector.broadcast %reduce_sum3A_84 : f32 to vector<1x48xf32>
      %sub3A_722 = arith.subf %sub3A_721, %sub3A_720 : vector<1x48xf32>
      %jit3A_723 = arith.constant 0.000000e+00 : f32
      %jit3A_724 = arith.constant 5.120000e+02 : f32
      %max3A_725 = vector.broadcast %jit3A_723 : f32 to vector<1x48xf32>
      %max3A_726 = arith.maximumf %max3A_725, %sub3A_722 : vector<1x48xf32>
      %min3A_727 = vector.broadcast %jit3A_724 : f32 to vector<1x48xf32>
      %min3A_728 = arith.minimumf %min3A_727, %max3A_726 : vector<1x48xf32>
      %mul3A_729 = arith.mulf %convert_element_type3A_718, %min3A_728 : vector<1x48xf32>
      %add3A_730 = arith.addf %add3A_706, %mul3A_729 : vector<1x48xf32>
      %ge3A_731 = vector.broadcast %add3A_106 : f32 to vector<1x48xf32>
      %ge3A_732 = arith.cmpf oge, %mul3A_609, %ge3A_731 : vector<1x48xf32>
      %convert_element_type3A_733 = arith.extui %ge3A_732 : vector<1x48xi1> to vector<1x48xi32>
      %convert_element_type3A_734 = arith.sitofp %convert_element_type3A_733 : vector<1x48xi32> to vector<1x48xf32>
      %add3A_735 = arith.addf %add3A_711, %convert_element_type3A_734 : vector<1x48xf32>
      %ge3A_736 = vector.broadcast %add3A_90 : f32 to vector<1x48xf32>
      %ge3A_737 = arith.cmpf oge, %mul3A_609, %ge3A_736 : vector<1x48xf32>
      %lt3A_738 = vector.broadcast %add3A_106 : f32 to vector<1x48xf32>
      %lt3A_739 = arith.cmpf olt, %mul3A_609, %lt3A_738 : vector<1x48xf32>
      %and3A_740 = arith.andi %ge3A_737, %lt3A_739 : vector<1x48xi1>
      %convert_element_type3A_741 = arith.extui %and3A_740 : vector<1x48xi1> to vector<1x48xi32>
      %convert_element_type3A_742 = arith.sitofp %convert_element_type3A_741 : vector<1x48xi32> to vector<1x48xf32>
      %sub3A_743 = vector.broadcast %add3A_90 : f32 to vector<1x48xf32>
      %sub3A_744 = arith.subf %mul3A_609, %sub3A_743 : vector<1x48xf32>
      %sub3A_745 = vector.broadcast %reduce_sum3A_100 : f32 to vector<1x48xf32>
      %sub3A_746 = arith.subf %sub3A_745, %sub3A_744 : vector<1x48xf32>
      %jit3A_747 = arith.constant 0.000000e+00 : f32
      %jit3A_748 = arith.constant 5.120000e+02 : f32
      %max3A_749 = vector.broadcast %jit3A_747 : f32 to vector<1x48xf32>
      %max3A_750 = arith.maximumf %max3A_749, %sub3A_746 : vector<1x48xf32>
      %min3A_751 = vector.broadcast %jit3A_748 : f32 to vector<1x48xf32>
      %min3A_752 = arith.minimumf %min3A_751, %max3A_750 : vector<1x48xf32>
      %mul3A_753 = arith.mulf %convert_element_type3A_742, %min3A_752 : vector<1x48xf32>
      %add3A_754 = arith.addf %add3A_730, %mul3A_753 : vector<1x48xf32>
      %ge3A_755 = vector.broadcast %add3A_122 : f32 to vector<1x48xf32>
      %ge3A_756 = arith.cmpf oge, %mul3A_609, %ge3A_755 : vector<1x48xf32>
      %convert_element_type3A_757 = arith.extui %ge3A_756 : vector<1x48xi1> to vector<1x48xi32>
      %convert_element_type3A_758 = arith.sitofp %convert_element_type3A_757 : vector<1x48xi32> to vector<1x48xf32>
      %add3A_759 = arith.addf %add3A_735, %convert_element_type3A_758 : vector<1x48xf32>
      %ge3A_760 = vector.broadcast %add3A_106 : f32 to vector<1x48xf32>
      %ge3A_761 = arith.cmpf oge, %mul3A_609, %ge3A_760 : vector<1x48xf32>
      %lt3A_762 = vector.broadcast %add3A_122 : f32 to vector<1x48xf32>
      %lt3A_763 = arith.cmpf olt, %mul3A_609, %lt3A_762 : vector<1x48xf32>
      %and3A_764 = arith.andi %ge3A_761, %lt3A_763 : vector<1x48xi1>
      %convert_element_type3A_765 = arith.extui %and3A_764 : vector<1x48xi1> to vector<1x48xi32>
      %convert_element_type3A_766 = arith.sitofp %convert_element_type3A_765 : vector<1x48xi32> to vector<1x48xf32>
      %sub3A_767 = vector.broadcast %add3A_106 : f32 to vector<1x48xf32>
      %sub3A_768 = arith.subf %mul3A_609, %sub3A_767 : vector<1x48xf32>
      %sub3A_769 = vector.broadcast %reduce_sum3A_116 : f32 to vector<1x48xf32>
      %sub3A_770 = arith.subf %sub3A_769, %sub3A_768 : vector<1x48xf32>
      %jit3A_771 = arith.constant 0.000000e+00 : f32
      %jit3A_772 = arith.constant 5.120000e+02 : f32
      %max3A_773 = vector.broadcast %jit3A_771 : f32 to vector<1x48xf32>
      %max3A_774 = arith.maximumf %max3A_773, %sub3A_770 : vector<1x48xf32>
      %min3A_775 = vector.broadcast %jit3A_772 : f32 to vector<1x48xf32>
      %min3A_776 = arith.minimumf %min3A_775, %max3A_774 : vector<1x48xf32>
      %mul3A_777 = arith.mulf %convert_element_type3A_766, %min3A_776 : vector<1x48xf32>
      %add3A_778 = arith.addf %add3A_754, %mul3A_777 : vector<1x48xf32>
      %ge3A_779 = vector.broadcast %add3A_138 : f32 to vector<1x48xf32>
      %ge3A_780 = arith.cmpf oge, %mul3A_609, %ge3A_779 : vector<1x48xf32>
      %convert_element_type3A_781 = arith.extui %ge3A_780 : vector<1x48xi1> to vector<1x48xi32>
      %convert_element_type3A_782 = arith.sitofp %convert_element_type3A_781 : vector<1x48xi32> to vector<1x48xf32>
      %add3A_783 = arith.addf %add3A_759, %convert_element_type3A_782 : vector<1x48xf32>
      %ge3A_784 = vector.broadcast %add3A_122 : f32 to vector<1x48xf32>
      %ge3A_785 = arith.cmpf oge, %mul3A_609, %ge3A_784 : vector<1x48xf32>
      %lt3A_786 = vector.broadcast %add3A_138 : f32 to vector<1x48xf32>
      %lt3A_787 = arith.cmpf olt, %mul3A_609, %lt3A_786 : vector<1x48xf32>
      %and3A_788 = arith.andi %ge3A_785, %lt3A_787 : vector<1x48xi1>
      %convert_element_type3A_789 = arith.extui %and3A_788 : vector<1x48xi1> to vector<1x48xi32>
      %convert_element_type3A_790 = arith.sitofp %convert_element_type3A_789 : vector<1x48xi32> to vector<1x48xf32>
      %sub3A_791 = vector.broadcast %add3A_122 : f32 to vector<1x48xf32>
      %sub3A_792 = arith.subf %mul3A_609, %sub3A_791 : vector<1x48xf32>
      %sub3A_793 = vector.broadcast %reduce_sum3A_132 : f32 to vector<1x48xf32>
      %sub3A_794 = arith.subf %sub3A_793, %sub3A_792 : vector<1x48xf32>
      %jit3A_795 = arith.constant 0.000000e+00 : f32
      %jit3A_796 = arith.constant 5.120000e+02 : f32
      %max3A_797 = vector.broadcast %jit3A_795 : f32 to vector<1x48xf32>
      %max3A_798 = arith.maximumf %max3A_797, %sub3A_794 : vector<1x48xf32>
      %min3A_799 = vector.broadcast %jit3A_796 : f32 to vector<1x48xf32>
      %min3A_800 = arith.minimumf %min3A_799, %max3A_798 : vector<1x48xf32>
      %mul3A_801 = arith.mulf %convert_element_type3A_790, %min3A_800 : vector<1x48xf32>
      %add3A_802 = arith.addf %add3A_778, %mul3A_801 : vector<1x48xf32>
      %ge3A_803 = vector.broadcast %add3A_154 : f32 to vector<1x48xf32>
      %ge3A_804 = arith.cmpf oge, %mul3A_609, %ge3A_803 : vector<1x48xf32>
      %convert_element_type3A_805 = arith.extui %ge3A_804 : vector<1x48xi1> to vector<1x48xi32>
      %convert_element_type3A_806 = arith.sitofp %convert_element_type3A_805 : vector<1x48xi32> to vector<1x48xf32>
      %add3A_807 = arith.addf %add3A_783, %convert_element_type3A_806 : vector<1x48xf32>
      %ge3A_808 = vector.broadcast %add3A_138 : f32 to vector<1x48xf32>
      %ge3A_809 = arith.cmpf oge, %mul3A_609, %ge3A_808 : vector<1x48xf32>
      %lt3A_810 = vector.broadcast %add3A_154 : f32 to vector<1x48xf32>
      %lt3A_811 = arith.cmpf olt, %mul3A_609, %lt3A_810 : vector<1x48xf32>
      %and3A_812 = arith.andi %ge3A_809, %lt3A_811 : vector<1x48xi1>
      %convert_element_type3A_813 = arith.extui %and3A_812 : vector<1x48xi1> to vector<1x48xi32>
      %convert_element_type3A_814 = arith.sitofp %convert_element_type3A_813 : vector<1x48xi32> to vector<1x48xf32>
      %sub3A_815 = vector.broadcast %add3A_138 : f32 to vector<1x48xf32>
      %sub3A_816 = arith.subf %mul3A_609, %sub3A_815 : vector<1x48xf32>
      %sub3A_817 = vector.broadcast %reduce_sum3A_148 : f32 to vector<1x48xf32>
      %sub3A_818 = arith.subf %sub3A_817, %sub3A_816 : vector<1x48xf32>
      %jit3A_819 = arith.constant 0.000000e+00 : f32
      %jit3A_820 = arith.constant 5.120000e+02 : f32
      %max3A_821 = vector.broadcast %jit3A_819 : f32 to vector<1x48xf32>
      %max3A_822 = arith.maximumf %max3A_821, %sub3A_818 : vector<1x48xf32>
      %min3A_823 = vector.broadcast %jit3A_820 : f32 to vector<1x48xf32>
      %min3A_824 = arith.minimumf %min3A_823, %max3A_822 : vector<1x48xf32>
      %mul3A_825 = arith.mulf %convert_element_type3A_814, %min3A_824 : vector<1x48xf32>
      %add3A_826 = arith.addf %add3A_802, %mul3A_825 : vector<1x48xf32>
      %ge3A_827 = vector.broadcast %add3A_170 : f32 to vector<1x48xf32>
      %ge3A_828 = arith.cmpf oge, %mul3A_609, %ge3A_827 : vector<1x48xf32>
      %convert_element_type3A_829 = arith.extui %ge3A_828 : vector<1x48xi1> to vector<1x48xi32>
      %convert_element_type3A_830 = arith.sitofp %convert_element_type3A_829 : vector<1x48xi32> to vector<1x48xf32>
      %add3A_831 = arith.addf %add3A_807, %convert_element_type3A_830 : vector<1x48xf32>
      %ge3A_832 = vector.broadcast %add3A_154 : f32 to vector<1x48xf32>
      %ge3A_833 = arith.cmpf oge, %mul3A_609, %ge3A_832 : vector<1x48xf32>
      %lt3A_834 = vector.broadcast %add3A_170 : f32 to vector<1x48xf32>
      %lt3A_835 = arith.cmpf olt, %mul3A_609, %lt3A_834 : vector<1x48xf32>
      %and3A_836 = arith.andi %ge3A_833, %lt3A_835 : vector<1x48xi1>
      %convert_element_type3A_837 = arith.extui %and3A_836 : vector<1x48xi1> to vector<1x48xi32>
      %convert_element_type3A_838 = arith.sitofp %convert_element_type3A_837 : vector<1x48xi32> to vector<1x48xf32>
      %sub3A_839 = vector.broadcast %add3A_154 : f32 to vector<1x48xf32>
      %sub3A_840 = arith.subf %mul3A_609, %sub3A_839 : vector<1x48xf32>
      %sub3A_841 = vector.broadcast %reduce_sum3A_164 : f32 to vector<1x48xf32>
      %sub3A_842 = arith.subf %sub3A_841, %sub3A_840 : vector<1x48xf32>
      %jit3A_843 = arith.constant 0.000000e+00 : f32
      %jit3A_844 = arith.constant 5.120000e+02 : f32
      %max3A_845 = vector.broadcast %jit3A_843 : f32 to vector<1x48xf32>
      %max3A_846 = arith.maximumf %max3A_845, %sub3A_842 : vector<1x48xf32>
      %min3A_847 = vector.broadcast %jit3A_844 : f32 to vector<1x48xf32>
      %min3A_848 = arith.minimumf %min3A_847, %max3A_846 : vector<1x48xf32>
      %mul3A_849 = arith.mulf %convert_element_type3A_838, %min3A_848 : vector<1x48xf32>
      %add3A_850 = arith.addf %add3A_826, %mul3A_849 : vector<1x48xf32>
      %ge3A_851 = vector.broadcast %add3A_186 : f32 to vector<1x48xf32>
      %ge3A_852 = arith.cmpf oge, %mul3A_609, %ge3A_851 : vector<1x48xf32>
      %convert_element_type3A_853 = arith.extui %ge3A_852 : vector<1x48xi1> to vector<1x48xi32>
      %convert_element_type3A_854 = arith.sitofp %convert_element_type3A_853 : vector<1x48xi32> to vector<1x48xf32>
      %add3A_855 = arith.addf %add3A_831, %convert_element_type3A_854 : vector<1x48xf32>
      %ge3A_856 = vector.broadcast %add3A_170 : f32 to vector<1x48xf32>
      %ge3A_857 = arith.cmpf oge, %mul3A_609, %ge3A_856 : vector<1x48xf32>
      %lt3A_858 = vector.broadcast %add3A_186 : f32 to vector<1x48xf32>
      %lt3A_859 = arith.cmpf olt, %mul3A_609, %lt3A_858 : vector<1x48xf32>
      %and3A_860 = arith.andi %ge3A_857, %lt3A_859 : vector<1x48xi1>
      %convert_element_type3A_861 = arith.extui %and3A_860 : vector<1x48xi1> to vector<1x48xi32>
      %convert_element_type3A_862 = arith.sitofp %convert_element_type3A_861 : vector<1x48xi32> to vector<1x48xf32>
      %sub3A_863 = vector.broadcast %add3A_170 : f32 to vector<1x48xf32>
      %sub3A_864 = arith.subf %mul3A_609, %sub3A_863 : vector<1x48xf32>
      %sub3A_865 = vector.broadcast %reduce_sum3A_180 : f32 to vector<1x48xf32>
      %sub3A_866 = arith.subf %sub3A_865, %sub3A_864 : vector<1x48xf32>
      %jit3A_867 = arith.constant 0.000000e+00 : f32
      %jit3A_868 = arith.constant 5.120000e+02 : f32
      %max3A_869 = vector.broadcast %jit3A_867 : f32 to vector<1x48xf32>
      %max3A_870 = arith.maximumf %max3A_869, %sub3A_866 : vector<1x48xf32>
      %min3A_871 = vector.broadcast %jit3A_868 : f32 to vector<1x48xf32>
      %min3A_872 = arith.minimumf %min3A_871, %max3A_870 : vector<1x48xf32>
      %mul3A_873 = arith.mulf %convert_element_type3A_862, %min3A_872 : vector<1x48xf32>
      %add3A_874 = arith.addf %add3A_850, %mul3A_873 : vector<1x48xf32>
      %ge3A_875 = vector.broadcast %add3A_202 : f32 to vector<1x48xf32>
      %ge3A_876 = arith.cmpf oge, %mul3A_609, %ge3A_875 : vector<1x48xf32>
      %convert_element_type3A_877 = arith.extui %ge3A_876 : vector<1x48xi1> to vector<1x48xi32>
      %convert_element_type3A_878 = arith.sitofp %convert_element_type3A_877 : vector<1x48xi32> to vector<1x48xf32>
      %add3A_879 = arith.addf %add3A_855, %convert_element_type3A_878 : vector<1x48xf32>
      %ge3A_880 = vector.broadcast %add3A_186 : f32 to vector<1x48xf32>
      %ge3A_881 = arith.cmpf oge, %mul3A_609, %ge3A_880 : vector<1x48xf32>
      %lt3A_882 = vector.broadcast %add3A_202 : f32 to vector<1x48xf32>
      %lt3A_883 = arith.cmpf olt, %mul3A_609, %lt3A_882 : vector<1x48xf32>
      %and3A_884 = arith.andi %ge3A_881, %lt3A_883 : vector<1x48xi1>
      %convert_element_type3A_885 = arith.extui %and3A_884 : vector<1x48xi1> to vector<1x48xi32>
      %convert_element_type3A_886 = arith.sitofp %convert_element_type3A_885 : vector<1x48xi32> to vector<1x48xf32>
      %sub3A_887 = vector.broadcast %add3A_186 : f32 to vector<1x48xf32>
      %sub3A_888 = arith.subf %mul3A_609, %sub3A_887 : vector<1x48xf32>
      %sub3A_889 = vector.broadcast %reduce_sum3A_196 : f32 to vector<1x48xf32>
      %sub3A_890 = arith.subf %sub3A_889, %sub3A_888 : vector<1x48xf32>
      %jit3A_891 = arith.constant 0.000000e+00 : f32
      %jit3A_892 = arith.constant 5.120000e+02 : f32
      %max3A_893 = vector.broadcast %jit3A_891 : f32 to vector<1x48xf32>
      %max3A_894 = arith.maximumf %max3A_893, %sub3A_890 : vector<1x48xf32>
      %min3A_895 = vector.broadcast %jit3A_892 : f32 to vector<1x48xf32>
      %min3A_896 = arith.minimumf %min3A_895, %max3A_894 : vector<1x48xf32>
      %mul3A_897 = arith.mulf %convert_element_type3A_886, %min3A_896 : vector<1x48xf32>
      %add3A_898 = arith.addf %add3A_874, %mul3A_897 : vector<1x48xf32>
      %ge3A_899 = vector.broadcast %add3A_218 : f32 to vector<1x48xf32>
      %ge3A_900 = arith.cmpf oge, %mul3A_609, %ge3A_899 : vector<1x48xf32>
      %convert_element_type3A_901 = arith.extui %ge3A_900 : vector<1x48xi1> to vector<1x48xi32>
      %convert_element_type3A_902 = arith.sitofp %convert_element_type3A_901 : vector<1x48xi32> to vector<1x48xf32>
      %add3A_903 = arith.addf %add3A_879, %convert_element_type3A_902 : vector<1x48xf32>
      %ge3A_904 = vector.broadcast %add3A_202 : f32 to vector<1x48xf32>
      %ge3A_905 = arith.cmpf oge, %mul3A_609, %ge3A_904 : vector<1x48xf32>
      %lt3A_906 = vector.broadcast %add3A_218 : f32 to vector<1x48xf32>
      %lt3A_907 = arith.cmpf olt, %mul3A_609, %lt3A_906 : vector<1x48xf32>
      %and3A_908 = arith.andi %ge3A_905, %lt3A_907 : vector<1x48xi1>
      %convert_element_type3A_909 = arith.extui %and3A_908 : vector<1x48xi1> to vector<1x48xi32>
      %convert_element_type3A_910 = arith.sitofp %convert_element_type3A_909 : vector<1x48xi32> to vector<1x48xf32>
      %sub3A_911 = vector.broadcast %add3A_202 : f32 to vector<1x48xf32>
      %sub3A_912 = arith.subf %mul3A_609, %sub3A_911 : vector<1x48xf32>
      %sub3A_913 = vector.broadcast %reduce_sum3A_212 : f32 to vector<1x48xf32>
      %sub3A_914 = arith.subf %sub3A_913, %sub3A_912 : vector<1x48xf32>
      %jit3A_915 = arith.constant 0.000000e+00 : f32
      %jit3A_916 = arith.constant 5.120000e+02 : f32
      %max3A_917 = vector.broadcast %jit3A_915 : f32 to vector<1x48xf32>
      %max3A_918 = arith.maximumf %max3A_917, %sub3A_914 : vector<1x48xf32>
      %min3A_919 = vector.broadcast %jit3A_916 : f32 to vector<1x48xf32>
      %min3A_920 = arith.minimumf %min3A_919, %max3A_918 : vector<1x48xf32>
      %mul3A_921 = arith.mulf %convert_element_type3A_910, %min3A_920 : vector<1x48xf32>
      %add3A_922 = arith.addf %add3A_898, %mul3A_921 : vector<1x48xf32>
      %ge3A_923 = vector.broadcast %add3A_234 : f32 to vector<1x48xf32>
      %ge3A_924 = arith.cmpf oge, %mul3A_609, %ge3A_923 : vector<1x48xf32>
      %convert_element_type3A_925 = arith.extui %ge3A_924 : vector<1x48xi1> to vector<1x48xi32>
      %convert_element_type3A_926 = arith.sitofp %convert_element_type3A_925 : vector<1x48xi32> to vector<1x48xf32>
      %add3A_927 = arith.addf %add3A_903, %convert_element_type3A_926 : vector<1x48xf32>
      %ge3A_928 = vector.broadcast %add3A_218 : f32 to vector<1x48xf32>
      %ge3A_929 = arith.cmpf oge, %mul3A_609, %ge3A_928 : vector<1x48xf32>
      %lt3A_930 = vector.broadcast %add3A_234 : f32 to vector<1x48xf32>
      %lt3A_931 = arith.cmpf olt, %mul3A_609, %lt3A_930 : vector<1x48xf32>
      %and3A_932 = arith.andi %ge3A_929, %lt3A_931 : vector<1x48xi1>
      %convert_element_type3A_933 = arith.extui %and3A_932 : vector<1x48xi1> to vector<1x48xi32>
      %convert_element_type3A_934 = arith.sitofp %convert_element_type3A_933 : vector<1x48xi32> to vector<1x48xf32>
      %sub3A_935 = vector.broadcast %add3A_218 : f32 to vector<1x48xf32>
      %sub3A_936 = arith.subf %mul3A_609, %sub3A_935 : vector<1x48xf32>
      %sub3A_937 = vector.broadcast %reduce_sum3A_228 : f32 to vector<1x48xf32>
      %sub3A_938 = arith.subf %sub3A_937, %sub3A_936 : vector<1x48xf32>
      %jit3A_939 = arith.constant 0.000000e+00 : f32
      %jit3A_940 = arith.constant 5.120000e+02 : f32
      %max3A_941 = vector.broadcast %jit3A_939 : f32 to vector<1x48xf32>
      %max3A_942 = arith.maximumf %max3A_941, %sub3A_938 : vector<1x48xf32>
      %min3A_943 = vector.broadcast %jit3A_940 : f32 to vector<1x48xf32>
      %min3A_944 = arith.minimumf %min3A_943, %max3A_942 : vector<1x48xf32>
      %mul3A_945 = arith.mulf %convert_element_type3A_934, %min3A_944 : vector<1x48xf32>
      %add3A_946 = arith.addf %add3A_922, %mul3A_945 : vector<1x48xf32>
      %ge3A_947 = vector.broadcast %add3A_250 : f32 to vector<1x48xf32>
      %ge3A_948 = arith.cmpf oge, %mul3A_609, %ge3A_947 : vector<1x48xf32>
      %convert_element_type3A_949 = arith.extui %ge3A_948 : vector<1x48xi1> to vector<1x48xi32>
      %convert_element_type3A_950 = arith.sitofp %convert_element_type3A_949 : vector<1x48xi32> to vector<1x48xf32>
      %add3A_951 = arith.addf %add3A_927, %convert_element_type3A_950 : vector<1x48xf32>
      %ge3A_952 = vector.broadcast %add3A_234 : f32 to vector<1x48xf32>
      %ge3A_953 = arith.cmpf oge, %mul3A_609, %ge3A_952 : vector<1x48xf32>
      %lt3A_954 = vector.broadcast %add3A_250 : f32 to vector<1x48xf32>
      %lt3A_955 = arith.cmpf olt, %mul3A_609, %lt3A_954 : vector<1x48xf32>
      %and3A_956 = arith.andi %ge3A_953, %lt3A_955 : vector<1x48xi1>
      %convert_element_type3A_957 = arith.extui %and3A_956 : vector<1x48xi1> to vector<1x48xi32>
      %convert_element_type3A_958 = arith.sitofp %convert_element_type3A_957 : vector<1x48xi32> to vector<1x48xf32>
      %sub3A_959 = vector.broadcast %add3A_234 : f32 to vector<1x48xf32>
      %sub3A_960 = arith.subf %mul3A_609, %sub3A_959 : vector<1x48xf32>
      %sub3A_961 = vector.broadcast %reduce_sum3A_244 : f32 to vector<1x48xf32>
      %sub3A_962 = arith.subf %sub3A_961, %sub3A_960 : vector<1x48xf32>
      %jit3A_963 = arith.constant 0.000000e+00 : f32
      %jit3A_964 = arith.constant 5.120000e+02 : f32
      %max3A_965 = vector.broadcast %jit3A_963 : f32 to vector<1x48xf32>
      %max3A_966 = arith.maximumf %max3A_965, %sub3A_962 : vector<1x48xf32>
      %min3A_967 = vector.broadcast %jit3A_964 : f32 to vector<1x48xf32>
      %min3A_968 = arith.minimumf %min3A_967, %max3A_966 : vector<1x48xf32>
      %mul3A_969 = arith.mulf %convert_element_type3A_958, %min3A_968 : vector<1x48xf32>
      %add3A_970 = arith.addf %add3A_946, %mul3A_969 : vector<1x48xf32>
      %ge3A_971 = vector.broadcast %add3A_266 : f32 to vector<1x48xf32>
      %ge3A_972 = arith.cmpf oge, %mul3A_609, %ge3A_971 : vector<1x48xf32>
      %convert_element_type3A_973 = arith.extui %ge3A_972 : vector<1x48xi1> to vector<1x48xi32>
      %convert_element_type3A_974 = arith.sitofp %convert_element_type3A_973 : vector<1x48xi32> to vector<1x48xf32>
      %add3A_975 = arith.addf %add3A_951, %convert_element_type3A_974 : vector<1x48xf32>
      %ge3A_976 = vector.broadcast %add3A_250 : f32 to vector<1x48xf32>
      %ge3A_977 = arith.cmpf oge, %mul3A_609, %ge3A_976 : vector<1x48xf32>
      %lt3A_978 = vector.broadcast %add3A_266 : f32 to vector<1x48xf32>
      %lt3A_979 = arith.cmpf olt, %mul3A_609, %lt3A_978 : vector<1x48xf32>
      %and3A_980 = arith.andi %ge3A_977, %lt3A_979 : vector<1x48xi1>
      %convert_element_type3A_981 = arith.extui %and3A_980 : vector<1x48xi1> to vector<1x48xi32>
      %convert_element_type3A_982 = arith.sitofp %convert_element_type3A_981 : vector<1x48xi32> to vector<1x48xf32>
      %sub3A_983 = vector.broadcast %add3A_250 : f32 to vector<1x48xf32>
      %sub3A_984 = arith.subf %mul3A_609, %sub3A_983 : vector<1x48xf32>
      %sub3A_985 = vector.broadcast %reduce_sum3A_260 : f32 to vector<1x48xf32>
      %sub3A_986 = arith.subf %sub3A_985, %sub3A_984 : vector<1x48xf32>
      %jit3A_987 = arith.constant 0.000000e+00 : f32
      %jit3A_988 = arith.constant 5.120000e+02 : f32
      %max3A_989 = vector.broadcast %jit3A_987 : f32 to vector<1x48xf32>
      %max3A_990 = arith.maximumf %max3A_989, %sub3A_986 : vector<1x48xf32>
      %min3A_991 = vector.broadcast %jit3A_988 : f32 to vector<1x48xf32>
      %min3A_992 = arith.minimumf %min3A_991, %max3A_990 : vector<1x48xf32>
      %mul3A_993 = arith.mulf %convert_element_type3A_982, %min3A_992 : vector<1x48xf32>
      %add3A_994 = arith.addf %add3A_970, %mul3A_993 : vector<1x48xf32>
      %min3A_995 = arith.constant 1.500000e+01 : f32
      %min3A_996 = vector.broadcast %min3A_995 : f32 to vector<1x48xf32>
      %min3A_997 = arith.minimumf %add3A_975, %min3A_996 : vector<1x48xf32>
      %convert_element_type3A_998 = arith.fptosi %min3A_997 : vector<1x48xf32> to vector<1x48xi32>
      %swap3A_999 = arith.constant 0 : index
      %swap3A_1000 = arith.constant 0 : index
      %swap3A_1001 = vector.load %arg7[%swap3A_999, %swap3A_1000] : memref<1x48xi32, #tpu.memory_space<vmem>>, vector<1x48xi32>
      tpu.vector_store %arg7[%swap3A_999, %swap3A_1000], %convert_element_type3A_998 {strides = array<i32>} : memref<1x48xi32, #tpu.memory_space<vmem>>, vector<1x48xi32>,
      %convert_element_type3A_1002 = arith.fptosi %add3A_994 : vector<1x48xf32> to vector<1x48xi32>
      %swap3A_1003 = arith.constant 0 : index
      %swap3A_1004 = arith.constant 0 : index
      %swap3A_1005 = vector.load %arg8[%swap3A_1003, %swap3A_1004] : memref<1x48xi32, #tpu.memory_space<vmem>>, vector<1x48xi32>
      tpu.vector_store %arg8[%swap3A_1003, %swap3A_1004], %convert_element_type3A_1002 {strides = array<i32>} : memref<1x48xi32, #tpu.memory_space<vmem>>, vector<1x48xi32>,
      %get3A_1006 = arith.constant 7 : index
      %get3A_1007 = arith.constant 0 : index
      %get3A_1008 = vector.load %arg5[%get3A_1006, %get3A_1007] : memref<135x256xf32, #tpu.memory_space<vmem>>, vector<128x256xf32>
      %convert_element_type3A_1009 = arith.truncf %get3A_1008 : vector<128x256xf32> to vector<128x256xbf16>
      %get3A_1010 = arith.constant 0 : index
      %get3A_1011 = arith.constant 0 : index
      %get3A_1012 = vector.load %arg5[%get3A_1010, %get3A_1011] : memref<135x256xf32, #tpu.memory_space<vmem>>, vector<7x256xf32>
      %broadcast_in_dim3A_1013 = arith.constant 0.000000e+00 : f32
      %broadcast_in_dim3A_1014 = vector.broadcast %broadcast_in_dim3A_1013 : f32 to vector<1x256xf32>
      %concatenate3A = tpu.concatenate %get3A_1012, %broadcast_in_dim3A_1014 in 0 : vector<7x256xf32>, vector<1x256xf32> -> vector<8x256xf32>
      %convert_element_type3A_1015 = arith.truncf %concatenate3A : vector<8x256xf32> to vector<8x256xbf16>
      %swap3A_1016 = arith.constant 0 : index
      %swap3A_1017 = arith.constant 0 : index
      %swap3A_1018 = vector.load %arg12[%swap3A_1016, %swap3A_1017] : memref<8x256xbf16, #tpu.memory_space<vmem>>, vector<8x256xbf16>
      tpu.vector_store %arg12[%swap3A_1016, %swap3A_1017], %convert_element_type3A_1015 {strides = array<i32>} : memref<8x256xbf16, #tpu.memory_space<vmem>>, vector<8x256xbf16>,
      %get3A_1019 = arith.constant 0 : index
      %get3A_1020 = arith.constant 0 : index
      %get3A_1021 = arith.constant 0 : index
      %get3A_1022 = vector.load %arg3[%get3A_1019, %get3A_1020, %get3A_1021] : memref<16x256x128xf32, #tpu.memory_space<vmem>>, vector<1x256x128xf32>
      %get3A_1023 = vector.shape_cast %get3A_1022 : vector<1x256x128xf32> to vector<256x128xf32>
      %convert_element_type3A_1024 = arith.truncf %get3A_1023 : vector<256x128xf32> to vector<256x128xbf16>
      %dot_general3A_1025 = arith.constant dense<0.000000e+00> : vector<256x256xf32>
      %dot_general3A_1026 = tpu.matmul %convert_element_type3A_1024, %convert_element_type3A_1009, %dot_general3A_1025 {dimension_numbers = #tpu.dot_dimension_numbers<[1], [0], [0], [1], [0, 0, 1, 1], [], []>, transpose_lhs_hint = false} : vector<256x128xbf16>, vector<128x256xbf16>, vector<256x256xf32> -> vector<256x256xf32>
      %convert_element_type3A_1027 = arith.truncf %dot_general3A_1026 : vector<256x256xf32> to vector<256x256xbf16>
      %swap3A_1028 = arith.constant 0 : index
      %swap3A_1029 = arith.constant 0 : index
      %swap3A_1030 = arith.constant 0 : index
      %swap3A_1031 = vector.load %arg10[%swap3A_1028, %swap3A_1029, %swap3A_1030] : memref<16x256x256xbf16, #tpu.memory_space<vmem>>, vector<1x256x256xbf16>
      %swap3A_1032 = vector.shape_cast %swap3A_1031 : vector<1x256x256xbf16> to vector<256x256xbf16>
      %swap3A_1033 = vector.shape_cast %convert_element_type3A_1027 : vector<256x256xbf16> to vector<1x256x256xbf16>
      tpu.vector_store %arg10[%swap3A_1028, %swap3A_1029, %swap3A_1030], %swap3A_1033 {strides = array<i32>} : memref<16x256x256xbf16, #tpu.memory_space<vmem>>, vector<1x256x256xbf16>,
      %get3A_1034 = arith.constant 0 : index
      %get3A_1035 = arith.constant 0 : index
      %get3A_1036 = arith.constant 0 : index
      %get3A_1037 = vector.load %arg4[%get3A_1034, %get3A_1035, %get3A_1036] : memref<16x1x128xf32, #tpu.memory_space<vmem>>, vector<1x1x128xf32>
      %get3A_1038 = vector.shape_cast %get3A_1037 : vector<1x1x128xf32> to vector<1x128xf32>
      %convert_element_type3A_1039 = arith.truncf %get3A_1038 : vector<1x128xf32> to vector<1x128xbf16>
      %dot_general3A_1040 = arith.constant dense<0.000000e+00> : vector<1x256xf32>
      %dot_general3A_1041 = tpu.matmul %convert_element_type3A_1039, %convert_element_type3A_1009, %dot_general3A_1040 {dimension_numbers = #tpu.dot_dimension_numbers<[1], [0], [0], [1], [0, 0, 1, 1], [], []>, transpose_lhs_hint = false} : vector<1x128xbf16>, vector<128x256xbf16>, vector<1x256xf32> -> vector<1x256xf32>
      %swap3A_1042 = arith.constant 0 : index
      %swap3A_1043 = arith.constant 0 : index
      %swap3A_1044 = arith.constant 0 : index
      %swap3A_1045 = vector.load %arg11[%swap3A_1042, %swap3A_1043, %swap3A_1044] : memref<16x1x256xf32, #tpu.memory_space<vmem>>, vector<1x1x256xf32>
      %swap3A_1046 = vector.shape_cast %swap3A_1045 : vector<1x1x256xf32> to vector<1x256xf32>
      %swap3A_1047 = vector.shape_cast %dot_general3A_1041 : vector<1x256xf32> to vector<1x1x256xf32>
      tpu.vector_store %arg11[%swap3A_1042, %swap3A_1043, %swap3A_1044], %swap3A_1047 {strides = array<i32>} : memref<16x1x256xf32, #tpu.memory_space<vmem>>, vector<1x1x256xf32>,
      %get3A_1048 = arith.constant 1 : index
      %get3A_1049 = arith.constant 0 : index
      %get3A_1050 = arith.constant 0 : index
      %get3A_1051 = vector.load %arg3[%get3A_1048, %get3A_1049, %get3A_1050] : memref<16x256x128xf32, #tpu.memory_space<vmem>>, vector<1x256x128xf32>
      %get3A_1052 = vector.shape_cast %get3A_1051 : vector<1x256x128xf32> to vector<256x128xf32>
      %convert_element_type3A_1053 = arith.truncf %get3A_1052 : vector<256x128xf32> to vector<256x128xbf16>
      %dot_general3A_1054 = arith.constant dense<0.000000e+00> : vector<256x256xf32>
      %dot_general3A_1055 = tpu.matmul %convert_element_type3A_1053, %convert_element_type3A_1009, %dot_general3A_1054 {dimension_numbers = #tpu.dot_dimension_numbers<[1], [0], [0], [1], [0, 0, 1, 1], [], []>, transpose_lhs_hint = false} : vector<256x128xbf16>, vector<128x256xbf16>, vector<256x256xf32> -> vector<256x256xf32>
      %convert_element_type3A_1056 = arith.truncf %dot_general3A_1055 : vector<256x256xf32> to vector<256x256xbf16>
      %swap3A_1057 = arith.constant 1 : index
      %swap3A_1058 = arith.constant 0 : index
      %swap3A_1059 = arith.constant 0 : index
      %swap3A_1060 = vector.load %arg10[%swap3A_1057, %swap3A_1058, %swap3A_1059] : memref<16x256x256xbf16, #tpu.memory_space<vmem>>, vector<1x256x256xbf16>
      %swap3A_1061 = vector.shape_cast %swap3A_1060 : vector<1x256x256xbf16> to vector<256x256xbf16>
      %swap3A_1062 = vector.shape_cast %convert_element_type3A_1056 : vector<256x256xbf16> to vector<1x256x256xbf16>
      tpu.vector_store %arg10[%swap3A_1057, %swap3A_1058, %swap3A_1059], %swap3A_1062 {strides = array<i32>} : memref<16x256x256xbf16, #tpu.memory_space<vmem>>, vector<1x256x256xbf16>,
      %get3A_1063 = arith.constant 1 : index
      %get3A_1064 = arith.constant 0 : index
      %get3A_1065 = arith.constant 0 : index
      %get3A_1066 = vector.load %arg4[%get3A_1063, %get3A_1064, %get3A_1065] : memref<16x1x128xf32, #tpu.memory_space<vmem>>, vector<1x1x128xf32>
      %get3A_1067 = vector.shape_cast %get3A_1066 : vector<1x1x128xf32> to vector<1x128xf32>
      %convert_element_type3A_1068 = arith.truncf %get3A_1067 : vector<1x128xf32> to vector<1x128xbf16>
      %dot_general3A_1069 = arith.constant dense<0.000000e+00> : vector<1x256xf32>
      %dot_general3A_1070 = tpu.matmul %convert_element_type3A_1068, %convert_element_type3A_1009, %dot_general3A_1069 {dimension_numbers = #tpu.dot_dimension_numbers<[1], [0], [0], [1], [0, 0, 1, 1], [], []>, transpose_lhs_hint = false} : vector<1x128xbf16>, vector<128x256xbf16>, vector<1x256xf32> -> vector<1x256xf32>
      %swap3A_1071 = arith.constant 1 : index
      %swap3A_1072 = arith.constant 0 : index
      %swap3A_1073 = arith.constant 0 : index
      %swap3A_1074 = vector.load %arg11[%swap3A_1071, %swap3A_1072, %swap3A_1073] : memref<16x1x256xf32, #tpu.memory_space<vmem>>, vector<1x1x256xf32>
      %swap3A_1075 = vector.shape_cast %swap3A_1074 : vector<1x1x256xf32> to vector<1x256xf32>
      %swap3A_1076 = vector.shape_cast %dot_general3A_1070 : vector<1x256xf32> to vector<1x1x256xf32>
      tpu.vector_store %arg11[%swap3A_1071, %swap3A_1072, %swap3A_1073], %swap3A_1076 {strides = array<i32>} : memref<16x1x256xf32, #tpu.memory_space<vmem>>, vector<1x1x256xf32>,
      %get3A_1077 = arith.constant 2 : index
      %get3A_1078 = arith.constant 0 : index
      %get3A_1079 = arith.constant 0 : index
      %get3A_1080 = vector.load %arg3[%get3A_1077, %get3A_1078, %get3A_1079] : memref<16x256x128xf32, #tpu.memory_space<vmem>>, vector<1x256x128xf32>
      %get3A_1081 = vector.shape_cast %get3A_1080 : vector<1x256x128xf32> to vector<256x128xf32>
      %convert_element_type3A_1082 = arith.truncf %get3A_1081 : vector<256x128xf32> to vector<256x128xbf16>
      %dot_general3A_1083 = arith.constant dense<0.000000e+00> : vector<256x256xf32>
      %dot_general3A_1084 = tpu.matmul %convert_element_type3A_1082, %convert_element_type3A_1009, %dot_general3A_1083 {dimension_numbers = #tpu.dot_dimension_numbers<[1], [0], [0], [1], [0, 0, 1, 1], [], []>, transpose_lhs_hint = false} : vector<256x128xbf16>, vector<128x256xbf16>, vector<256x256xf32> -> vector<256x256xf32>
      %convert_element_type3A_1085 = arith.truncf %dot_general3A_1084 : vector<256x256xf32> to vector<256x256xbf16>
      %swap3A_1086 = arith.constant 2 : index
      %swap3A_1087 = arith.constant 0 : index
      %swap3A_1088 = arith.constant 0 : index
      %swap3A_1089 = vector.load %arg10[%swap3A_1086, %swap3A_1087, %swap3A_1088] : memref<16x256x256xbf16, #tpu.memory_space<vmem>>, vector<1x256x256xbf16>
      %swap3A_1090 = vector.shape_cast %swap3A_1089 : vector<1x256x256xbf16> to vector<256x256xbf16>
      %swap3A_1091 = vector.shape_cast %convert_element_type3A_1085 : vector<256x256xbf16> to vector<1x256x256xbf16>
      tpu.vector_store %arg10[%swap3A_1086, %swap3A_1087, %swap3A_1088], %swap3A_1091 {strides = array<i32>} : memref<16x256x256xbf16, #tpu.memory_space<vmem>>, vector<1x256x256xbf16>,
      %get3A_1092 = arith.constant 2 : index
      %get3A_1093 = arith.constant 0 : index
      %get3A_1094 = arith.constant 0 : index
      %get3A_1095 = vector.load %arg4[%get3A_1092, %get3A_1093, %get3A_1094] : memref<16x1x128xf32, #tpu.memory_space<vmem>>, vector<1x1x128xf32>
      %get3A_1096 = vector.shape_cast %get3A_1095 : vector<1x1x128xf32> to vector<1x128xf32>
      %convert_element_type3A_1097 = arith.truncf %get3A_1096 : vector<1x128xf32> to vector<1x128xbf16>
      %dot_general3A_1098 = arith.constant dense<0.000000e+00> : vector<1x256xf32>
      %dot_general3A_1099 = tpu.matmul %convert_element_type3A_1097, %convert_element_type3A_1009, %dot_general3A_1098 {dimension_numbers = #tpu.dot_dimension_numbers<[1], [0], [0], [1], [0, 0, 1, 1], [], []>, transpose_lhs_hint = false} : vector<1x128xbf16>, vector<128x256xbf16>, vector<1x256xf32> -> vector<1x256xf32>
      %swap3A_1100 = arith.constant 2 : index
      %swap3A_1101 = arith.constant 0 : index
      %swap3A_1102 = arith.constant 0 : index
      %swap3A_1103 = vector.load %arg11[%swap3A_1100, %swap3A_1101, %swap3A_1102] : memref<16x1x256xf32, #tpu.memory_space<vmem>>, vector<1x1x256xf32>
      %swap3A_1104 = vector.shape_cast %swap3A_1103 : vector<1x1x256xf32> to vector<1x256xf32>
      %swap3A_1105 = vector.shape_cast %dot_general3A_1099 : vector<1x256xf32> to vector<1x1x256xf32>
      tpu.vector_store %arg11[%swap3A_1100, %swap3A_1101, %swap3A_1102], %swap3A_1105 {strides = array<i32>} : memref<16x1x256xf32, #tpu.memory_space<vmem>>, vector<1x1x256xf32>,
      %get3A_1106 = arith.constant 3 : index
      %get3A_1107 = arith.constant 0 : index
      %get3A_1108 = arith.constant 0 : index
      %get3A_1109 = vector.load %arg3[%get3A_1106, %get3A_1107, %get3A_1108] : memref<16x256x128xf32, #tpu.memory_space<vmem>>, vector<1x256x128xf32>
      %get3A_1110 = vector.shape_cast %get3A_1109 : vector<1x256x128xf32> to vector<256x128xf32>
      %convert_element_type3A_1111 = arith.truncf %get3A_1110 : vector<256x128xf32> to vector<256x128xbf16>
      %dot_general3A_1112 = arith.constant dense<0.000000e+00> : vector<256x256xf32>
      %dot_general3A_1113 = tpu.matmul %convert_element_type3A_1111, %convert_element_type3A_1009, %dot_general3A_1112 {dimension_numbers = #tpu.dot_dimension_numbers<[1], [0], [0], [1], [0, 0, 1, 1], [], []>, transpose_lhs_hint = false} : vector<256x128xbf16>, vector<128x256xbf16>, vector<256x256xf32> -> vector<256x256xf32>
      %convert_element_type3A_1114 = arith.truncf %dot_general3A_1113 : vector<256x256xf32> to vector<256x256xbf16>
      %swap3A_1115 = arith.constant 3 : index
      %swap3A_1116 = arith.constant 0 : index
      %swap3A_1117 = arith.constant 0 : index
      %swap3A_1118 = vector.load %arg10[%swap3A_1115, %swap3A_1116, %swap3A_1117] : memref<16x256x256xbf16, #tpu.memory_space<vmem>>, vector<1x256x256xbf16>
      %swap3A_1119 = vector.shape_cast %swap3A_1118 : vector<1x256x256xbf16> to vector<256x256xbf16>
      %swap3A_1120 = vector.shape_cast %convert_element_type3A_1114 : vector<256x256xbf16> to vector<1x256x256xbf16>
      tpu.vector_store %arg10[%swap3A_1115, %swap3A_1116, %swap3A_1117], %swap3A_1120 {strides = array<i32>} : memref<16x256x256xbf16, #tpu.memory_space<vmem>>, vector<1x256x256xbf16>,
      %get3A_1121 = arith.constant 3 : index
      %get3A_1122 = arith.constant 0 : index
      %get3A_1123 = arith.constant 0 : index
      %get3A_1124 = vector.load %arg4[%get3A_1121, %get3A_1122, %get3A_1123] : memref<16x1x128xf32, #tpu.memory_space<vmem>>, vector<1x1x128xf32>
      %get3A_1125 = vector.shape_cast %get3A_1124 : vector<1x1x128xf32> to vector<1x128xf32>
      %convert_element_type3A_1126 = arith.truncf %get3A_1125 : vector<1x128xf32> to vector<1x128xbf16>
      %dot_general3A_1127 = arith.constant dense<0.000000e+00> : vector<1x256xf32>
      %dot_general3A_1128 = tpu.matmul %convert_element_type3A_1126, %convert_element_type3A_1009, %dot_general3A_1127 {dimension_numbers = #tpu.dot_dimension_numbers<[1], [0], [0], [1], [0, 0, 1, 1], [], []>, transpose_lhs_hint = false} : vector<1x128xbf16>, vector<128x256xbf16>, vector<1x256xf32> -> vector<1x256xf32>
      %swap3A_1129 = arith.constant 3 : index
      %swap3A_1130 = arith.constant 0 : index
      %swap3A_1131 = arith.constant 0 : index
      %swap3A_1132 = vector.load %arg11[%swap3A_1129, %swap3A_1130, %swap3A_1131] : memref<16x1x256xf32, #tpu.memory_space<vmem>>, vector<1x1x256xf32>
      %swap3A_1133 = vector.shape_cast %swap3A_1132 : vector<1x1x256xf32> to vector<1x256xf32>
      %swap3A_1134 = vector.shape_cast %dot_general3A_1128 : vector<1x256xf32> to vector<1x1x256xf32>
      tpu.vector_store %arg11[%swap3A_1129, %swap3A_1130, %swap3A_1131], %swap3A_1134 {strides = array<i32>} : memref<16x1x256xf32, #tpu.memory_space<vmem>>, vector<1x1x256xf32>,
      %get3A_1135 = arith.constant 4 : index
      %get3A_1136 = arith.constant 0 : index
      %get3A_1137 = arith.constant 0 : index
      %get3A_1138 = vector.load %arg3[%get3A_1135, %get3A_1136, %get3A_1137] : memref<16x256x128xf32, #tpu.memory_space<vmem>>, vector<1x256x128xf32>
      %get3A_1139 = vector.shape_cast %get3A_1138 : vector<1x256x128xf32> to vector<256x128xf32>
      %convert_element_type3A_1140 = arith.truncf %get3A_1139 : vector<256x128xf32> to vector<256x128xbf16>
      %dot_general3A_1141 = arith.constant dense<0.000000e+00> : vector<256x256xf32>
      %dot_general3A_1142 = tpu.matmul %convert_element_type3A_1140, %convert_element_type3A_1009, %dot_general3A_1141 {dimension_numbers = #tpu.dot_dimension_numbers<[1], [0], [0], [1], [0, 0, 1, 1], [], []>, transpose_lhs_hint = false} : vector<256x128xbf16>, vector<128x256xbf16>, vector<256x256xf32> -> vector<256x256xf32>
      %convert_element_type3A_1143 = arith.truncf %dot_general3A_1142 : vector<256x256xf32> to vector<256x256xbf16>
      %swap3A_1144 = arith.constant 4 : index
      %swap3A_1145 = arith.constant 0 : index
      %swap3A_1146 = arith.constant 0 : index
      %swap3A_1147 = vector.load %arg10[%swap3A_1144, %swap3A_1145, %swap3A_1146] : memref<16x256x256xbf16, #tpu.memory_space<vmem>>, vector<1x256x256xbf16>
      %swap3A_1148 = vector.shape_cast %swap3A_1147 : vector<1x256x256xbf16> to vector<256x256xbf16>
      %swap3A_1149 = vector.shape_cast %convert_element_type3A_1143 : vector<256x256xbf16> to vector<1x256x256xbf16>
      tpu.vector_store %arg10[%swap3A_1144, %swap3A_1145, %swap3A_1146], %swap3A_1149 {strides = array<i32>} : memref<16x256x256xbf16, #tpu.memory_space<vmem>>, vector<1x256x256xbf16>,
      %get3A_1150 = arith.constant 4 : index
      %get3A_1151 = arith.constant 0 : index
      %get3A_1152 = arith.constant 0 : index
      %get3A_1153 = vector.load %arg4[%get3A_1150, %get3A_1151, %get3A_1152] : memref<16x1x128xf32, #tpu.memory_space<vmem>>, vector<1x1x128xf32>
      %get3A_1154 = vector.shape_cast %get3A_1153 : vector<1x1x128xf32> to vector<1x128xf32>
      %convert_element_type3A_1155 = arith.truncf %get3A_1154 : vector<1x128xf32> to vector<1x128xbf16>
      %dot_general3A_1156 = arith.constant dense<0.000000e+00> : vector<1x256xf32>
      %dot_general3A_1157 = tpu.matmul %convert_element_type3A_1155, %convert_element_type3A_1009, %dot_general3A_1156 {dimension_numbers = #tpu.dot_dimension_numbers<[1], [0], [0], [1], [0, 0, 1, 1], [], []>, transpose_lhs_hint = false} : vector<1x128xbf16>, vector<128x256xbf16>, vector<1x256xf32> -> vector<1x256xf32>
      %swap3A_1158 = arith.constant 4 : index
      %swap3A_1159 = arith.constant 0 : index
      %swap3A_1160 = arith.constant 0 : index
      %swap3A_1161 = vector.load %arg11[%swap3A_1158, %swap3A_1159, %swap3A_1160] : memref<16x1x256xf32, #tpu.memory_space<vmem>>, vector<1x1x256xf32>
      %swap3A_1162 = vector.shape_cast %swap3A_1161 : vector<1x1x256xf32> to vector<1x256xf32>
      %swap3A_1163 = vector.shape_cast %dot_general3A_1157 : vector<1x256xf32> to vector<1x1x256xf32>
      tpu.vector_store %arg11[%swap3A_1158, %swap3A_1159, %swap3A_1160], %swap3A_1163 {strides = array<i32>} : memref<16x1x256xf32, #tpu.memory_space<vmem>>, vector<1x1x256xf32>,
      %get3A_1164 = arith.constant 5 : index
      %get3A_1165 = arith.constant 0 : index
      %get3A_1166 = arith.constant 0 : index
      %get3A_1167 = vector.load %arg3[%get3A_1164, %get3A_1165, %get3A_1166] : memref<16x256x128xf32, #tpu.memory_space<vmem>>, vector<1x256x128xf32>
      %get3A_1168 = vector.shape_cast %get3A_1167 : vector<1x256x128xf32> to vector<256x128xf32>
      %convert_element_type3A_1169 = arith.truncf %get3A_1168 : vector<256x128xf32> to vector<256x128xbf16>
      %dot_general3A_1170 = arith.constant dense<0.000000e+00> : vector<256x256xf32>
      %dot_general3A_1171 = tpu.matmul %convert_element_type3A_1169, %convert_element_type3A_1009, %dot_general3A_1170 {dimension_numbers = #tpu.dot_dimension_numbers<[1], [0], [0], [1], [0, 0, 1, 1], [], []>, transpose_lhs_hint = false} : vector<256x128xbf16>, vector<128x256xbf16>, vector<256x256xf32> -> vector<256x256xf32>
      %convert_element_type3A_1172 = arith.truncf %dot_general3A_1171 : vector<256x256xf32> to vector<256x256xbf16>
      %swap3A_1173 = arith.constant 5 : index
      %swap3A_1174 = arith.constant 0 : index
      %swap3A_1175 = arith.constant 0 : index
      %swap3A_1176 = vector.load %arg10[%swap3A_1173, %swap3A_1174, %swap3A_1175] : memref<16x256x256xbf16, #tpu.memory_space<vmem>>, vector<1x256x256xbf16>
      %swap3A_1177 = vector.shape_cast %swap3A_1176 : vector<1x256x256xbf16> to vector<256x256xbf16>
      %swap3A_1178 = vector.shape_cast %convert_element_type3A_1172 : vector<256x256xbf16> to vector<1x256x256xbf16>
      tpu.vector_store %arg10[%swap3A_1173, %swap3A_1174, %swap3A_1175], %swap3A_1178 {strides = array<i32>} : memref<16x256x256xbf16, #tpu.memory_space<vmem>>, vector<1x256x256xbf16>,
      %get3A_1179 = arith.constant 5 : index
      %get3A_1180 = arith.constant 0 : index
      %get3A_1181 = arith.constant 0 : index
      %get3A_1182 = vector.load %arg4[%get3A_1179, %get3A_1180, %get3A_1181] : memref<16x1x128xf32, #tpu.memory_space<vmem>>, vector<1x1x128xf32>
      %get3A_1183 = vector.shape_cast %get3A_1182 : vector<1x1x128xf32> to vector<1x128xf32>
      %convert_element_type3A_1184 = arith.truncf %get3A_1183 : vector<1x128xf32> to vector<1x128xbf16>
      %dot_general3A_1185 = arith.constant dense<0.000000e+00> : vector<1x256xf32>
      %dot_general3A_1186 = tpu.matmul %convert_element_type3A_1184, %convert_element_type3A_1009, %dot_general3A_1185 {dimension_numbers = #tpu.dot_dimension_numbers<[1], [0], [0], [1], [0, 0, 1, 1], [], []>, transpose_lhs_hint = false} : vector<1x128xbf16>, vector<128x256xbf16>, vector<1x256xf32> -> vector<1x256xf32>
      %swap3A_1187 = arith.constant 5 : index
      %swap3A_1188 = arith.constant 0 : index
      %swap3A_1189 = arith.constant 0 : index
      %swap3A_1190 = vector.load %arg11[%swap3A_1187, %swap3A_1188, %swap3A_1189] : memref<16x1x256xf32, #tpu.memory_space<vmem>>, vector<1x1x256xf32>
      %swap3A_1191 = vector.shape_cast %swap3A_1190 : vector<1x1x256xf32> to vector<1x256xf32>
      %swap3A_1192 = vector.shape_cast %dot_general3A_1186 : vector<1x256xf32> to vector<1x1x256xf32>
      tpu.vector_store %arg11[%swap3A_1187, %swap3A_1188, %swap3A_1189], %swap3A_1192 {strides = array<i32>} : memref<16x1x256xf32, #tpu.memory_space<vmem>>, vector<1x1x256xf32>,
      %get3A_1193 = arith.constant 6 : index
      %get3A_1194 = arith.constant 0 : index
      %get3A_1195 = arith.constant 0 : index
      %get3A_1196 = vector.load %arg3[%get3A_1193, %get3A_1194, %get3A_1195] : memref<16x256x128xf32, #tpu.memory_space<vmem>>, vector<1x256x128xf32>
      %get3A_1197 = vector.shape_cast %get3A_1196 : vector<1x256x128xf32> to vector<256x128xf32>
      %convert_element_type3A_1198 = arith.truncf %get3A_1197 : vector<256x128xf32> to vector<256x128xbf16>
      %dot_general3A_1199 = arith.constant dense<0.000000e+00> : vector<256x256xf32>
      %dot_general3A_1200 = tpu.matmul %convert_element_type3A_1198, %convert_element_type3A_1009, %dot_general3A_1199 {dimension_numbers = #tpu.dot_dimension_numbers<[1], [0], [0], [1], [0, 0, 1, 1], [], []>, transpose_lhs_hint = false} : vector<256x128xbf16>, vector<128x256xbf16>, vector<256x256xf32> -> vector<256x256xf32>
      %convert_element_type3A_1201 = arith.truncf %dot_general3A_1200 : vector<256x256xf32> to vector<256x256xbf16>
      %swap3A_1202 = arith.constant 6 : index
      %swap3A_1203 = arith.constant 0 : index
      %swap3A_1204 = arith.constant 0 : index
      %swap3A_1205 = vector.load %arg10[%swap3A_1202, %swap3A_1203, %swap3A_1204] : memref<16x256x256xbf16, #tpu.memory_space<vmem>>, vector<1x256x256xbf16>
      %swap3A_1206 = vector.shape_cast %swap3A_1205 : vector<1x256x256xbf16> to vector<256x256xbf16>
      %swap3A_1207 = vector.shape_cast %convert_element_type3A_1201 : vector<256x256xbf16> to vector<1x256x256xbf16>
      tpu.vector_store %arg10[%swap3A_1202, %swap3A_1203, %swap3A_1204], %swap3A_1207 {strides = array<i32>} : memref<16x256x256xbf16, #tpu.memory_space<vmem>>, vector<1x256x256xbf16>,
      %get3A_1208 = arith.constant 6 : index
      %get3A_1209 = arith.constant 0 : index
      %get3A_1210 = arith.constant 0 : index
      %get3A_1211 = vector.load %arg4[%get3A_1208, %get3A_1209, %get3A_1210] : memref<16x1x128xf32, #tpu.memory_space<vmem>>, vector<1x1x128xf32>
      %get3A_1212 = vector.shape_cast %get3A_1211 : vector<1x1x128xf32> to vector<1x128xf32>
      %convert_element_type3A_1213 = arith.truncf %get3A_1212 : vector<1x128xf32> to vector<1x128xbf16>
      %dot_general3A_1214 = arith.constant dense<0.000000e+00> : vector<1x256xf32>
      %dot_general3A_1215 = tpu.matmul %convert_element_type3A_1213, %convert_element_type3A_1009, %dot_general3A_1214 {dimension_numbers = #tpu.dot_dimension_numbers<[1], [0], [0], [1], [0, 0, 1, 1], [], []>, transpose_lhs_hint = false} : vector<1x128xbf16>, vector<128x256xbf16>, vector<1x256xf32> -> vector<1x256xf32>
      %swap3A_1216 = arith.constant 6 : index
      %swap3A_1217 = arith.constant 0 : index
      %swap3A_1218 = arith.constant 0 : index
      %swap3A_1219 = vector.load %arg11[%swap3A_1216, %swap3A_1217, %swap3A_1218] : memref<16x1x256xf32, #tpu.memory_space<vmem>>, vector<1x1x256xf32>
      %swap3A_1220 = vector.shape_cast %swap3A_1219 : vector<1x1x256xf32> to vector<1x256xf32>
      %swap3A_1221 = vector.shape_cast %dot_general3A_1215 : vector<1x256xf32> to vector<1x1x256xf32>
      tpu.vector_store %arg11[%swap3A_1216, %swap3A_1217, %swap3A_1218], %swap3A_1221 {strides = array<i32>} : memref<16x1x256xf32, #tpu.memory_space<vmem>>, vector<1x1x256xf32>,
      %get3A_1222 = arith.constant 7 : index
      %get3A_1223 = arith.constant 0 : index
      %get3A_1224 = arith.constant 0 : index
      %get3A_1225 = vector.load %arg3[%get3A_1222, %get3A_1223, %get3A_1224] : memref<16x256x128xf32, #tpu.memory_space<vmem>>, vector<1x256x128xf32>
      %get3A_1226 = vector.shape_cast %get3A_1225 : vector<1x256x128xf32> to vector<256x128xf32>
      %convert_element_type3A_1227 = arith.truncf %get3A_1226 : vector<256x128xf32> to vector<256x128xbf16>
      %dot_general3A_1228 = arith.constant dense<0.000000e+00> : vector<256x256xf32>
      %dot_general3A_1229 = tpu.matmul %convert_element_type3A_1227, %convert_element_type3A_1009, %dot_general3A_1228 {dimension_numbers = #tpu.dot_dimension_numbers<[1], [0], [0], [1], [0, 0, 1, 1], [], []>, transpose_lhs_hint = false} : vector<256x128xbf16>, vector<128x256xbf16>, vector<256x256xf32> -> vector<256x256xf32>
      %convert_element_type3A_1230 = arith.truncf %dot_general3A_1229 : vector<256x256xf32> to vector<256x256xbf16>
      %swap3A_1231 = arith.constant 7 : index
      %swap3A_1232 = arith.constant 0 : index
      %swap3A_1233 = arith.constant 0 : index
      %swap3A_1234 = vector.load %arg10[%swap3A_1231, %swap3A_1232, %swap3A_1233] : memref<16x256x256xbf16, #tpu.memory_space<vmem>>, vector<1x256x256xbf16>
      %swap3A_1235 = vector.shape_cast %swap3A_1234 : vector<1x256x256xbf16> to vector<256x256xbf16>
      %swap3A_1236 = vector.shape_cast %convert_element_type3A_1230 : vector<256x256xbf16> to vector<1x256x256xbf16>
      tpu.vector_store %arg10[%swap3A_1231, %swap3A_1232, %swap3A_1233], %swap3A_1236 {strides = array<i32>} : memref<16x256x256xbf16, #tpu.memory_space<vmem>>, vector<1x256x256xbf16>,
      %get3A_1237 = arith.constant 7 : index
      %get3A_1238 = arith.constant 0 : index
      %get3A_1239 = arith.constant 0 : index
      %get3A_1240 = vector.load %arg4[%get3A_1237, %get3A_1238, %get3A_1239] : memref<16x1x128xf32, #tpu.memory_space<vmem>>, vector<1x1x128xf32>
      %get3A_1241 = vector.shape_cast %get3A_1240 : vector<1x1x128xf32> to vector<1x128xf32>
      %convert_element_type3A_1242 = arith.truncf %get3A_1241 : vector<1x128xf32> to vector<1x128xbf16>
      %dot_general3A_1243 = arith.constant dense<0.000000e+00> : vector<1x256xf32>
      %dot_general3A_1244 = tpu.matmul %convert_element_type3A_1242, %convert_element_type3A_1009, %dot_general3A_1243 {dimension_numbers = #tpu.dot_dimension_numbers<[1], [0], [0], [1], [0, 0, 1, 1], [], []>, transpose_lhs_hint = false} : vector<1x128xbf16>, vector<128x256xbf16>, vector<1x256xf32> -> vector<1x256xf32>
      %swap3A_1245 = arith.constant 7 : index
      %swap3A_1246 = arith.constant 0 : index
      %swap3A_1247 = arith.constant 0 : index
      %swap3A_1248 = vector.load %arg11[%swap3A_1245, %swap3A_1246, %swap3A_1247] : memref<16x1x256xf32, #tpu.memory_space<vmem>>, vector<1x1x256xf32>
      %swap3A_1249 = vector.shape_cast %swap3A_1248 : vector<1x1x256xf32> to vector<1x256xf32>
      %swap3A_1250 = vector.shape_cast %dot_general3A_1244 : vector<1x256xf32> to vector<1x1x256xf32>
      tpu.vector_store %arg11[%swap3A_1245, %swap3A_1246, %swap3A_1247], %swap3A_1250 {strides = array<i32>} : memref<16x1x256xf32, #tpu.memory_space<vmem>>, vector<1x1x256xf32>,
      %get3A_1251 = arith.constant 8 : index
      %get3A_1252 = arith.constant 0 : index
      %get3A_1253 = arith.constant 0 : index
      %get3A_1254 = vector.load %arg3[%get3A_1251, %get3A_1252, %get3A_1253] : memref<16x256x128xf32, #tpu.memory_space<vmem>>, vector<1x256x128xf32>
      %get3A_1255 = vector.shape_cast %get3A_1254 : vector<1x256x128xf32> to vector<256x128xf32>
      %convert_element_type3A_1256 = arith.truncf %get3A_1255 : vector<256x128xf32> to vector<256x128xbf16>
      %dot_general3A_1257 = arith.constant dense<0.000000e+00> : vector<256x256xf32>
      %dot_general3A_1258 = tpu.matmul %convert_element_type3A_1256, %convert_element_type3A_1009, %dot_general3A_1257 {dimension_numbers = #tpu.dot_dimension_numbers<[1], [0], [0], [1], [0, 0, 1, 1], [], []>, transpose_lhs_hint = false} : vector<256x128xbf16>, vector<128x256xbf16>, vector<256x256xf32> -> vector<256x256xf32>
      %convert_element_type3A_1259 = arith.truncf %dot_general3A_1258 : vector<256x256xf32> to vector<256x256xbf16>
      %swap3A_1260 = arith.constant 8 : index
      %swap3A_1261 = arith.constant 0 : index
      %swap3A_1262 = arith.constant 0 : index
      %swap3A_1263 = vector.load %arg10[%swap3A_1260, %swap3A_1261, %swap3A_1262] : memref<16x256x256xbf16, #tpu.memory_space<vmem>>, vector<1x256x256xbf16>
      %swap3A_1264 = vector.shape_cast %swap3A_1263 : vector<1x256x256xbf16> to vector<256x256xbf16>
      %swap3A_1265 = vector.shape_cast %convert_element_type3A_1259 : vector<256x256xbf16> to vector<1x256x256xbf16>
      tpu.vector_store %arg10[%swap3A_1260, %swap3A_1261, %swap3A_1262], %swap3A_1265 {strides = array<i32>} : memref<16x256x256xbf16, #tpu.memory_space<vmem>>, vector<1x256x256xbf16>,
      %get3A_1266 = arith.constant 8 : index
      %get3A_1267 = arith.constant 0 : index
      %get3A_1268 = arith.constant 0 : index
      %get3A_1269 = vector.load %arg4[%get3A_1266, %get3A_1267, %get3A_1268] : memref<16x1x128xf32, #tpu.memory_space<vmem>>, vector<1x1x128xf32>
      %get3A_1270 = vector.shape_cast %get3A_1269 : vector<1x1x128xf32> to vector<1x128xf32>
      %convert_element_type3A_1271 = arith.truncf %get3A_1270 : vector<1x128xf32> to vector<1x128xbf16>
      %dot_general3A_1272 = arith.constant dense<0.000000e+00> : vector<1x256xf32>
      %dot_general3A_1273 = tpu.matmul %convert_element_type3A_1271, %convert_element_type3A_1009, %dot_general3A_1272 {dimension_numbers = #tpu.dot_dimension_numbers<[1], [0], [0], [1], [0, 0, 1, 1], [], []>, transpose_lhs_hint = false} : vector<1x128xbf16>, vector<128x256xbf16>, vector<1x256xf32> -> vector<1x256xf32>
      %swap3A_1274 = arith.constant 8 : index
      %swap3A_1275 = arith.constant 0 : index
      %swap3A_1276 = arith.constant 0 : index
      %swap3A_1277 = vector.load %arg11[%swap3A_1274, %swap3A_1275, %swap3A_1276] : memref<16x1x256xf32, #tpu.memory_space<vmem>>, vector<1x1x256xf32>
      %swap3A_1278 = vector.shape_cast %swap3A_1277 : vector<1x1x256xf32> to vector<1x256xf32>
      %swap3A_1279 = vector.shape_cast %dot_general3A_1273 : vector<1x256xf32> to vector<1x1x256xf32>
      tpu.vector_store %arg11[%swap3A_1274, %swap3A_1275, %swap3A_1276], %swap3A_1279 {strides = array<i32>} : memref<16x1x256xf32, #tpu.memory_space<vmem>>, vector<1x1x256xf32>,
      %get3A_1280 = arith.constant 9 : index
      %get3A_1281 = arith.constant 0 : index
      %get3A_1282 = arith.constant 0 : index
      %get3A_1283 = vector.load %arg3[%get3A_1280, %get3A_1281, %get3A_1282] : memref<16x256x128xf32, #tpu.memory_space<vmem>>, vector<1x256x128xf32>
      %get3A_1284 = vector.shape_cast %get3A_1283 : vector<1x256x128xf32> to vector<256x128xf32>
      %convert_element_type3A_1285 = arith.truncf %get3A_1284 : vector<256x128xf32> to vector<256x128xbf16>
      %dot_general3A_1286 = arith.constant dense<0.000000e+00> : vector<256x256xf32>
      %dot_general3A_1287 = tpu.matmul %convert_element_type3A_1285, %convert_element_type3A_1009, %dot_general3A_1286 {dimension_numbers = #tpu.dot_dimension_numbers<[1], [0], [0], [1], [0, 0, 1, 1], [], []>, transpose_lhs_hint = false} : vector<256x128xbf16>, vector<128x256xbf16>, vector<256x256xf32> -> vector<256x256xf32>
      %convert_element_type3A_1288 = arith.truncf %dot_general3A_1287 : vector<256x256xf32> to vector<256x256xbf16>
      %swap3A_1289 = arith.constant 9 : index
      %swap3A_1290 = arith.constant 0 : index
      %swap3A_1291 = arith.constant 0 : index
      %swap3A_1292 = vector.load %arg10[%swap3A_1289, %swap3A_1290, %swap3A_1291] : memref<16x256x256xbf16, #tpu.memory_space<vmem>>, vector<1x256x256xbf16>
      %swap3A_1293 = vector.shape_cast %swap3A_1292 : vector<1x256x256xbf16> to vector<256x256xbf16>
      %swap3A_1294 = vector.shape_cast %convert_element_type3A_1288 : vector<256x256xbf16> to vector<1x256x256xbf16>
      tpu.vector_store %arg10[%swap3A_1289, %swap3A_1290, %swap3A_1291], %swap3A_1294 {strides = array<i32>} : memref<16x256x256xbf16, #tpu.memory_space<vmem>>, vector<1x256x256xbf16>,
      %get3A_1295 = arith.constant 9 : index
      %get3A_1296 = arith.constant 0 : index
      %get3A_1297 = arith.constant 0 : index
      %get3A_1298 = vector.load %arg4[%get3A_1295, %get3A_1296, %get3A_1297] : memref<16x1x128xf32, #tpu.memory_space<vmem>>, vector<1x1x128xf32>
      %get3A_1299 = vector.shape_cast %get3A_1298 : vector<1x1x128xf32> to vector<1x128xf32>
      %convert_element_type3A_1300 = arith.truncf %get3A_1299 : vector<1x128xf32> to vector<1x128xbf16>
      %dot_general3A_1301 = arith.constant dense<0.000000e+00> : vector<1x256xf32>
      %dot_general3A_1302 = tpu.matmul %convert_element_type3A_1300, %convert_element_type3A_1009, %dot_general3A_1301 {dimension_numbers = #tpu.dot_dimension_numbers<[1], [0], [0], [1], [0, 0, 1, 1], [], []>, transpose_lhs_hint = false} : vector<1x128xbf16>, vector<128x256xbf16>, vector<1x256xf32> -> vector<1x256xf32>
      %swap3A_1303 = arith.constant 9 : index
      %swap3A_1304 = arith.constant 0 : index
      %swap3A_1305 = arith.constant 0 : index
      %swap3A_1306 = vector.load %arg11[%swap3A_1303, %swap3A_1304, %swap3A_1305] : memref<16x1x256xf32, #tpu.memory_space<vmem>>, vector<1x1x256xf32>
      %swap3A_1307 = vector.shape_cast %swap3A_1306 : vector<1x1x256xf32> to vector<1x256xf32>
      %swap3A_1308 = vector.shape_cast %dot_general3A_1302 : vector<1x256xf32> to vector<1x1x256xf32>
      tpu.vector_store %arg11[%swap3A_1303, %swap3A_1304, %swap3A_1305], %swap3A_1308 {strides = array<i32>} : memref<16x1x256xf32, #tpu.memory_space<vmem>>, vector<1x1x256xf32>,
      %get3A_1309 = arith.constant 10 : index
      %get3A_1310 = arith.constant 0 : index
      %get3A_1311 = arith.constant 0 : index
      %get3A_1312 = vector.load %arg3[%get3A_1309, %get3A_1310, %get3A_1311] : memref<16x256x128xf32, #tpu.memory_space<vmem>>, vector<1x256x128xf32>
      %get3A_1313 = vector.shape_cast %get3A_1312 : vector<1x256x128xf32> to vector<256x128xf32>
      %convert_element_type3A_1314 = arith.truncf %get3A_1313 : vector<256x128xf32> to vector<256x128xbf16>
      %dot_general3A_1315 = arith.constant dense<0.000000e+00> : vector<256x256xf32>
      %dot_general3A_1316 = tpu.matmul %convert_element_type3A_1314, %convert_element_type3A_1009, %dot_general3A_1315 {dimension_numbers = #tpu.dot_dimension_numbers<[1], [0], [0], [1], [0, 0, 1, 1], [], []>, transpose_lhs_hint = false} : vector<256x128xbf16>, vector<128x256xbf16>, vector<256x256xf32> -> vector<256x256xf32>
      %convert_element_type3A_1317 = arith.truncf %dot_general3A_1316 : vector<256x256xf32> to vector<256x256xbf16>
      %swap3A_1318 = arith.constant 10 : index
      %swap3A_1319 = arith.constant 0 : index
      %swap3A_1320 = arith.constant 0 : index
      %swap3A_1321 = vector.load %arg10[%swap3A_1318, %swap3A_1319, %swap3A_1320] : memref<16x256x256xbf16, #tpu.memory_space<vmem>>, vector<1x256x256xbf16>
      %swap3A_1322 = vector.shape_cast %swap3A_1321 : vector<1x256x256xbf16> to vector<256x256xbf16>
      %swap3A_1323 = vector.shape_cast %convert_element_type3A_1317 : vector<256x256xbf16> to vector<1x256x256xbf16>
      tpu.vector_store %arg10[%swap3A_1318, %swap3A_1319, %swap3A_1320], %swap3A_1323 {strides = array<i32>} : memref<16x256x256xbf16, #tpu.memory_space<vmem>>, vector<1x256x256xbf16>,
      %get3A_1324 = arith.constant 10 : index
      %get3A_1325 = arith.constant 0 : index
      %get3A_1326 = arith.constant 0 : index
      %get3A_1327 = vector.load %arg4[%get3A_1324, %get3A_1325, %get3A_1326] : memref<16x1x128xf32, #tpu.memory_space<vmem>>, vector<1x1x128xf32>
      %get3A_1328 = vector.shape_cast %get3A_1327 : vector<1x1x128xf32> to vector<1x128xf32>
      %convert_element_type3A_1329 = arith.truncf %get3A_1328 : vector<1x128xf32> to vector<1x128xbf16>
      %dot_general3A_1330 = arith.constant dense<0.000000e+00> : vector<1x256xf32>
      %dot_general3A_1331 = tpu.matmul %convert_element_type3A_1329, %convert_element_type3A_1009, %dot_general3A_1330 {dimension_numbers = #tpu.dot_dimension_numbers<[1], [0], [0], [1], [0, 0, 1, 1], [], []>, transpose_lhs_hint = false} : vector<1x128xbf16>, vector<128x256xbf16>, vector<1x256xf32> -> vector<1x256xf32>
      %swap3A_1332 = arith.constant 10 : index
      %swap3A_1333 = arith.constant 0 : index
      %swap3A_1334 = arith.constant 0 : index
      %swap3A_1335 = vector.load %arg11[%swap3A_1332, %swap3A_1333, %swap3A_1334] : memref<16x1x256xf32, #tpu.memory_space<vmem>>, vector<1x1x256xf32>
      %swap3A_1336 = vector.shape_cast %swap3A_1335 : vector<1x1x256xf32> to vector<1x256xf32>
      %swap3A_1337 = vector.shape_cast %dot_general3A_1331 : vector<1x256xf32> to vector<1x1x256xf32>
      tpu.vector_store %arg11[%swap3A_1332, %swap3A_1333, %swap3A_1334], %swap3A_1337 {strides = array<i32>} : memref<16x1x256xf32, #tpu.memory_space<vmem>>, vector<1x1x256xf32>,
      %get3A_1338 = arith.constant 11 : index
      %get3A_1339 = arith.constant 0 : index
      %get3A_1340 = arith.constant 0 : index
      %get3A_1341 = vector.load %arg3[%get3A_1338, %get3A_1339, %get3A_1340] : memref<16x256x128xf32, #tpu.memory_space<vmem>>, vector<1x256x128xf32>
      %get3A_1342 = vector.shape_cast %get3A_1341 : vector<1x256x128xf32> to vector<256x128xf32>
      %convert_element_type3A_1343 = arith.truncf %get3A_1342 : vector<256x128xf32> to vector<256x128xbf16>
      %dot_general3A_1344 = arith.constant dense<0.000000e+00> : vector<256x256xf32>
      %dot_general3A_1345 = tpu.matmul %convert_element_type3A_1343, %convert_element_type3A_1009, %dot_general3A_1344 {dimension_numbers = #tpu.dot_dimension_numbers<[1], [0], [0], [1], [0, 0, 1, 1], [], []>, transpose_lhs_hint = false} : vector<256x128xbf16>, vector<128x256xbf16>, vector<256x256xf32> -> vector<256x256xf32>
      %convert_element_type3A_1346 = arith.truncf %dot_general3A_1345 : vector<256x256xf32> to vector<256x256xbf16>
      %swap3A_1347 = arith.constant 11 : index
      %swap3A_1348 = arith.constant 0 : index
      %swap3A_1349 = arith.constant 0 : index
      %swap3A_1350 = vector.load %arg10[%swap3A_1347, %swap3A_1348, %swap3A_1349] : memref<16x256x256xbf16, #tpu.memory_space<vmem>>, vector<1x256x256xbf16>
      %swap3A_1351 = vector.shape_cast %swap3A_1350 : vector<1x256x256xbf16> to vector<256x256xbf16>
      %swap3A_1352 = vector.shape_cast %convert_element_type3A_1346 : vector<256x256xbf16> to vector<1x256x256xbf16>
      tpu.vector_store %arg10[%swap3A_1347, %swap3A_1348, %swap3A_1349], %swap3A_1352 {strides = array<i32>} : memref<16x256x256xbf16, #tpu.memory_space<vmem>>, vector<1x256x256xbf16>,
      %get3A_1353 = arith.constant 11 : index
      %get3A_1354 = arith.constant 0 : index
      %get3A_1355 = arith.constant 0 : index
      %get3A_1356 = vector.load %arg4[%get3A_1353, %get3A_1354, %get3A_1355] : memref<16x1x128xf32, #tpu.memory_space<vmem>>, vector<1x1x128xf32>
      %get3A_1357 = vector.shape_cast %get3A_1356 : vector<1x1x128xf32> to vector<1x128xf32>
      %convert_element_type3A_1358 = arith.truncf %get3A_1357 : vector<1x128xf32> to vector<1x128xbf16>
      %dot_general3A_1359 = arith.constant dense<0.000000e+00> : vector<1x256xf32>
      %dot_general3A_1360 = tpu.matmul %convert_element_type3A_1358, %convert_element_type3A_1009, %dot_general3A_1359 {dimension_numbers = #tpu.dot_dimension_numbers<[1], [0], [0], [1], [0, 0, 1, 1], [], []>, transpose_lhs_hint = false} : vector<1x128xbf16>, vector<128x256xbf16>, vector<1x256xf32> -> vector<1x256xf32>
      %swap3A_1361 = arith.constant 11 : index
      %swap3A_1362 = arith.constant 0 : index
      %swap3A_1363 = arith.constant 0 : index
      %swap3A_1364 = vector.load %arg11[%swap3A_1361, %swap3A_1362, %swap3A_1363] : memref<16x1x256xf32, #tpu.memory_space<vmem>>, vector<1x1x256xf32>
      %swap3A_1365 = vector.shape_cast %swap3A_1364 : vector<1x1x256xf32> to vector<1x256xf32>
      %swap3A_1366 = vector.shape_cast %dot_general3A_1360 : vector<1x256xf32> to vector<1x1x256xf32>
      tpu.vector_store %arg11[%swap3A_1361, %swap3A_1362, %swap3A_1363], %swap3A_1366 {strides = array<i32>} : memref<16x1x256xf32, #tpu.memory_space<vmem>>, vector<1x1x256xf32>,
      %get3A_1367 = arith.constant 12 : index
      %get3A_1368 = arith.constant 0 : index
      %get3A_1369 = arith.constant 0 : index
      %get3A_1370 = vector.load %arg3[%get3A_1367, %get3A_1368, %get3A_1369] : memref<16x256x128xf32, #tpu.memory_space<vmem>>, vector<1x256x128xf32>
      %get3A_1371 = vector.shape_cast %get3A_1370 : vector<1x256x128xf32> to vector<256x128xf32>
      %convert_element_type3A_1372 = arith.truncf %get3A_1371 : vector<256x128xf32> to vector<256x128xbf16>
      %dot_general3A_1373 = arith.constant dense<0.000000e+00> : vector<256x256xf32>
      %dot_general3A_1374 = tpu.matmul %convert_element_type3A_1372, %convert_element_type3A_1009, %dot_general3A_1373 {dimension_numbers = #tpu.dot_dimension_numbers<[1], [0], [0], [1], [0, 0, 1, 1], [], []>, transpose_lhs_hint = false} : vector<256x128xbf16>, vector<128x256xbf16>, vector<256x256xf32> -> vector<256x256xf32>
      %convert_element_type3A_1375 = arith.truncf %dot_general3A_1374 : vector<256x256xf32> to vector<256x256xbf16>
      %swap3A_1376 = arith.constant 12 : index
      %swap3A_1377 = arith.constant 0 : index
      %swap3A_1378 = arith.constant 0 : index
      %swap3A_1379 = vector.load %arg10[%swap3A_1376, %swap3A_1377, %swap3A_1378] : memref<16x256x256xbf16, #tpu.memory_space<vmem>>, vector<1x256x256xbf16>
      %swap3A_1380 = vector.shape_cast %swap3A_1379 : vector<1x256x256xbf16> to vector<256x256xbf16>
      %swap3A_1381 = vector.shape_cast %convert_element_type3A_1375 : vector<256x256xbf16> to vector<1x256x256xbf16>
      tpu.vector_store %arg10[%swap3A_1376, %swap3A_1377, %swap3A_1378], %swap3A_1381 {strides = array<i32>} : memref<16x256x256xbf16, #tpu.memory_space<vmem>>, vector<1x256x256xbf16>,
      %get3A_1382 = arith.constant 12 : index
      %get3A_1383 = arith.constant 0 : index
      %get3A_1384 = arith.constant 0 : index
      %get3A_1385 = vector.load %arg4[%get3A_1382, %get3A_1383, %get3A_1384] : memref<16x1x128xf32, #tpu.memory_space<vmem>>, vector<1x1x128xf32>
      %get3A_1386 = vector.shape_cast %get3A_1385 : vector<1x1x128xf32> to vector<1x128xf32>
      %convert_element_type3A_1387 = arith.truncf %get3A_1386 : vector<1x128xf32> to vector<1x128xbf16>
      %dot_general3A_1388 = arith.constant dense<0.000000e+00> : vector<1x256xf32>
      %dot_general3A_1389 = tpu.matmul %convert_element_type3A_1387, %convert_element_type3A_1009, %dot_general3A_1388 {dimension_numbers = #tpu.dot_dimension_numbers<[1], [0], [0], [1], [0, 0, 1, 1], [], []>, transpose_lhs_hint = false} : vector<1x128xbf16>, vector<128x256xbf16>, vector<1x256xf32> -> vector<1x256xf32>
      %swap3A_1390 = arith.constant 12 : index
      %swap3A_1391 = arith.constant 0 : index
      %swap3A_1392 = arith.constant 0 : index
      %swap3A_1393 = vector.load %arg11[%swap3A_1390, %swap3A_1391, %swap3A_1392] : memref<16x1x256xf32, #tpu.memory_space<vmem>>, vector<1x1x256xf32>
      %swap3A_1394 = vector.shape_cast %swap3A_1393 : vector<1x1x256xf32> to vector<1x256xf32>
      %swap3A_1395 = vector.shape_cast %dot_general3A_1389 : vector<1x256xf32> to vector<1x1x256xf32>
      tpu.vector_store %arg11[%swap3A_1390, %swap3A_1391, %swap3A_1392], %swap3A_1395 {strides = array<i32>} : memref<16x1x256xf32, #tpu.memory_space<vmem>>, vector<1x1x256xf32>,
      %get3A_1396 = arith.constant 13 : index
      %get3A_1397 = arith.constant 0 : index
      %get3A_1398 = arith.constant 0 : index
      %get3A_1399 = vector.load %arg3[%get3A_1396, %get3A_1397, %get3A_1398] : memref<16x256x128xf32, #tpu.memory_space<vmem>>, vector<1x256x128xf32>
      %get3A_1400 = vector.shape_cast %get3A_1399 : vector<1x256x128xf32> to vector<256x128xf32>
      %convert_element_type3A_1401 = arith.truncf %get3A_1400 : vector<256x128xf32> to vector<256x128xbf16>
      %dot_general3A_1402 = arith.constant dense<0.000000e+00> : vector<256x256xf32>
      %dot_general3A_1403 = tpu.matmul %convert_element_type3A_1401, %convert_element_type3A_1009, %dot_general3A_1402 {dimension_numbers = #tpu.dot_dimension_numbers<[1], [0], [0], [1], [0, 0, 1, 1], [], []>, transpose_lhs_hint = false} : vector<256x128xbf16>, vector<128x256xbf16>, vector<256x256xf32> -> vector<256x256xf32>
      %convert_element_type3A_1404 = arith.truncf %dot_general3A_1403 : vector<256x256xf32> to vector<256x256xbf16>
      %swap3A_1405 = arith.constant 13 : index
      %swap3A_1406 = arith.constant 0 : index
      %swap3A_1407 = arith.constant 0 : index
      %swap3A_1408 = vector.load %arg10[%swap3A_1405, %swap3A_1406, %swap3A_1407] : memref<16x256x256xbf16, #tpu.memory_space<vmem>>, vector<1x256x256xbf16>
      %swap3A_1409 = vector.shape_cast %swap3A_1408 : vector<1x256x256xbf16> to vector<256x256xbf16>
      %swap3A_1410 = vector.shape_cast %convert_element_type3A_1404 : vector<256x256xbf16> to vector<1x256x256xbf16>
      tpu.vector_store %arg10[%swap3A_1405, %swap3A_1406, %swap3A_1407], %swap3A_1410 {strides = array<i32>} : memref<16x256x256xbf16, #tpu.memory_space<vmem>>, vector<1x256x256xbf16>,
      %get3A_1411 = arith.constant 13 : index
      %get3A_1412 = arith.constant 0 : index
      %get3A_1413 = arith.constant 0 : index
      %get3A_1414 = vector.load %arg4[%get3A_1411, %get3A_1412, %get3A_1413] : memref<16x1x128xf32, #tpu.memory_space<vmem>>, vector<1x1x128xf32>
      %get3A_1415 = vector.shape_cast %get3A_1414 : vector<1x1x128xf32> to vector<1x128xf32>
      %convert_element_type3A_1416 = arith.truncf %get3A_1415 : vector<1x128xf32> to vector<1x128xbf16>
      %dot_general3A_1417 = arith.constant dense<0.000000e+00> : vector<1x256xf32>
      %dot_general3A_1418 = tpu.matmul %convert_element_type3A_1416, %convert_element_type3A_1009, %dot_general3A_1417 {dimension_numbers = #tpu.dot_dimension_numbers<[1], [0], [0], [1], [0, 0, 1, 1], [], []>, transpose_lhs_hint = false} : vector<1x128xbf16>, vector<128x256xbf16>, vector<1x256xf32> -> vector<1x256xf32>
      %swap3A_1419 = arith.constant 13 : index
      %swap3A_1420 = arith.constant 0 : index
      %swap3A_1421 = arith.constant 0 : index
      %swap3A_1422 = vector.load %arg11[%swap3A_1419, %swap3A_1420, %swap3A_1421] : memref<16x1x256xf32, #tpu.memory_space<vmem>>, vector<1x1x256xf32>
      %swap3A_1423 = vector.shape_cast %swap3A_1422 : vector<1x1x256xf32> to vector<1x256xf32>
      %swap3A_1424 = vector.shape_cast %dot_general3A_1418 : vector<1x256xf32> to vector<1x1x256xf32>
      tpu.vector_store %arg11[%swap3A_1419, %swap3A_1420, %swap3A_1421], %swap3A_1424 {strides = array<i32>} : memref<16x1x256xf32, #tpu.memory_space<vmem>>, vector<1x1x256xf32>,
      %get3A_1425 = arith.constant 14 : index
      %get3A_1426 = arith.constant 0 : index
      %get3A_1427 = arith.constant 0 : index
      %get3A_1428 = vector.load %arg3[%get3A_1425, %get3A_1426, %get3A_1427] : memref<16x256x128xf32, #tpu.memory_space<vmem>>, vector<1x256x128xf32>
      %get3A_1429 = vector.shape_cast %get3A_1428 : vector<1x256x128xf32> to vector<256x128xf32>
      %convert_element_type3A_1430 = arith.truncf %get3A_1429 : vector<256x128xf32> to vector<256x128xbf16>
      %dot_general3A_1431 = arith.constant dense<0.000000e+00> : vector<256x256xf32>
      %dot_general3A_1432 = tpu.matmul %convert_element_type3A_1430, %convert_element_type3A_1009, %dot_general3A_1431 {dimension_numbers = #tpu.dot_dimension_numbers<[1], [0], [0], [1], [0, 0, 1, 1], [], []>, transpose_lhs_hint = false} : vector<256x128xbf16>, vector<128x256xbf16>, vector<256x256xf32> -> vector<256x256xf32>
      %convert_element_type3A_1433 = arith.truncf %dot_general3A_1432 : vector<256x256xf32> to vector<256x256xbf16>
      %swap3A_1434 = arith.constant 14 : index
      %swap3A_1435 = arith.constant 0 : index
      %swap3A_1436 = arith.constant 0 : index
      %swap3A_1437 = vector.load %arg10[%swap3A_1434, %swap3A_1435, %swap3A_1436] : memref<16x256x256xbf16, #tpu.memory_space<vmem>>, vector<1x256x256xbf16>
      %swap3A_1438 = vector.shape_cast %swap3A_1437 : vector<1x256x256xbf16> to vector<256x256xbf16>
      %swap3A_1439 = vector.shape_cast %convert_element_type3A_1433 : vector<256x256xbf16> to vector<1x256x256xbf16>
      tpu.vector_store %arg10[%swap3A_1434, %swap3A_1435, %swap3A_1436], %swap3A_1439 {strides = array<i32>} : memref<16x256x256xbf16, #tpu.memory_space<vmem>>, vector<1x256x256xbf16>,
      %get3A_1440 = arith.constant 14 : index
      %get3A_1441 = arith.constant 0 : index
      %get3A_1442 = arith.constant 0 : index
      %get3A_1443 = vector.load %arg4[%get3A_1440, %get3A_1441, %get3A_1442] : memref<16x1x128xf32, #tpu.memory_space<vmem>>, vector<1x1x128xf32>
      %get3A_1444 = vector.shape_cast %get3A_1443 : vector<1x1x128xf32> to vector<1x128xf32>
      %convert_element_type3A_1445 = arith.truncf %get3A_1444 : vector<1x128xf32> to vector<1x128xbf16>
      %dot_general3A_1446 = arith.constant dense<0.000000e+00> : vector<1x256xf32>
      %dot_general3A_1447 = tpu.matmul %convert_element_type3A_1445, %convert_element_type3A_1009, %dot_general3A_1446 {dimension_numbers = #tpu.dot_dimension_numbers<[1], [0], [0], [1], [0, 0, 1, 1], [], []>, transpose_lhs_hint = false} : vector<1x128xbf16>, vector<128x256xbf16>, vector<1x256xf32> -> vector<1x256xf32>
      %swap3A_1448 = arith.constant 14 : index
      %swap3A_1449 = arith.constant 0 : index
      %swap3A_1450 = arith.constant 0 : index
      %swap3A_1451 = vector.load %arg11[%swap3A_1448, %swap3A_1449, %swap3A_1450] : memref<16x1x256xf32, #tpu.memory_space<vmem>>, vector<1x1x256xf32>
      %swap3A_1452 = vector.shape_cast %swap3A_1451 : vector<1x1x256xf32> to vector<1x256xf32>
      %swap3A_1453 = vector.shape_cast %dot_general3A_1447 : vector<1x256xf32> to vector<1x1x256xf32>
      tpu.vector_store %arg11[%swap3A_1448, %swap3A_1449, %swap3A_1450], %swap3A_1453 {strides = array<i32>} : memref<16x1x256xf32, #tpu.memory_space<vmem>>, vector<1x1x256xf32>,
      %get3A_1454 = arith.constant 15 : index
      %get3A_1455 = arith.constant 0 : index
      %get3A_1456 = arith.constant 0 : index
      %get3A_1457 = vector.load %arg3[%get3A_1454, %get3A_1455, %get3A_1456] : memref<16x256x128xf32, #tpu.memory_space<vmem>>, vector<1x256x128xf32>
      %get3A_1458 = vector.shape_cast %get3A_1457 : vector<1x256x128xf32> to vector<256x128xf32>
      %convert_element_type3A_1459 = arith.truncf %get3A_1458 : vector<256x128xf32> to vector<256x128xbf16>
      %dot_general3A_1460 = arith.constant dense<0.000000e+00> : vector<256x256xf32>
      %dot_general3A_1461 = tpu.matmul %convert_element_type3A_1459, %convert_element_type3A_1009, %dot_general3A_1460 {dimension_numbers = #tpu.dot_dimension_numbers<[1], [0], [0], [1], [0, 0, 1, 1], [], []>, transpose_lhs_hint = false} : vector<256x128xbf16>, vector<128x256xbf16>, vector<256x256xf32> -> vector<256x256xf32>
      %convert_element_type3A_1462 = arith.truncf %dot_general3A_1461 : vector<256x256xf32> to vector<256x256xbf16>
      %swap3A_1463 = arith.constant 15 : index
      %swap3A_1464 = arith.constant 0 : index
      %swap3A_1465 = arith.constant 0 : index
      %swap3A_1466 = vector.load %arg10[%swap3A_1463, %swap3A_1464, %swap3A_1465] : memref<16x256x256xbf16, #tpu.memory_space<vmem>>, vector<1x256x256xbf16>
      %swap3A_1467 = vector.shape_cast %swap3A_1466 : vector<1x256x256xbf16> to vector<256x256xbf16>
      %swap3A_1468 = vector.shape_cast %convert_element_type3A_1462 : vector<256x256xbf16> to vector<1x256x256xbf16>
      tpu.vector_store %arg10[%swap3A_1463, %swap3A_1464, %swap3A_1465], %swap3A_1468 {strides = array<i32>} : memref<16x256x256xbf16, #tpu.memory_space<vmem>>, vector<1x256x256xbf16>,
      %get3A_1469 = arith.constant 15 : index
      %get3A_1470 = arith.constant 0 : index
      %get3A_1471 = arith.constant 0 : index
      %get3A_1472 = vector.load %arg4[%get3A_1469, %get3A_1470, %get3A_1471] : memref<16x1x128xf32, #tpu.memory_space<vmem>>, vector<1x1x128xf32>
      %get3A_1473 = vector.shape_cast %get3A_1472 : vector<1x1x128xf32> to vector<1x128xf32>
      %convert_element_type3A_1474 = arith.truncf %get3A_1473 : vector<1x128xf32> to vector<1x128xbf16>
      %dot_general3A_1475 = arith.constant dense<0.000000e+00> : vector<1x256xf32>
      %dot_general3A_1476 = tpu.matmul %convert_element_type3A_1474, %convert_element_type3A_1009, %dot_general3A_1475 {dimension_numbers = #tpu.dot_dimension_numbers<[1], [0], [0], [1], [0, 0, 1, 1], [], []>, transpose_lhs_hint = false} : vector<1x128xbf16>, vector<128x256xbf16>, vector<1x256xf32> -> vector<1x256xf32>
      %swap3A_1477 = arith.constant 15 : index
      %swap3A_1478 = arith.constant 0 : index
      %swap3A_1479 = arith.constant 0 : index
      %swap3A_1480 = vector.load %arg11[%swap3A_1477, %swap3A_1478, %swap3A_1479] : memref<16x1x256xf32, #tpu.memory_space<vmem>>, vector<1x1x256xf32>
      %swap3A_1481 = vector.shape_cast %swap3A_1480 : vector<1x1x256xf32> to vector<1x256xf32>
      %swap3A_1482 = vector.shape_cast %dot_general3A_1476 : vector<1x256xf32> to vector<1x1x256xf32>
      tpu.vector_store %arg11[%swap3A_1477, %swap3A_1478, %swap3A_1479], %swap3A_1482 {strides = array<i32>} : memref<16x1x256xf32, #tpu.memory_space<vmem>>, vector<1x1x256xf32>,
    } else {
    }
    %gt3A = arith.constant 0 : i32
    %gt3A_2 = arith.cmpi sgt, %arg0, %gt3A : i32
    %convert_element_type3A_3 = arith.extui %gt3A_2 : i1 to i32
    %cond3A_4 = arith.constant 0 : i32
    %cond3A_5 = arith.cmpi ne, %convert_element_type3A_3, %cond3A_4 : i32
    scf.if %cond3A_5 {
      %get3A = arith.constant 0 : index
      %get3A_6 = arith.constant 0 : index
      %get3A_7 = arith.constant 0 : index
      %get3A_8 = vector.load %arg2[%get3A, %get3A_6, %get3A_7] : memref<135x8x256xf32, #tpu.memory_space<vmem>>, vector<135x8x256xf32>
      %slice3A = vector.extract_strided_slice %get3A_8 {offsets = [0, 0, 0], sizes = [135, 1, 256], strides = [1, 1, 1]} : vector<135x8x256xf32> to vector<135x1x256xf32>
      %squeeze3A = vector.shape_cast %slice3A : vector<135x1x256xf32> to vector<135x256xf32>
      %transpose3A = tpu.transpose %squeeze3A, [1, 0] : vector<135x256xf32> -> vector<256x135xf32>
      %broadcast_in_dim3A = arith.constant 1.000000e+00 : f32
      %broadcast_in_dim3A_9 = vector.broadcast %broadcast_in_dim3A : f32 to vector<256x1xf32>
      %slice3A_10 = vector.extract_strided_slice %transpose3A {offsets = [0, 7], sizes = [256, 128], strides = [1, 1]} : vector<256x135xf32> to vector<256x128xf32>
      %slice3A_11 = vector.extract_strided_slice %transpose3A {offsets = [0, 0], sizes = [256, 7], strides = [1, 1]} : vector<256x135xf32> to vector<256x7xf32>
      %broadcast_in_dim3A_12 = arith.constant 0.000000e+00 : f32
      %broadcast_in_dim3A_13 = vector.broadcast %broadcast_in_dim3A_12 : f32 to vector<256x120xf32>
      %concatenate3A = tpu.concatenate %slice3A_11, %broadcast_in_dim3A_9, %broadcast_in_dim3A_13 in 1 : vector<256x7xf32>, vector<256x1xf32>, vector<256x120xf32> -> vector<256x128xf32>
      %bitcast_convert_type3A = tpu.bitcast %slice3A_10 : vector<256x128xf32> -> vector<256x128xi32>
      %bitcast_convert_type3A_14 = tpu.bitcast %concatenate3A : vector<256x128xf32> -> vector<256x128xi32>
      %add3A = arith.constant 32767 : i32
      %add3A_15 = vector.broadcast %add3A : i32 to vector<256x128xi32>
      %add3A_16 = arith.addi %bitcast_convert_type3A, %add3A_15 : vector<256x128xi32>
      %shift_right_arithmetic3A = arith.constant 16 : i32
      %shift_right_arithmetic3A_17 = vector.broadcast %shift_right_arithmetic3A : i32 to vector<256x128xi32>
      %shift_right_arithmetic3A_18 = arith.shrsi %bitcast_convert_type3A, %shift_right_arithmetic3A_17 : vector<256x128xi32>
      %and3A = arith.constant 1 : i32
      %and3A_19 = vector.broadcast %and3A : i32 to vector<256x128xi32>
      %and3A_20 = arith.andi %shift_right_arithmetic3A_18, %and3A_19 : vector<256x128xi32>
      %add3A_21 = arith.addi %add3A_16, %and3A_20 : vector<256x128xi32>
      %and3A_22 = arith.constant -65536 : i32
      %and3A_23 = vector.broadcast %and3A_22 : i32 to vector<256x128xi32>
      %and3A_24 = arith.andi %add3A_21, %and3A_23 : vector<256x128xi32>
      %shift_right_logical3A = arith.constant 16 : i32
      %shift_right_logical3A_25 = vector.broadcast %shift_right_logical3A : i32 to vector<256x128xi32>
      %shift_right_logical3A_26 = arith.shrui %and3A_24, %shift_right_logical3A_25 : vector<256x128xi32>
      %add3A_27 = arith.constant 32767 : i32
      %add3A_28 = vector.broadcast %add3A_27 : i32 to vector<256x128xi32>
      %add3A_29 = arith.addi %bitcast_convert_type3A_14, %add3A_28 : vector<256x128xi32>
      %shift_right_arithmetic3A_30 = arith.constant 16 : i32
      %shift_right_arithmetic3A_31 = vector.broadcast %shift_right_arithmetic3A_30 : i32 to vector<256x128xi32>
      %shift_right_arithmetic3A_32 = arith.shrsi %bitcast_convert_type3A_14, %shift_right_arithmetic3A_31 : vector<256x128xi32>
      %and3A_33 = arith.constant 1 : i32
      %and3A_34 = vector.broadcast %and3A_33 : i32 to vector<256x128xi32>
      %and3A_35 = arith.andi %shift_right_arithmetic3A_32, %and3A_34 : vector<256x128xi32>
      %add3A_36 = arith.addi %add3A_29, %and3A_35 : vector<256x128xi32>
      %and3A_37 = arith.constant -65536 : i32
      %and3A_38 = vector.broadcast %and3A_37 : i32 to vector<256x128xi32>
      %and3A_39 = arith.andi %add3A_36, %and3A_38 : vector<256x128xi32>
      %or3A = arith.ori %shift_right_logical3A_26, %and3A_39 : vector<256x128xi32>
      %swap3A = arith.constant 0 : index
      %swap3A_40 = arith.constant 0 : index
      %swap3A_41 = arith.constant 0 : index
      %swap3A_42 = vector.load %arg9[%swap3A, %swap3A_40, %swap3A_41] : memref<8x256x128xi32, #tpu.memory_space<vmem>>, vector<1x256x128xi32>
      %swap3A_43 = vector.shape_cast %swap3A_42 : vector<1x256x128xi32> to vector<256x128xi32>
      %swap3A_44 = vector.shape_cast %or3A : vector<256x128xi32> to vector<1x256x128xi32>
      tpu.vector_store %arg9[%swap3A, %swap3A_40, %swap3A_41], %swap3A_44 {strides = array<i32>} : memref<8x256x128xi32, #tpu.memory_space<vmem>>, vector<1x256x128xi32>,
      %slice3A_45 = vector.extract_strided_slice %get3A_8 {offsets = [0, 1, 0], sizes = [135, 1, 256], strides = [1, 1, 1]} : vector<135x8x256xf32> to vector<135x1x256xf32>
      %squeeze3A_46 = vector.shape_cast %slice3A_45 : vector<135x1x256xf32> to vector<135x256xf32>
      %transpose3A_47 = tpu.transpose %squeeze3A_46, [1, 0] : vector<135x256xf32> -> vector<256x135xf32>
      %broadcast_in_dim3A_48 = arith.constant 2.000000e+00 : f32
      %broadcast_in_dim3A_49 = vector.broadcast %broadcast_in_dim3A_48 : f32 to vector<256x1xf32>
      %slice3A_50 = vector.extract_strided_slice %transpose3A_47 {offsets = [0, 7], sizes = [256, 128], strides = [1, 1]} : vector<256x135xf32> to vector<256x128xf32>
      %slice3A_51 = vector.extract_strided_slice %transpose3A_47 {offsets = [0, 0], sizes = [256, 7], strides = [1, 1]} : vector<256x135xf32> to vector<256x7xf32>
      %broadcast_in_dim3A_52 = arith.constant 0.000000e+00 : f32
      %broadcast_in_dim3A_53 = vector.broadcast %broadcast_in_dim3A_52 : f32 to vector<256x120xf32>
      %concatenate3A_54 = tpu.concatenate %slice3A_51, %broadcast_in_dim3A_49, %broadcast_in_dim3A_53 in 1 : vector<256x7xf32>, vector<256x1xf32>, vector<256x120xf32> -> vector<256x128xf32>
      %bitcast_convert_type3A_55 = tpu.bitcast %slice3A_50 : vector<256x128xf32> -> vector<256x128xi32>
      %bitcast_convert_type3A_56 = tpu.bitcast %concatenate3A_54 : vector<256x128xf32> -> vector<256x128xi32>
      %add3A_57 = arith.constant 32767 : i32
      %add3A_58 = vector.broadcast %add3A_57 : i32 to vector<256x128xi32>
      %add3A_59 = arith.addi %bitcast_convert_type3A_55, %add3A_58 : vector<256x128xi32>
      %shift_right_arithmetic3A_60 = arith.constant 16 : i32
      %shift_right_arithmetic3A_61 = vector.broadcast %shift_right_arithmetic3A_60 : i32 to vector<256x128xi32>
      %shift_right_arithmetic3A_62 = arith.shrsi %bitcast_convert_type3A_55, %shift_right_arithmetic3A_61 : vector<256x128xi32>
      %and3A_63 = arith.constant 1 : i32
      %and3A_64 = vector.broadcast %and3A_63 : i32 to vector<256x128xi32>
      %and3A_65 = arith.andi %shift_right_arithmetic3A_62, %and3A_64 : vector<256x128xi32>
      %add3A_66 = arith.addi %add3A_59, %and3A_65 : vector<256x128xi32>
      %and3A_67 = arith.constant -65536 : i32
      %and3A_68 = vector.broadcast %and3A_67 : i32 to vector<256x128xi32>
      %and3A_69 = arith.andi %add3A_66, %and3A_68 : vector<256x128xi32>
      %shift_right_logical3A_70 = arith.constant 16 : i32
      %shift_right_logical3A_71 = vector.broadcast %shift_right_logical3A_70 : i32 to vector<256x128xi32>
      %shift_right_logical3A_72 = arith.shrui %and3A_69, %shift_right_logical3A_71 : vector<256x128xi32>
      %add3A_73 = arith.constant 32767 : i32
      %add3A_74 = vector.broadcast %add3A_73 : i32 to vector<256x128xi32>
      %add3A_75 = arith.addi %bitcast_convert_type3A_56, %add3A_74 : vector<256x128xi32>
      %shift_right_arithmetic3A_76 = arith.constant 16 : i32
      %shift_right_arithmetic3A_77 = vector.broadcast %shift_right_arithmetic3A_76 : i32 to vector<256x128xi32>
      %shift_right_arithmetic3A_78 = arith.shrsi %bitcast_convert_type3A_56, %shift_right_arithmetic3A_77 : vector<256x128xi32>
      %and3A_79 = arith.constant 1 : i32
      %and3A_80 = vector.broadcast %and3A_79 : i32 to vector<256x128xi32>
      %and3A_81 = arith.andi %shift_right_arithmetic3A_78, %and3A_80 : vector<256x128xi32>
      %add3A_82 = arith.addi %add3A_75, %and3A_81 : vector<256x128xi32>
      %and3A_83 = arith.constant -65536 : i32
      %and3A_84 = vector.broadcast %and3A_83 : i32 to vector<256x128xi32>
      %and3A_85 = arith.andi %add3A_82, %and3A_84 : vector<256x128xi32>
      %or3A_86 = arith.ori %shift_right_logical3A_72, %and3A_85 : vector<256x128xi32>
      %swap3A_87 = arith.constant 1 : index
      %swap3A_88 = arith.constant 0 : index
      %swap3A_89 = arith.constant 0 : index
      %swap3A_90 = vector.load %arg9[%swap3A_87, %swap3A_88, %swap3A_89] : memref<8x256x128xi32, #tpu.memory_space<vmem>>, vector<1x256x128xi32>
      %swap3A_91 = vector.shape_cast %swap3A_90 : vector<1x256x128xi32> to vector<256x128xi32>
      %swap3A_92 = vector.shape_cast %or3A_86 : vector<256x128xi32> to vector<1x256x128xi32>
      tpu.vector_store %arg9[%swap3A_87, %swap3A_88, %swap3A_89], %swap3A_92 {strides = array<i32>} : memref<8x256x128xi32, #tpu.memory_space<vmem>>, vector<1x256x128xi32>,
      %slice3A_93 = vector.extract_strided_slice %get3A_8 {offsets = [0, 2, 0], sizes = [135, 1, 256], strides = [1, 1, 1]} : vector<135x8x256xf32> to vector<135x1x256xf32>
      %squeeze3A_94 = vector.shape_cast %slice3A_93 : vector<135x1x256xf32> to vector<135x256xf32>
      %transpose3A_95 = tpu.transpose %squeeze3A_94, [1, 0] : vector<135x256xf32> -> vector<256x135xf32>
      %broadcast_in_dim3A_96 = arith.constant 3.000000e+00 : f32
      %broadcast_in_dim3A_97 = vector.broadcast %broadcast_in_dim3A_96 : f32 to vector<256x1xf32>
      %slice3A_98 = vector.extract_strided_slice %transpose3A_95 {offsets = [0, 7], sizes = [256, 128], strides = [1, 1]} : vector<256x135xf32> to vector<256x128xf32>
      %slice3A_99 = vector.extract_strided_slice %transpose3A_95 {offsets = [0, 0], sizes = [256, 7], strides = [1, 1]} : vector<256x135xf32> to vector<256x7xf32>
      %broadcast_in_dim3A_100 = arith.constant 0.000000e+00 : f32
      %broadcast_in_dim3A_101 = vector.broadcast %broadcast_in_dim3A_100 : f32 to vector<256x120xf32>
      %concatenate3A_102 = tpu.concatenate %slice3A_99, %broadcast_in_dim3A_97, %broadcast_in_dim3A_101 in 1 : vector<256x7xf32>, vector<256x1xf32>, vector<256x120xf32> -> vector<256x128xf32>
      %bitcast_convert_type3A_103 = tpu.bitcast %slice3A_98 : vector<256x128xf32> -> vector<256x128xi32>
      %bitcast_convert_type3A_104 = tpu.bitcast %concatenate3A_102 : vector<256x128xf32> -> vector<256x128xi32>
      %add3A_105 = arith.constant 32767 : i32
      %add3A_106 = vector.broadcast %add3A_105 : i32 to vector<256x128xi32>
      %add3A_107 = arith.addi %bitcast_convert_type3A_103, %add3A_106 : vector<256x128xi32>
      %shift_right_arithmetic3A_108 = arith.constant 16 : i32
      %shift_right_arithmetic3A_109 = vector.broadcast %shift_right_arithmetic3A_108 : i32 to vector<256x128xi32>
      %shift_right_arithmetic3A_110 = arith.shrsi %bitcast_convert_type3A_103, %shift_right_arithmetic3A_109 : vector<256x128xi32>
      %and3A_111 = arith.constant 1 : i32
      %and3A_112 = vector.broadcast %and3A_111 : i32 to vector<256x128xi32>
      %and3A_113 = arith.andi %shift_right_arithmetic3A_110, %and3A_112 : vector<256x128xi32>
      %add3A_114 = arith.addi %add3A_107, %and3A_113 : vector<256x128xi32>
      %and3A_115 = arith.constant -65536 : i32
      %and3A_116 = vector.broadcast %and3A_115 : i32 to vector<256x128xi32>
      %and3A_117 = arith.andi %add3A_114, %and3A_116 : vector<256x128xi32>
      %shift_right_logical3A_118 = arith.constant 16 : i32
      %shift_right_logical3A_119 = vector.broadcast %shift_right_logical3A_118 : i32 to vector<256x128xi32>
      %shift_right_logical3A_120 = arith.shrui %and3A_117, %shift_right_logical3A_119 : vector<256x128xi32>
      %add3A_121 = arith.constant 32767 : i32
      %add3A_122 = vector.broadcast %add3A_121 : i32 to vector<256x128xi32>
      %add3A_123 = arith.addi %bitcast_convert_type3A_104, %add3A_122 : vector<256x128xi32>
      %shift_right_arithmetic3A_124 = arith.constant 16 : i32
      %shift_right_arithmetic3A_125 = vector.broadcast %shift_right_arithmetic3A_124 : i32 to vector<256x128xi32>
      %shift_right_arithmetic3A_126 = arith.shrsi %bitcast_convert_type3A_104, %shift_right_arithmetic3A_125 : vector<256x128xi32>
      %and3A_127 = arith.constant 1 : i32
      %and3A_128 = vector.broadcast %and3A_127 : i32 to vector<256x128xi32>
      %and3A_129 = arith.andi %shift_right_arithmetic3A_126, %and3A_128 : vector<256x128xi32>
      %add3A_130 = arith.addi %add3A_123, %and3A_129 : vector<256x128xi32>
      %and3A_131 = arith.constant -65536 : i32
      %and3A_132 = vector.broadcast %and3A_131 : i32 to vector<256x128xi32>
      %and3A_133 = arith.andi %add3A_130, %and3A_132 : vector<256x128xi32>
      %or3A_134 = arith.ori %shift_right_logical3A_120, %and3A_133 : vector<256x128xi32>
      %swap3A_135 = arith.constant 2 : index
      %swap3A_136 = arith.constant 0 : index
      %swap3A_137 = arith.constant 0 : index
      %swap3A_138 = vector.load %arg9[%swap3A_135, %swap3A_136, %swap3A_137] : memref<8x256x128xi32, #tpu.memory_space<vmem>>, vector<1x256x128xi32>
      %swap3A_139 = vector.shape_cast %swap3A_138 : vector<1x256x128xi32> to vector<256x128xi32>
      %swap3A_140 = vector.shape_cast %or3A_134 : vector<256x128xi32> to vector<1x256x128xi32>
      tpu.vector_store %arg9[%swap3A_135, %swap3A_136, %swap3A_137], %swap3A_140 {strides = array<i32>} : memref<8x256x128xi32, #tpu.memory_space<vmem>>, vector<1x256x128xi32>,
      %slice3A_141 = vector.extract_strided_slice %get3A_8 {offsets = [0, 3, 0], sizes = [135, 1, 256], strides = [1, 1, 1]} : vector<135x8x256xf32> to vector<135x1x256xf32>
      %squeeze3A_142 = vector.shape_cast %slice3A_141 : vector<135x1x256xf32> to vector<135x256xf32>
      %transpose3A_143 = tpu.transpose %squeeze3A_142, [1, 0] : vector<135x256xf32> -> vector<256x135xf32>
      %broadcast_in_dim3A_144 = arith.constant 4.000000e+00 : f32
      %broadcast_in_dim3A_145 = vector.broadcast %broadcast_in_dim3A_144 : f32 to vector<256x1xf32>
      %slice3A_146 = vector.extract_strided_slice %transpose3A_143 {offsets = [0, 7], sizes = [256, 128], strides = [1, 1]} : vector<256x135xf32> to vector<256x128xf32>
      %slice3A_147 = vector.extract_strided_slice %transpose3A_143 {offsets = [0, 0], sizes = [256, 7], strides = [1, 1]} : vector<256x135xf32> to vector<256x7xf32>
      %broadcast_in_dim3A_148 = arith.constant 0.000000e+00 : f32
      %broadcast_in_dim3A_149 = vector.broadcast %broadcast_in_dim3A_148 : f32 to vector<256x120xf32>
      %concatenate3A_150 = tpu.concatenate %slice3A_147, %broadcast_in_dim3A_145, %broadcast_in_dim3A_149 in 1 : vector<256x7xf32>, vector<256x1xf32>, vector<256x120xf32> -> vector<256x128xf32>
      %bitcast_convert_type3A_151 = tpu.bitcast %slice3A_146 : vector<256x128xf32> -> vector<256x128xi32>
      %bitcast_convert_type3A_152 = tpu.bitcast %concatenate3A_150 : vector<256x128xf32> -> vector<256x128xi32>
      %add3A_153 = arith.constant 32767 : i32
      %add3A_154 = vector.broadcast %add3A_153 : i32 to vector<256x128xi32>
      %add3A_155 = arith.addi %bitcast_convert_type3A_151, %add3A_154 : vector<256x128xi32>
      %shift_right_arithmetic3A_156 = arith.constant 16 : i32
      %shift_right_arithmetic3A_157 = vector.broadcast %shift_right_arithmetic3A_156 : i32 to vector<256x128xi32>
      %shift_right_arithmetic3A_158 = arith.shrsi %bitcast_convert_type3A_151, %shift_right_arithmetic3A_157 : vector<256x128xi32>
      %and3A_159 = arith.constant 1 : i32
      %and3A_160 = vector.broadcast %and3A_159 : i32 to vector<256x128xi32>
      %and3A_161 = arith.andi %shift_right_arithmetic3A_158, %and3A_160 : vector<256x128xi32>
      %add3A_162 = arith.addi %add3A_155, %and3A_161 : vector<256x128xi32>
      %and3A_163 = arith.constant -65536 : i32
      %and3A_164 = vector.broadcast %and3A_163 : i32 to vector<256x128xi32>
      %and3A_165 = arith.andi %add3A_162, %and3A_164 : vector<256x128xi32>
      %shift_right_logical3A_166 = arith.constant 16 : i32
      %shift_right_logical3A_167 = vector.broadcast %shift_right_logical3A_166 : i32 to vector<256x128xi32>
      %shift_right_logical3A_168 = arith.shrui %and3A_165, %shift_right_logical3A_167 : vector<256x128xi32>
      %add3A_169 = arith.constant 32767 : i32
      %add3A_170 = vector.broadcast %add3A_169 : i32 to vector<256x128xi32>
      %add3A_171 = arith.addi %bitcast_convert_type3A_152, %add3A_170 : vector<256x128xi32>
      %shift_right_arithmetic3A_172 = arith.constant 16 : i32
      %shift_right_arithmetic3A_173 = vector.broadcast %shift_right_arithmetic3A_172 : i32 to vector<256x128xi32>
      %shift_right_arithmetic3A_174 = arith.shrsi %bitcast_convert_type3A_152, %shift_right_arithmetic3A_173 : vector<256x128xi32>
      %and3A_175 = arith.constant 1 : i32
      %and3A_176 = vector.broadcast %and3A_175 : i32 to vector<256x128xi32>
      %and3A_177 = arith.andi %shift_right_arithmetic3A_174, %and3A_176 : vector<256x128xi32>
      %add3A_178 = arith.addi %add3A_171, %and3A_177 : vector<256x128xi32>
      %and3A_179 = arith.constant -65536 : i32
      %and3A_180 = vector.broadcast %and3A_179 : i32 to vector<256x128xi32>
      %and3A_181 = arith.andi %add3A_178, %and3A_180 : vector<256x128xi32>
      %or3A_182 = arith.ori %shift_right_logical3A_168, %and3A_181 : vector<256x128xi32>
      %swap3A_183 = arith.constant 3 : index
      %swap3A_184 = arith.constant 0 : index
      %swap3A_185 = arith.constant 0 : index
      %swap3A_186 = vector.load %arg9[%swap3A_183, %swap3A_184, %swap3A_185] : memref<8x256x128xi32, #tpu.memory_space<vmem>>, vector<1x256x128xi32>
      %swap3A_187 = vector.shape_cast %swap3A_186 : vector<1x256x128xi32> to vector<256x128xi32>
      %swap3A_188 = vector.shape_cast %or3A_182 : vector<256x128xi32> to vector<1x256x128xi32>
      tpu.vector_store %arg9[%swap3A_183, %swap3A_184, %swap3A_185], %swap3A_188 {strides = array<i32>} : memref<8x256x128xi32, #tpu.memory_space<vmem>>, vector<1x256x128xi32>,
      %slice3A_189 = vector.extract_strided_slice %get3A_8 {offsets = [0, 4, 0], sizes = [135, 1, 256], strides = [1, 1, 1]} : vector<135x8x256xf32> to vector<135x1x256xf32>
      %squeeze3A_190 = vector.shape_cast %slice3A_189 : vector<135x1x256xf32> to vector<135x256xf32>
      %transpose3A_191 = tpu.transpose %squeeze3A_190, [1, 0] : vector<135x256xf32> -> vector<256x135xf32>
      %broadcast_in_dim3A_192 = arith.constant 5.000000e+00 : f32
      %broadcast_in_dim3A_193 = vector.broadcast %broadcast_in_dim3A_192 : f32 to vector<256x1xf32>
      %slice3A_194 = vector.extract_strided_slice %transpose3A_191 {offsets = [0, 7], sizes = [256, 128], strides = [1, 1]} : vector<256x135xf32> to vector<256x128xf32>
      %slice3A_195 = vector.extract_strided_slice %transpose3A_191 {offsets = [0, 0], sizes = [256, 7], strides = [1, 1]} : vector<256x135xf32> to vector<256x7xf32>
      %broadcast_in_dim3A_196 = arith.constant 0.000000e+00 : f32
      %broadcast_in_dim3A_197 = vector.broadcast %broadcast_in_dim3A_196 : f32 to vector<256x120xf32>
      %concatenate3A_198 = tpu.concatenate %slice3A_195, %broadcast_in_dim3A_193, %broadcast_in_dim3A_197 in 1 : vector<256x7xf32>, vector<256x1xf32>, vector<256x120xf32> -> vector<256x128xf32>
      %bitcast_convert_type3A_199 = tpu.bitcast %slice3A_194 : vector<256x128xf32> -> vector<256x128xi32>
      %bitcast_convert_type3A_200 = tpu.bitcast %concatenate3A_198 : vector<256x128xf32> -> vector<256x128xi32>
      %add3A_201 = arith.constant 32767 : i32
      %add3A_202 = vector.broadcast %add3A_201 : i32 to vector<256x128xi32>
      %add3A_203 = arith.addi %bitcast_convert_type3A_199, %add3A_202 : vector<256x128xi32>
      %shift_right_arithmetic3A_204 = arith.constant 16 : i32
      %shift_right_arithmetic3A_205 = vector.broadcast %shift_right_arithmetic3A_204 : i32 to vector<256x128xi32>
      %shift_right_arithmetic3A_206 = arith.shrsi %bitcast_convert_type3A_199, %shift_right_arithmetic3A_205 : vector<256x128xi32>
      %and3A_207 = arith.constant 1 : i32
      %and3A_208 = vector.broadcast %and3A_207 : i32 to vector<256x128xi32>
      %and3A_209 = arith.andi %shift_right_arithmetic3A_206, %and3A_208 : vector<256x128xi32>
      %add3A_210 = arith.addi %add3A_203, %and3A_209 : vector<256x128xi32>
      %and3A_211 = arith.constant -65536 : i32
      %and3A_212 = vector.broadcast %and3A_211 : i32 to vector<256x128xi32>
      %and3A_213 = arith.andi %add3A_210, %and3A_212 : vector<256x128xi32>
      %shift_right_logical3A_214 = arith.constant 16 : i32
      %shift_right_logical3A_215 = vector.broadcast %shift_right_logical3A_214 : i32 to vector<256x128xi32>
      %shift_right_logical3A_216 = arith.shrui %and3A_213, %shift_right_logical3A_215 : vector<256x128xi32>
      %add3A_217 = arith.constant 32767 : i32
      %add3A_218 = vector.broadcast %add3A_217 : i32 to vector<256x128xi32>
      %add3A_219 = arith.addi %bitcast_convert_type3A_200, %add3A_218 : vector<256x128xi32>
      %shift_right_arithmetic3A_220 = arith.constant 16 : i32
      %shift_right_arithmetic3A_221 = vector.broadcast %shift_right_arithmetic3A_220 : i32 to vector<256x128xi32>
      %shift_right_arithmetic3A_222 = arith.shrsi %bitcast_convert_type3A_200, %shift_right_arithmetic3A_221 : vector<256x128xi32>
      %and3A_223 = arith.constant 1 : i32
      %and3A_224 = vector.broadcast %and3A_223 : i32 to vector<256x128xi32>
      %and3A_225 = arith.andi %shift_right_arithmetic3A_222, %and3A_224 : vector<256x128xi32>
      %add3A_226 = arith.addi %add3A_219, %and3A_225 : vector<256x128xi32>
      %and3A_227 = arith.constant -65536 : i32
      %and3A_228 = vector.broadcast %and3A_227 : i32 to vector<256x128xi32>
      %and3A_229 = arith.andi %add3A_226, %and3A_228 : vector<256x128xi32>
      %or3A_230 = arith.ori %shift_right_logical3A_216, %and3A_229 : vector<256x128xi32>
      %swap3A_231 = arith.constant 4 : index
      %swap3A_232 = arith.constant 0 : index
      %swap3A_233 = arith.constant 0 : index
      %swap3A_234 = vector.load %arg9[%swap3A_231, %swap3A_232, %swap3A_233] : memref<8x256x128xi32, #tpu.memory_space<vmem>>, vector<1x256x128xi32>
      %swap3A_235 = vector.shape_cast %swap3A_234 : vector<1x256x128xi32> to vector<256x128xi32>
      %swap3A_236 = vector.shape_cast %or3A_230 : vector<256x128xi32> to vector<1x256x128xi32>
      tpu.vector_store %arg9[%swap3A_231, %swap3A_232, %swap3A_233], %swap3A_236 {strides = array<i32>} : memref<8x256x128xi32, #tpu.memory_space<vmem>>, vector<1x256x128xi32>,
      %slice3A_237 = vector.extract_strided_slice %get3A_8 {offsets = [0, 5, 0], sizes = [135, 1, 256], strides = [1, 1, 1]} : vector<135x8x256xf32> to vector<135x1x256xf32>
      %squeeze3A_238 = vector.shape_cast %slice3A_237 : vector<135x1x256xf32> to vector<135x256xf32>
      %transpose3A_239 = tpu.transpose %squeeze3A_238, [1, 0] : vector<135x256xf32> -> vector<256x135xf32>
      %broadcast_in_dim3A_240 = arith.constant 6.000000e+00 : f32
      %broadcast_in_dim3A_241 = vector.broadcast %broadcast_in_dim3A_240 : f32 to vector<256x1xf32>
      %slice3A_242 = vector.extract_strided_slice %transpose3A_239 {offsets = [0, 7], sizes = [256, 128], strides = [1, 1]} : vector<256x135xf32> to vector<256x128xf32>
      %slice3A_243 = vector.extract_strided_slice %transpose3A_239 {offsets = [0, 0], sizes = [256, 7], strides = [1, 1]} : vector<256x135xf32> to vector<256x7xf32>
      %broadcast_in_dim3A_244 = arith.constant 0.000000e+00 : f32
      %broadcast_in_dim3A_245 = vector.broadcast %broadcast_in_dim3A_244 : f32 to vector<256x120xf32>
      %concatenate3A_246 = tpu.concatenate %slice3A_243, %broadcast_in_dim3A_241, %broadcast_in_dim3A_245 in 1 : vector<256x7xf32>, vector<256x1xf32>, vector<256x120xf32> -> vector<256x128xf32>
      %bitcast_convert_type3A_247 = tpu.bitcast %slice3A_242 : vector<256x128xf32> -> vector<256x128xi32>
      %bitcast_convert_type3A_248 = tpu.bitcast %concatenate3A_246 : vector<256x128xf32> -> vector<256x128xi32>
      %add3A_249 = arith.constant 32767 : i32
      %add3A_250 = vector.broadcast %add3A_249 : i32 to vector<256x128xi32>
      %add3A_251 = arith.addi %bitcast_convert_type3A_247, %add3A_250 : vector<256x128xi32>
      %shift_right_arithmetic3A_252 = arith.constant 16 : i32
      %shift_right_arithmetic3A_253 = vector.broadcast %shift_right_arithmetic3A_252 : i32 to vector<256x128xi32>
      %shift_right_arithmetic3A_254 = arith.shrsi %bitcast_convert_type3A_247, %shift_right_arithmetic3A_253 : vector<256x128xi32>
      %and3A_255 = arith.constant 1 : i32
      %and3A_256 = vector.broadcast %and3A_255 : i32 to vector<256x128xi32>
      %and3A_257 = arith.andi %shift_right_arithmetic3A_254, %and3A_256 : vector<256x128xi32>
      %add3A_258 = arith.addi %add3A_251, %and3A_257 : vector<256x128xi32>
      %and3A_259 = arith.constant -65536 : i32
      %and3A_260 = vector.broadcast %and3A_259 : i32 to vector<256x128xi32>
      %and3A_261 = arith.andi %add3A_258, %and3A_260 : vector<256x128xi32>
      %shift_right_logical3A_262 = arith.constant 16 : i32
      %shift_right_logical3A_263 = vector.broadcast %shift_right_logical3A_262 : i32 to vector<256x128xi32>
      %shift_right_logical3A_264 = arith.shrui %and3A_261, %shift_right_logical3A_263 : vector<256x128xi32>
      %add3A_265 = arith.constant 32767 : i32
      %add3A_266 = vector.broadcast %add3A_265 : i32 to vector<256x128xi32>
      %add3A_267 = arith.addi %bitcast_convert_type3A_248, %add3A_266 : vector<256x128xi32>
      %shift_right_arithmetic3A_268 = arith.constant 16 : i32
      %shift_right_arithmetic3A_269 = vector.broadcast %shift_right_arithmetic3A_268 : i32 to vector<256x128xi32>
      %shift_right_arithmetic3A_270 = arith.shrsi %bitcast_convert_type3A_248, %shift_right_arithmetic3A_269 : vector<256x128xi32>
      %and3A_271 = arith.constant 1 : i32
      %and3A_272 = vector.broadcast %and3A_271 : i32 to vector<256x128xi32>
      %and3A_273 = arith.andi %shift_right_arithmetic3A_270, %and3A_272 : vector<256x128xi32>
      %add3A_274 = arith.addi %add3A_267, %and3A_273 : vector<256x128xi32>
      %and3A_275 = arith.constant -65536 : i32
      %and3A_276 = vector.broadcast %and3A_275 : i32 to vector<256x128xi32>
      %and3A_277 = arith.andi %add3A_274, %and3A_276 : vector<256x128xi32>
      %or3A_278 = arith.ori %shift_right_logical3A_264, %and3A_277 : vector<256x128xi32>
      %swap3A_279 = arith.constant 5 : index
      %swap3A_280 = arith.constant 0 : index
      %swap3A_281 = arith.constant 0 : index
      %swap3A_282 = vector.load %arg9[%swap3A_279, %swap3A_280, %swap3A_281] : memref<8x256x128xi32, #tpu.memory_space<vmem>>, vector<1x256x128xi32>
      %swap3A_283 = vector.shape_cast %swap3A_282 : vector<1x256x128xi32> to vector<256x128xi32>
      %swap3A_284 = vector.shape_cast %or3A_278 : vector<256x128xi32> to vector<1x256x128xi32>
      tpu.vector_store %arg9[%swap3A_279, %swap3A_280, %swap3A_281], %swap3A_284 {strides = array<i32>} : memref<8x256x128xi32, #tpu.memory_space<vmem>>, vector<1x256x128xi32>,
      %slice3A_285 = vector.extract_strided_slice %get3A_8 {offsets = [0, 6, 0], sizes = [135, 1, 256], strides = [1, 1, 1]} : vector<135x8x256xf32> to vector<135x1x256xf32>
      %squeeze3A_286 = vector.shape_cast %slice3A_285 : vector<135x1x256xf32> to vector<135x256xf32>
      %transpose3A_287 = tpu.transpose %squeeze3A_286, [1, 0] : vector<135x256xf32> -> vector<256x135xf32>
      %broadcast_in_dim3A_288 = arith.constant 7.000000e+00 : f32
      %broadcast_in_dim3A_289 = vector.broadcast %broadcast_in_dim3A_288 : f32 to vector<256x1xf32>
      %slice3A_290 = vector.extract_strided_slice %transpose3A_287 {offsets = [0, 7], sizes = [256, 128], strides = [1, 1]} : vector<256x135xf32> to vector<256x128xf32>
      %slice3A_291 = vector.extract_strided_slice %transpose3A_287 {offsets = [0, 0], sizes = [256, 7], strides = [1, 1]} : vector<256x135xf32> to vector<256x7xf32>
      %broadcast_in_dim3A_292 = arith.constant 0.000000e+00 : f32
      %broadcast_in_dim3A_293 = vector.broadcast %broadcast_in_dim3A_292 : f32 to vector<256x120xf32>
      %concatenate3A_294 = tpu.concatenate %slice3A_291, %broadcast_in_dim3A_289, %broadcast_in_dim3A_293 in 1 : vector<256x7xf32>, vector<256x1xf32>, vector<256x120xf32> -> vector<256x128xf32>
      %bitcast_convert_type3A_295 = tpu.bitcast %slice3A_290 : vector<256x128xf32> -> vector<256x128xi32>
      %bitcast_convert_type3A_296 = tpu.bitcast %concatenate3A_294 : vector<256x128xf32> -> vector<256x128xi32>
      %add3A_297 = arith.constant 32767 : i32
      %add3A_298 = vector.broadcast %add3A_297 : i32 to vector<256x128xi32>
      %add3A_299 = arith.addi %bitcast_convert_type3A_295, %add3A_298 : vector<256x128xi32>
      %shift_right_arithmetic3A_300 = arith.constant 16 : i32
      %shift_right_arithmetic3A_301 = vector.broadcast %shift_right_arithmetic3A_300 : i32 to vector<256x128xi32>
      %shift_right_arithmetic3A_302 = arith.shrsi %bitcast_convert_type3A_295, %shift_right_arithmetic3A_301 : vector<256x128xi32>
      %and3A_303 = arith.constant 1 : i32
      %and3A_304 = vector.broadcast %and3A_303 : i32 to vector<256x128xi32>
      %and3A_305 = arith.andi %shift_right_arithmetic3A_302, %and3A_304 : vector<256x128xi32>
      %add3A_306 = arith.addi %add3A_299, %and3A_305 : vector<256x128xi32>
      %and3A_307 = arith.constant -65536 : i32
      %and3A_308 = vector.broadcast %and3A_307 : i32 to vector<256x128xi32>
      %and3A_309 = arith.andi %add3A_306, %and3A_308 : vector<256x128xi32>
      %shift_right_logical3A_310 = arith.constant 16 : i32
      %shift_right_logical3A_311 = vector.broadcast %shift_right_logical3A_310 : i32 to vector<256x128xi32>
      %shift_right_logical3A_312 = arith.shrui %and3A_309, %shift_right_logical3A_311 : vector<256x128xi32>
      %add3A_313 = arith.constant 32767 : i32
      %add3A_314 = vector.broadcast %add3A_313 : i32 to vector<256x128xi32>
      %add3A_315 = arith.addi %bitcast_convert_type3A_296, %add3A_314 : vector<256x128xi32>
      %shift_right_arithmetic3A_316 = arith.constant 16 : i32
      %shift_right_arithmetic3A_317 = vector.broadcast %shift_right_arithmetic3A_316 : i32 to vector<256x128xi32>
      %shift_right_arithmetic3A_318 = arith.shrsi %bitcast_convert_type3A_296, %shift_right_arithmetic3A_317 : vector<256x128xi32>
      %and3A_319 = arith.constant 1 : i32
      %and3A_320 = vector.broadcast %and3A_319 : i32 to vector<256x128xi32>
      %and3A_321 = arith.andi %shift_right_arithmetic3A_318, %and3A_320 : vector<256x128xi32>
      %add3A_322 = arith.addi %add3A_315, %and3A_321 : vector<256x128xi32>
      %and3A_323 = arith.constant -65536 : i32
      %and3A_324 = vector.broadcast %and3A_323 : i32 to vector<256x128xi32>
      %and3A_325 = arith.andi %add3A_322, %and3A_324 : vector<256x128xi32>
      %or3A_326 = arith.ori %shift_right_logical3A_312, %and3A_325 : vector<256x128xi32>
      %swap3A_327 = arith.constant 6 : index
      %swap3A_328 = arith.constant 0 : index
      %swap3A_329 = arith.constant 0 : index
      %swap3A_330 = vector.load %arg9[%swap3A_327, %swap3A_328, %swap3A_329] : memref<8x256x128xi32, #tpu.memory_space<vmem>>, vector<1x256x128xi32>
      %swap3A_331 = vector.shape_cast %swap3A_330 : vector<1x256x128xi32> to vector<256x128xi32>
      %swap3A_332 = vector.shape_cast %or3A_326 : vector<256x128xi32> to vector<1x256x128xi32>
      tpu.vector_store %arg9[%swap3A_327, %swap3A_328, %swap3A_329], %swap3A_332 {strides = array<i32>} : memref<8x256x128xi32, #tpu.memory_space<vmem>>, vector<1x256x128xi32>,
      %slice3A_333 = vector.extract_strided_slice %get3A_8 {offsets = [0, 7, 0], sizes = [135, 1, 256], strides = [1, 1, 1]} : vector<135x8x256xf32> to vector<135x1x256xf32>
      %squeeze3A_334 = vector.shape_cast %slice3A_333 : vector<135x1x256xf32> to vector<135x256xf32>
      %transpose3A_335 = tpu.transpose %squeeze3A_334, [1, 0] : vector<135x256xf32> -> vector<256x135xf32>
      %broadcast_in_dim3A_336 = arith.constant 8.000000e+00 : f32
      %broadcast_in_dim3A_337 = vector.broadcast %broadcast_in_dim3A_336 : f32 to vector<256x1xf32>
      %slice3A_338 = vector.extract_strided_slice %transpose3A_335 {offsets = [0, 7], sizes = [256, 128], strides = [1, 1]} : vector<256x135xf32> to vector<256x128xf32>
      %slice3A_339 = vector.extract_strided_slice %transpose3A_335 {offsets = [0, 0], sizes = [256, 7], strides = [1, 1]} : vector<256x135xf32> to vector<256x7xf32>
      %broadcast_in_dim3A_340 = arith.constant 0.000000e+00 : f32
      %broadcast_in_dim3A_341 = vector.broadcast %broadcast_in_dim3A_340 : f32 to vector<256x120xf32>
      %concatenate3A_342 = tpu.concatenate %slice3A_339, %broadcast_in_dim3A_337, %broadcast_in_dim3A_341 in 1 : vector<256x7xf32>, vector<256x1xf32>, vector<256x120xf32> -> vector<256x128xf32>
      %bitcast_convert_type3A_343 = tpu.bitcast %slice3A_338 : vector<256x128xf32> -> vector<256x128xi32>
      %bitcast_convert_type3A_344 = tpu.bitcast %concatenate3A_342 : vector<256x128xf32> -> vector<256x128xi32>
      %add3A_345 = arith.constant 32767 : i32
      %add3A_346 = vector.broadcast %add3A_345 : i32 to vector<256x128xi32>
      %add3A_347 = arith.addi %bitcast_convert_type3A_343, %add3A_346 : vector<256x128xi32>
      %shift_right_arithmetic3A_348 = arith.constant 16 : i32
      %shift_right_arithmetic3A_349 = vector.broadcast %shift_right_arithmetic3A_348 : i32 to vector<256x128xi32>
      %shift_right_arithmetic3A_350 = arith.shrsi %bitcast_convert_type3A_343, %shift_right_arithmetic3A_349 : vector<256x128xi32>
      %and3A_351 = arith.constant 1 : i32
      %and3A_352 = vector.broadcast %and3A_351 : i32 to vector<256x128xi32>
      %and3A_353 = arith.andi %shift_right_arithmetic3A_350, %and3A_352 : vector<256x128xi32>
      %add3A_354 = arith.addi %add3A_347, %and3A_353 : vector<256x128xi32>
      %and3A_355 = arith.constant -65536 : i32
      %and3A_356 = vector.broadcast %and3A_355 : i32 to vector<256x128xi32>
      %and3A_357 = arith.andi %add3A_354, %and3A_356 : vector<256x128xi32>
      %shift_right_logical3A_358 = arith.constant 16 : i32
      %shift_right_logical3A_359 = vector.broadcast %shift_right_logical3A_358 : i32 to vector<256x128xi32>
      %shift_right_logical3A_360 = arith.shrui %and3A_357, %shift_right_logical3A_359 : vector<256x128xi32>
      %add3A_361 = arith.constant 32767 : i32
      %add3A_362 = vector.broadcast %add3A_361 : i32 to vector<256x128xi32>
      %add3A_363 = arith.addi %bitcast_convert_type3A_344, %add3A_362 : vector<256x128xi32>
      %shift_right_arithmetic3A_364 = arith.constant 16 : i32
      %shift_right_arithmetic3A_365 = vector.broadcast %shift_right_arithmetic3A_364 : i32 to vector<256x128xi32>
      %shift_right_arithmetic3A_366 = arith.shrsi %bitcast_convert_type3A_344, %shift_right_arithmetic3A_365 : vector<256x128xi32>
      %and3A_367 = arith.constant 1 : i32
      %and3A_368 = vector.broadcast %and3A_367 : i32 to vector<256x128xi32>
      %and3A_369 = arith.andi %shift_right_arithmetic3A_366, %and3A_368 : vector<256x128xi32>
      %add3A_370 = arith.addi %add3A_363, %and3A_369 : vector<256x128xi32>
      %and3A_371 = arith.constant -65536 : i32
      %and3A_372 = vector.broadcast %and3A_371 : i32 to vector<256x128xi32>
      %and3A_373 = arith.andi %add3A_370, %and3A_372 : vector<256x128xi32>
      %or3A_374 = arith.ori %shift_right_logical3A_360, %and3A_373 : vector<256x128xi32>
      %swap3A_375 = arith.constant 7 : index
      %swap3A_376 = arith.constant 0 : index
      %swap3A_377 = arith.constant 0 : index
      %swap3A_378 = vector.load %arg9[%swap3A_375, %swap3A_376, %swap3A_377] : memref<8x256x128xi32, #tpu.memory_space<vmem>>, vector<1x256x128xi32>
      %swap3A_379 = vector.shape_cast %swap3A_378 : vector<1x256x128xi32> to vector<256x128xi32>
      %swap3A_380 = vector.shape_cast %or3A_374 : vector<256x128xi32> to vector<1x256x128xi32>
      tpu.vector_store %arg9[%swap3A_375, %swap3A_376, %swap3A_377], %swap3A_380 {strides = array<i32>} : memref<8x256x128xi32, #tpu.memory_space<vmem>>, vector<1x256x128xi32>,
    } else {
    }
    return
  }
  func.func @transform_0(%arg0: i32) -> (i32, i32) {
    %c0_i32 = arith.constant 0 : i32
    %c0_i32_0 = arith.constant 0 : i32
    %c0_i32_1 = arith.constant 0 : i32
    return %c0_i32, %c0_i32_0 : i32, i32
  }
  func.func @transform_1(%arg0: i32) -> (i32, i32, i32) {
    %max3A = arith.constant 1 : i32
    %max3A_0 = arith.maxsi %arg0, %max3A : i32
    %sub3A = arith.constant 1 : i32
    %sub3A_1 = arith.subi %max3A_0, %sub3A : i32
    %c0_i32 = arith.constant 0 : i32
    %c0_i32_2 = arith.constant 0 : i32
    %c0_i32_3 = arith.constant 0 : i32
    return %c0_i32, %c0_i32_2, %sub3A_1 : i32, i32, i32
  }
  func.func @transform_2(%arg0: i32) -> (i32, i32, i32) {
    %c0_i32 = arith.constant 0 : i32
    %c0_i32_0 = arith.constant 0 : i32
    %c0_i32_1 = arith.constant 0 : i32
    %c0_i32_2 = arith.constant 0 : i32
    return %c0_i32, %c0_i32_0, %c0_i32_1 : i32, i32, i32
  }
  func.func @transform_3(%arg0: i32) -> (i32, i32, i32) {
    %c0_i32 = arith.constant 0 : i32
    %c0_i32_0 = arith.constant 0 : i32
    %c0_i32_1 = arith.constant 0 : i32
    %c0_i32_2 = arith.constant 0 : i32
    return %c0_i32, %c0_i32_0, %c0_i32_1 : i32, i32, i32
  }
  func.func @transform_4(%arg0: i32) -> (i32, i32) {
    %c0_i32 = arith.constant 0 : i32
    %c0_i32_0 = arith.constant 0 : i32
    %c0_i32_1 = arith.constant 0 : i32
    return %c0_i32, %c0_i32_0 : i32, i32
  }
  func.func @transform_5(%arg0: i32) -> (i32, i32) {
    %c0_i32 = arith.constant 0 : i32
    %c0_i32_0 = arith.constant 0 : i32
    %c0_i32_1 = arith.constant 0 : i32
    return %c0_i32, %c0_i32_0 : i32, i32
  }
  func.func @transform_6(%arg0: i32) -> (i32, i32) {
    %c0_i32 = arith.constant 0 : i32
    %c0_i32_0 = arith.constant 0 : i32
    %c0_i32_1 = arith.constant 0 : i32
    return %c0_i32, %c0_i32_0 : i32, i32
  }
  func.func @transform_7(%arg0: i32) -> (i32, i32) {
    %c0_i32 = arith.constant 0 : i32
    %c0_i32_0 = arith.constant 0 : i32
    %c0_i32_1 = arith.constant 0 : i32
    return %c0_i32, %c0_i32_0 : i32, i32
  }
  func.func @transform_8(%arg0: i32) -> (i32, i32, i32) {
    %max3A = arith.constant 1 : i32
    %max3A_0 = arith.maxsi %arg0, %max3A : i32
    %sub3A = arith.constant 1 : i32
    %sub3A_1 = arith.subi %max3A_0, %sub3A : i32
    %c0_i32 = arith.constant 0 : i32
    %c0_i32_2 = arith.constant 0 : i32
    %c0_i32_3 = arith.constant 0 : i32
    return %c0_i32, %sub3A_1, %c0_i32_2 : i32, i32, i32
  }
  func.func @transform_9(%arg0: i32) -> (i32, i32, i32) {
    %c0_i32 = arith.constant 0 : i32
    %c0_i32_0 = arith.constant 0 : i32
    %c0_i32_1 = arith.constant 0 : i32
    %c0_i32_2 = arith.constant 0 : i32
    return %c0_i32, %c0_i32_0, %c0_i32_1 : i32, i32, i32
  }
  func.func @transform_10(%arg0: i32) -> (i32, i32, i32) {
    %c0_i32 = arith.constant 0 : i32
    %c0_i32_0 = arith.constant 0 : i32
    %c0_i32_1 = arith.constant 0 : i32
    %c0_i32_2 = arith.constant 0 : i32
    return %c0_i32, %c0_i32_0, %c0_i32_1 : i32, i32, i32
  }
  func.func @transform_11(%arg0: i32) -> (i32, i32) {
    %c0_i32 = arith.constant 0 : i32
    %c0_i32_0 = arith.constant 0 : i32
    %c0_i32_1 = arith.constant 0 : i32
    return %c0_i32, %c0_i32_0 : i32, i32
  }
}

module attributes {stable_mosaic.version = 14 : i64} {
  func.func @_main_body(%arg0: i32, %arg1: memref<1x48xi32, #tpu.memory_space<smem>>, %arg2: memref<1x48xi32, #tpu.memory_space<smem>>, %arg3: memref<512x128xi32, #tpu.memory_space<vmem>>, %arg4: memref<1x128x256xbf16, #tpu.memory_space<vmem>>, %arg5: memref<1x1x256xf32, #tpu.memory_space<vmem>>, %arg6: memref<1x256x256xbf16, #tpu.memory_space<vmem>>, %arg7: memref<1x1x256xf32, #tpu.memory_space<vmem>>, %arg8: memref<8x256xbf16, #tpu.memory_space<vmem>>, %arg9: memref<1x256xf32, #tpu.memory_space<vmem>>, %arg10: memref<256x512xbf16, #tpu.memory_space<vmem>>, %arg11: memref<1x512xf32, #tpu.memory_space<vmem>>, %arg12: memref<512x1024xbf16, #tpu.memory_space<vmem>>, %arg13: memref<1x1024xf32, #tpu.memory_space<vmem>>, %arg14: memref<1024x1024xbf16, #tpu.memory_space<vmem>>, %arg15: memref<1x1024xf32, #tpu.memory_space<vmem>>, %arg16: memref<1024x1024xbf16, #tpu.memory_space<vmem>>, %arg17: memref<1x1024xf32, #tpu.memory_space<vmem>>, %arg18: memref<1024x2048xf32, #tpu.memory_space<vmem>>, %arg19: memref<1x2048xf32, #tpu.memory_space<vmem>>, %arg20: memref<8x1024xf32, #tpu.memory_space<vmem>>, %arg21: memref<8x2048xf32, #tpu.memory_space<vmem>>, %arg22: memref<8x1024xbf16, #tpu.memory_space<vmem>>) attributes {dimension_semantics = [#tpu.dimension_semantics<arbitrary>], iteration_bounds = array<i64: 55>, scalar_prefetch = 2 : i64, scratch_operands = 1 : i64, tpu.core_type = #tpu.core_type<tc>, window_params = [{transform_indices = @transform_0, window_bounds = array<i64: 512, 128>}, {transform_indices = @transform_1, window_bounds = array<i64: 1, 128, 256>}, {transform_indices = @transform_2, window_bounds = array<i64: 1, 1, 256>}, {transform_indices = @transform_3, window_bounds = array<i64: 1, 256, 256>}, {transform_indices = @transform_4, window_bounds = array<i64: 1, 1, 256>}, {pipeline_mode = #tpu.pipeline_mode<synchronous>, transform_indices = @transform_5, window_bounds = array<i64: 8, 256>}, {pipeline_mode = #tpu.pipeline_mode<synchronous>, transform_indices = @transform_6, window_bounds = array<i64: 1, 256>}, {pipeline_mode = #tpu.pipeline_mode<synchronous>, transform_indices = @transform_7, window_bounds = array<i64: 256, 512>}, {pipeline_mode = #tpu.pipeline_mode<synchronous>, transform_indices = @transform_8, window_bounds = array<i64: 1, 512>}, {pipeline_mode = #tpu.pipeline_mode<synchronous>, transform_indices = @transform_9, window_bounds = array<i64: 512, 1024>}, {pipeline_mode = #tpu.pipeline_mode<synchronous>, transform_indices = @transform_10, window_bounds = array<i64: 1, 1024>}, {pipeline_mode = #tpu.pipeline_mode<synchronous>, transform_indices = @transform_11, window_bounds = array<i64: 1024, 1024>}, {pipeline_mode = #tpu.pipeline_mode<synchronous>, transform_indices = @transform_12, window_bounds = array<i64: 1, 1024>}, {pipeline_mode = #tpu.pipeline_mode<synchronous>, transform_indices = @transform_13, window_bounds = array<i64: 1024, 1024>}, {pipeline_mode = #tpu.pipeline_mode<synchronous>, transform_indices = @transform_14, window_bounds = array<i64: 1, 1024>}, {transform_indices = @transform_15, window_bounds = array<i64: 1024, 2048>}, {transform_indices = @transform_16, window_bounds = array<i64: 1, 2048>}, {pipeline_mode = #tpu.pipeline_mode<synchronous>, transform_indices = @transform_17, window_bounds = array<i64: 8, 1024>}, {transform_indices = @transform_18, window_bounds = array<i64: 8, 2048>}]} {
    %eq3A = arith.constant 0 : i32
    %eq3A_0 = arith.cmpi eq, %arg0, %eq3A : i32
    %convert_element_type3A = arith.extui %eq3A_0 : i1 to i32
    %cond3A = arith.constant 0 : i32
    %cond3A_1 = arith.cmpi ne, %convert_element_type3A, %cond3A : i32
    scf.if %cond3A_1 {
      %broadcast_in_dim3A = arith.constant 0xFF800000 : f32
      %broadcast_in_dim3A_24 = vector.broadcast %broadcast_in_dim3A : f32 to vector<8x1024xf32>
      %swap3A = arith.constant 0 : index
      %swap3A_25 = arith.constant 0 : index
      %swap3A_26 = vector.load %arg20[%swap3A, %swap3A_25] : memref<8x1024xf32, #tpu.memory_space<vmem>>, vector<8x1024xf32>
      tpu.vector_store %arg20[%swap3A, %swap3A_25], %broadcast_in_dim3A_24 {strides = array<i32>} : memref<8x1024xf32, #tpu.memory_space<vmem>>, vector<8x1024xf32>,
    } else {
    }
    %min3A = arith.constant 47 : i32
    %min3A_2 = arith.minsi %arg0, %min3A : i32
    %get3A = arith.constant 0 : index
    %get3A_3 = arith.index_cast %min3A_2 : i32 to index
    %get3A_4 = memref.load %arg2[%get3A, %get3A_3] : memref<1x48xi32, #tpu.memory_space<smem>>
    %lt3A = arith.constant 48 : i32
    %lt3A_5 = arith.cmpi slt, %arg0, %lt3A : i32
    %gt3A = arith.constant 0 : i32
    %gt3A_6 = arith.cmpi sgt, %get3A_4, %gt3A : i32
    %and3A = arith.andi %lt3A_5, %gt3A_6 : i1
    %convert_element_type3A_7 = arith.extui %and3A : i1 to i32
    %cond3A_8 = arith.constant 0 : i32
    %cond3A_9 = arith.cmpi ne, %convert_element_type3A_7, %cond3A_8 : i32
    scf.if %cond3A_9 {
      %get3A_24 = arith.constant 0 : index
      %get3A_25 = arith.constant 0 : index
      %get3A_26 = vector.load %arg3[%get3A_24, %get3A_25] : memref<512x128xi32, #tpu.memory_space<vmem>>, vector<512x128xi32>
      %shift_left3A = arith.constant 16 : i32
      %shift_left3A_27 = vector.broadcast %shift_left3A : i32 to vector<512x128xi32>
      %shift_left3A_28 = arith.shli %get3A_26, %shift_left3A_27 : vector<512x128xi32>
      %bitcast_convert_type3A = tpu.bitcast %shift_left3A_28 : vector<512x128xi32> -> vector<512x128xf32>
      %convert_element_type3A_29 = arith.truncf %bitcast_convert_type3A : vector<512x128xf32> to vector<512x128xbf16>
      %and3A_30 = arith.constant -65536 : i32
      %and3A_31 = vector.broadcast %and3A_30 : i32 to vector<512x128xi32>
      %and3A_32 = arith.andi %get3A_26, %and3A_31 : vector<512x128xi32>
      %bitcast_convert_type3A_33 = tpu.bitcast %and3A_32 : vector<512x128xi32> -> vector<512x128xf32>
      %get3A_34 = arith.constant 0 : index
      %get3A_35 = arith.constant 0 : index
      %get3A_36 = arith.constant 0 : index
      %get3A_37 = vector.load %arg4[%get3A_34, %get3A_35, %get3A_36] : memref<1x128x256xbf16, #tpu.memory_space<vmem>>, vector<1x128x256xbf16>
      %get3A_38 = vector.shape_cast %get3A_37 : vector<1x128x256xbf16> to vector<128x256xbf16>
      %dot_general3A = arith.constant dense<0.000000e+00> : vector<512x256xf32>
      %dot_general3A_39 = tpu.matmul %convert_element_type3A_29, %get3A_38, %dot_general3A {dimension_numbers = #tpu.dot_dimension_numbers<[1], [0], [0], [1], [0, 0, 1, 1], [], []>, transpose_lhs_hint = false} : vector<512x128xbf16>, vector<128x256xbf16>, vector<512x256xf32> -> vector<512x256xf32>
      %get3A_40 = arith.constant 0 : index
      %get3A_41 = arith.constant 0 : index
      %get3A_42 = arith.constant 0 : index
      %get3A_43 = vector.load %arg5[%get3A_40, %get3A_41, %get3A_42] : memref<1x1x256xf32, #tpu.memory_space<vmem>>, vector<1x1x256xf32>
      %get3A_44 = vector.shape_cast %get3A_43 : vector<1x1x256xf32> to vector<1x256xf32>
      %add3A = vector.broadcast %get3A_44 : vector<1x256xf32> to vector<512x256xf32>
      %add3A_45 = arith.addf %dot_general3A_39, %add3A : vector<512x256xf32>
      %max3A = arith.constant 0.000000e+00 : f32
      %max3A_46 = vector.broadcast %max3A : f32 to vector<512x256xf32>
      %max3A_47 = arith.maximumf %add3A_45, %max3A_46 : vector<512x256xf32>
      %convert_element_type3A_48 = arith.truncf %max3A_47 : vector<512x256xf32> to vector<512x256xbf16>
      %slice3A = vector.extract_strided_slice %bitcast_convert_type3A_33 {offsets = [0, 0], sizes = [512, 8], strides = [1, 1]} : vector<512x128xf32> to vector<512x8xf32>
      %convert_element_type3A_49 = arith.truncf %slice3A : vector<512x8xf32> to vector<512x8xbf16>
      %get3A_50 = arith.constant 0 : index
      %get3A_51 = arith.constant 0 : index
      %get3A_52 = vector.load %arg8[%get3A_50, %get3A_51] : memref<8x256xbf16, #tpu.memory_space<vmem>>, vector<8x256xbf16>
      %dot_general3A_53 = arith.constant dense<0.000000e+00> : vector<512x256xf32>
      %dot_general3A_54 = tpu.matmul %convert_element_type3A_49, %get3A_52, %dot_general3A_53 {dimension_numbers = #tpu.dot_dimension_numbers<[1], [0], [0], [1], [0, 0, 1, 1], [], []>, transpose_lhs_hint = false} : vector<512x8xbf16>, vector<8x256xbf16>, vector<512x256xf32> -> vector<512x256xf32>
      %get3A_55 = arith.constant 0 : index
      %get3A_56 = arith.constant 0 : index
      %get3A_57 = arith.constant 0 : index
      %get3A_58 = vector.load %arg6[%get3A_55, %get3A_56, %get3A_57] : memref<1x256x256xbf16, #tpu.memory_space<vmem>>, vector<1x256x256xbf16>
      %get3A_59 = vector.shape_cast %get3A_58 : vector<1x256x256xbf16> to vector<256x256xbf16>
      %dot_general3A_60 = arith.constant dense<0.000000e+00> : vector<512x256xf32>
      %dot_general3A_61 = tpu.matmul %convert_element_type3A_48, %get3A_59, %dot_general3A_60 {dimension_numbers = #tpu.dot_dimension_numbers<[1], [0], [0], [1], [0, 0, 1, 1], [], []>, transpose_lhs_hint = false} : vector<512x256xbf16>, vector<256x256xbf16>, vector<512x256xf32> -> vector<512x256xf32>
      %add3A_62 = arith.addf %dot_general3A_54, %dot_general3A_61 : vector<512x256xf32>
      %get3A_63 = arith.constant 0 : index
      %get3A_64 = arith.constant 0 : index
      %get3A_65 = vector.load %arg9[%get3A_63, %get3A_64] : memref<1x256xf32, #tpu.memory_space<vmem>>, vector<1x256xf32>
      %add3A_66 = vector.broadcast %get3A_65 : vector<1x256xf32> to vector<512x256xf32>
      %add3A_67 = arith.addf %add3A_62, %add3A_66 : vector<512x256xf32>
      %get3A_68 = arith.constant 0 : index
      %get3A_69 = arith.constant 0 : index
      %get3A_70 = arith.constant 0 : index
      %get3A_71 = vector.load %arg7[%get3A_68, %get3A_69, %get3A_70] : memref<1x1x256xf32, #tpu.memory_space<vmem>>, vector<1x1x256xf32>
      %get3A_72 = vector.shape_cast %get3A_71 : vector<1x1x256xf32> to vector<1x256xf32>
      %add3A_73 = vector.broadcast %get3A_72 : vector<1x256xf32> to vector<512x256xf32>
      %add3A_74 = arith.addf %add3A_67, %add3A_73 : vector<512x256xf32>
      %max3A_75 = arith.constant 0.000000e+00 : f32
      %max3A_76 = vector.broadcast %max3A_75 : f32 to vector<512x256xf32>
      %max3A_77 = arith.maximumf %add3A_74, %max3A_76 : vector<512x256xf32>
      %convert_element_type3A_78 = arith.truncf %max3A_77 : vector<512x256xf32> to vector<512x256xbf16>
      %get3A_79 = arith.constant 0 : index
      %get3A_80 = arith.constant 0 : index
      %get3A_81 = vector.load %arg10[%get3A_79, %get3A_80] : memref<256x512xbf16, #tpu.memory_space<vmem>>, vector<256x512xbf16>
      %dot_general3A_82 = arith.constant dense<0.000000e+00> : vector<512x512xf32>
      %dot_general3A_83 = tpu.matmul %convert_element_type3A_78, %get3A_81, %dot_general3A_82 {dimension_numbers = #tpu.dot_dimension_numbers<[1], [0], [0], [1], [0, 0, 1, 1], [], []>, transpose_lhs_hint = false} : vector<512x256xbf16>, vector<256x512xbf16>, vector<512x512xf32> -> vector<512x512xf32>
      %get3A_84 = arith.constant 0 : index
      %get3A_85 = arith.constant 0 : index
      %get3A_86 = vector.load %arg11[%get3A_84, %get3A_85] : memref<1x512xf32, #tpu.memory_space<vmem>>, vector<1x512xf32>
      %add3A_87 = vector.broadcast %get3A_86 : vector<1x512xf32> to vector<512x512xf32>
      %add3A_88 = arith.addf %dot_general3A_83, %add3A_87 : vector<512x512xf32>
      %max3A_89 = arith.constant 0.000000e+00 : f32
      %max3A_90 = vector.broadcast %max3A_89 : f32 to vector<512x512xf32>
      %max3A_91 = arith.maximumf %add3A_88, %max3A_90 : vector<512x512xf32>
      %convert_element_type3A_92 = arith.truncf %max3A_91 : vector<512x512xf32> to vector<512x512xbf16>
      %get3A_93 = arith.constant 0 : index
      %get3A_94 = arith.constant 0 : index
      %get3A_95 = vector.load %arg12[%get3A_93, %get3A_94] : memref<512x1024xbf16, #tpu.memory_space<vmem>>, vector<512x1024xbf16>
      %dot_general3A_96 = arith.constant dense<0.000000e+00> : vector<512x1024xf32>
      %dot_general3A_97 = tpu.matmul %convert_element_type3A_92, %get3A_95, %dot_general3A_96 {dimension_numbers = #tpu.dot_dimension_numbers<[1], [0], [0], [1], [0, 0, 1, 1], [], []>, transpose_lhs_hint = false} : vector<512x512xbf16>, vector<512x1024xbf16>, vector<512x1024xf32> -> vector<512x1024xf32>
      %convert_element_type3A_98 = arith.truncf %dot_general3A_97 : vector<512x1024xf32> to vector<512x1024xbf16>
      %iota3A = tpu.iota {dimensions = array<i32: 0>} : vector<512x1xi32>
      %lt3A_99 = vector.broadcast %get3A_4 : i32 to vector<512x1xi32>
      %lt3A_100 = arith.cmpi slt, %iota3A, %lt3A_99 : vector<512x1xi32>
      %slice3A_101 = vector.extract_strided_slice %bitcast_convert_type3A_33 {offsets = [0, 7], sizes = [512, 1], strides = [1, 1]} : vector<512x128xf32> to vector<512x1xf32>
      %jit3A = arith.constant 9.000000e+00 : f32
      %broadcast_in_dim3A = vector.broadcast %jit3A : f32 to vector<512x1xf32>
      %select_n3A = arith.select %lt3A_100, %slice3A_101, %broadcast_in_dim3A : vector<512x1xi1>, vector<512x1xf32>
      %reduce_min3A = vector.shape_cast %select_n3A : vector<512x1xf32> to vector<1x512x1xf32>
      %reduce_min3A_102 = arith.constant dense<0x7F800000> : vector<1xf32>
      %reduce_min3A_103 = vector.multi_reduction <minimumf>, %reduce_min3A, %reduce_min3A_102 [1, 2] : vector<1x512x1xf32> to vector<1xf32>
      %reduce_min3A_104 = vector.shape_cast %reduce_min3A_103 : vector<1xf32> to vector<1x1x1xf32>
      %reduce_min3A_105 = vector.extract %reduce_min3A_104[0, 0, 0] : f32 from vector<1x1x1xf32>
      %jit3A_106 = arith.constant 0.000000e+00 : f32
      %broadcast_in_dim3A_107 = vector.broadcast %jit3A_106 : f32 to vector<512x1xf32>
      %select_n3A_108 = arith.select %lt3A_100, %slice3A_101, %broadcast_in_dim3A_107 : vector<512x1xi1>, vector<512x1xf32>
      %reduce_max3A = vector.shape_cast %select_n3A_108 : vector<512x1xf32> to vector<1x512x1xf32>
      %reduce_max3A_109 = arith.constant dense<0xFF800000> : vector<1xf32>
      %reduce_max3A_110 = vector.multi_reduction <maximumf>, %reduce_max3A, %reduce_max3A_109 [1, 2] : vector<1x512x1xf32> to vector<1xf32>
      %reduce_max3A_111 = vector.shape_cast %reduce_max3A_110 : vector<1xf32> to vector<1x1x1xf32>
      %reduce_max3A_112 = vector.extract %reduce_max3A_111[0, 0, 0] : f32 from vector<1x1x1xf32>
      %le3A = arith.constant 1.000000e+00 : f32
      %le3A_113 = arith.cmpf ole, %reduce_min3A_105, %le3A : f32
      %le3A_114 = arith.constant 1.000000e+00 : f32
      %le3A_115 = arith.cmpf ole, %le3A_114, %reduce_max3A_112 : f32
      %and3A_116 = arith.andi %le3A_113, %le3A_115 : i1
      %convert_element_type3A_117 = arith.extui %and3A_116 : i1 to i32
      %cond3A_118 = arith.constant 1.000000e+00 : f32
      %cond3A_119 = arith.constant 0xFF80 : bf16
      %cond3A_120 = arith.constant 0 : i32
      %cond3A_121 = arith.cmpi ne, %convert_element_type3A_117, %cond3A_120 : i32
      scf.if %cond3A_121 {
        %eq3A_192 = vector.broadcast %cond3A_118 : f32 to vector<512x1xf32>
        %eq3A_193 = arith.cmpf oeq, %slice3A_101, %eq3A_192 : vector<512x1xf32>
        %and3A_194 = arith.andi %lt3A_100, %eq3A_193 : vector<512x1xi1>
        %broadcast_in_dim3A_195 = vector.shape_cast %and3A_194 : vector<512x1xi1> to vector<512x1xi1>
        %broadcast_in_dim3A_196 = vector.broadcast %broadcast_in_dim3A_195 : vector<512x1xi1> to vector<512x1024xi1>
        %broadcast_in_dim3A_197 = vector.broadcast %cond3A_119 : bf16 to vector<512x1024xbf16>
        %select_n3A_198 = arith.select %broadcast_in_dim3A_196, %convert_element_type3A_98, %broadcast_in_dim3A_197 : vector<512x1024xi1>, vector<512x1024xbf16>
        %reduce_max3A_199 = arith.constant dense<0xFF80> : vector<1024xbf16>
        %reduce_max3A_200 = vector.multi_reduction <maximumf>, %select_n3A_198, %reduce_max3A_199 [0] : vector<512x1024xbf16> to vector<1024xbf16>
        %broadcast_in_dim3A_201 = vector.shape_cast %reduce_max3A_200 : vector<1024xbf16> to vector<1x1024xbf16>
        %get3A_202 = arith.constant 0 : index
        %get3A_203 = arith.constant 0 : index
        %get3A_204 = vector.load %arg20[%get3A_202, %get3A_203] : memref<8x1024xf32, #tpu.memory_space<vmem>>, vector<1x1024xf32>
        %convert_element_type3A_205 = arith.extf %broadcast_in_dim3A_201 : vector<1x1024xbf16> to vector<1x1024xf32>
        %max3A_206 = arith.maximumf %get3A_204, %convert_element_type3A_205 : vector<1x1024xf32>
        %swap3A = arith.constant 0 : index
        %swap3A_207 = arith.constant 0 : index
        %swap3A_208 = vector.load %arg20[%swap3A, %swap3A_207] : memref<8x1024xf32, #tpu.memory_space<vmem>>, vector<1x1024xf32>
        tpu.vector_store %arg20[%swap3A, %swap3A_207], %max3A_206 {strides = array<i32>} : memref<8x1024xf32, #tpu.memory_space<vmem>>, vector<1x1024xf32>,
      } else {
      }
      %le3A_122 = arith.constant 2.000000e+00 : f32
      %le3A_123 = arith.cmpf ole, %reduce_min3A_105, %le3A_122 : f32
      %le3A_124 = arith.constant 2.000000e+00 : f32
      %le3A_125 = arith.cmpf ole, %le3A_124, %reduce_max3A_112 : f32
      %and3A_126 = arith.andi %le3A_123, %le3A_125 : i1
      %convert_element_type3A_127 = arith.extui %and3A_126 : i1 to i32
      %cond3A_128 = arith.constant 2.000000e+00 : f32
      %cond3A_129 = arith.constant 0xFF80 : bf16
      %cond3A_130 = arith.constant 0 : i32
      %cond3A_131 = arith.cmpi ne, %convert_element_type3A_127, %cond3A_130 : i32
      scf.if %cond3A_131 {
        %eq3A_192 = vector.broadcast %cond3A_128 : f32 to vector<512x1xf32>
        %eq3A_193 = arith.cmpf oeq, %slice3A_101, %eq3A_192 : vector<512x1xf32>
        %and3A_194 = arith.andi %lt3A_100, %eq3A_193 : vector<512x1xi1>
        %broadcast_in_dim3A_195 = vector.shape_cast %and3A_194 : vector<512x1xi1> to vector<512x1xi1>
        %broadcast_in_dim3A_196 = vector.broadcast %broadcast_in_dim3A_195 : vector<512x1xi1> to vector<512x1024xi1>
        %broadcast_in_dim3A_197 = vector.broadcast %cond3A_129 : bf16 to vector<512x1024xbf16>
        %select_n3A_198 = arith.select %broadcast_in_dim3A_196, %convert_element_type3A_98, %broadcast_in_dim3A_197 : vector<512x1024xi1>, vector<512x1024xbf16>
        %reduce_max3A_199 = arith.constant dense<0xFF80> : vector<1024xbf16>
        %reduce_max3A_200 = vector.multi_reduction <maximumf>, %select_n3A_198, %reduce_max3A_199 [0] : vector<512x1024xbf16> to vector<1024xbf16>
        %broadcast_in_dim3A_201 = vector.shape_cast %reduce_max3A_200 : vector<1024xbf16> to vector<1x1024xbf16>
        %get3A_202 = arith.constant 1 : index
        %get3A_203 = arith.constant 0 : index
        %get3A_204 = vector.load %arg20[%get3A_202, %get3A_203] : memref<8x1024xf32, #tpu.memory_space<vmem>>, vector<1x1024xf32>
        %convert_element_type3A_205 = arith.extf %broadcast_in_dim3A_201 : vector<1x1024xbf16> to vector<1x1024xf32>
        %max3A_206 = arith.maximumf %get3A_204, %convert_element_type3A_205 : vector<1x1024xf32>
        %swap3A = arith.constant 1 : index
        %swap3A_207 = arith.constant 0 : index
        %swap3A_208 = vector.load %arg20[%swap3A, %swap3A_207] : memref<8x1024xf32, #tpu.memory_space<vmem>>, vector<1x1024xf32>
        tpu.vector_store %arg20[%swap3A, %swap3A_207], %max3A_206 {strides = array<i32>} : memref<8x1024xf32, #tpu.memory_space<vmem>>, vector<1x1024xf32>,
      } else {
      }
      %le3A_132 = arith.constant 3.000000e+00 : f32
      %le3A_133 = arith.cmpf ole, %reduce_min3A_105, %le3A_132 : f32
      %le3A_134 = arith.constant 3.000000e+00 : f32
      %le3A_135 = arith.cmpf ole, %le3A_134, %reduce_max3A_112 : f32
      %and3A_136 = arith.andi %le3A_133, %le3A_135 : i1
      %convert_element_type3A_137 = arith.extui %and3A_136 : i1 to i32
      %cond3A_138 = arith.constant 3.000000e+00 : f32
      %cond3A_139 = arith.constant 0xFF80 : bf16
      %cond3A_140 = arith.constant 0 : i32
      %cond3A_141 = arith.cmpi ne, %convert_element_type3A_137, %cond3A_140 : i32
      scf.if %cond3A_141 {
        %eq3A_192 = vector.broadcast %cond3A_138 : f32 to vector<512x1xf32>
        %eq3A_193 = arith.cmpf oeq, %slice3A_101, %eq3A_192 : vector<512x1xf32>
        %and3A_194 = arith.andi %lt3A_100, %eq3A_193 : vector<512x1xi1>
        %broadcast_in_dim3A_195 = vector.shape_cast %and3A_194 : vector<512x1xi1> to vector<512x1xi1>
        %broadcast_in_dim3A_196 = vector.broadcast %broadcast_in_dim3A_195 : vector<512x1xi1> to vector<512x1024xi1>
        %broadcast_in_dim3A_197 = vector.broadcast %cond3A_139 : bf16 to vector<512x1024xbf16>
        %select_n3A_198 = arith.select %broadcast_in_dim3A_196, %convert_element_type3A_98, %broadcast_in_dim3A_197 : vector<512x1024xi1>, vector<512x1024xbf16>
        %reduce_max3A_199 = arith.constant dense<0xFF80> : vector<1024xbf16>
        %reduce_max3A_200 = vector.multi_reduction <maximumf>, %select_n3A_198, %reduce_max3A_199 [0] : vector<512x1024xbf16> to vector<1024xbf16>
        %broadcast_in_dim3A_201 = vector.shape_cast %reduce_max3A_200 : vector<1024xbf16> to vector<1x1024xbf16>
        %get3A_202 = arith.constant 2 : index
        %get3A_203 = arith.constant 0 : index
        %get3A_204 = vector.load %arg20[%get3A_202, %get3A_203] : memref<8x1024xf32, #tpu.memory_space<vmem>>, vector<1x1024xf32>
        %convert_element_type3A_205 = arith.extf %broadcast_in_dim3A_201 : vector<1x1024xbf16> to vector<1x1024xf32>
        %max3A_206 = arith.maximumf %get3A_204, %convert_element_type3A_205 : vector<1x1024xf32>
        %swap3A = arith.constant 2 : index
        %swap3A_207 = arith.constant 0 : index
        %swap3A_208 = vector.load %arg20[%swap3A, %swap3A_207] : memref<8x1024xf32, #tpu.memory_space<vmem>>, vector<1x1024xf32>
        tpu.vector_store %arg20[%swap3A, %swap3A_207], %max3A_206 {strides = array<i32>} : memref<8x1024xf32, #tpu.memory_space<vmem>>, vector<1x1024xf32>,
      } else {
      }
      %le3A_142 = arith.constant 4.000000e+00 : f32
      %le3A_143 = arith.cmpf ole, %reduce_min3A_105, %le3A_142 : f32
      %le3A_144 = arith.constant 4.000000e+00 : f32
      %le3A_145 = arith.cmpf ole, %le3A_144, %reduce_max3A_112 : f32
      %and3A_146 = arith.andi %le3A_143, %le3A_145 : i1
      %convert_element_type3A_147 = arith.extui %and3A_146 : i1 to i32
      %cond3A_148 = arith.constant 4.000000e+00 : f32
      %cond3A_149 = arith.constant 0xFF80 : bf16
      %cond3A_150 = arith.constant 0 : i32
      %cond3A_151 = arith.cmpi ne, %convert_element_type3A_147, %cond3A_150 : i32
      scf.if %cond3A_151 {
        %eq3A_192 = vector.broadcast %cond3A_148 : f32 to vector<512x1xf32>
        %eq3A_193 = arith.cmpf oeq, %slice3A_101, %eq3A_192 : vector<512x1xf32>
        %and3A_194 = arith.andi %lt3A_100, %eq3A_193 : vector<512x1xi1>
        %broadcast_in_dim3A_195 = vector.shape_cast %and3A_194 : vector<512x1xi1> to vector<512x1xi1>
        %broadcast_in_dim3A_196 = vector.broadcast %broadcast_in_dim3A_195 : vector<512x1xi1> to vector<512x1024xi1>
        %broadcast_in_dim3A_197 = vector.broadcast %cond3A_149 : bf16 to vector<512x1024xbf16>
        %select_n3A_198 = arith.select %broadcast_in_dim3A_196, %convert_element_type3A_98, %broadcast_in_dim3A_197 : vector<512x1024xi1>, vector<512x1024xbf16>
        %reduce_max3A_199 = arith.constant dense<0xFF80> : vector<1024xbf16>
        %reduce_max3A_200 = vector.multi_reduction <maximumf>, %select_n3A_198, %reduce_max3A_199 [0] : vector<512x1024xbf16> to vector<1024xbf16>
        %broadcast_in_dim3A_201 = vector.shape_cast %reduce_max3A_200 : vector<1024xbf16> to vector<1x1024xbf16>
        %get3A_202 = arith.constant 3 : index
        %get3A_203 = arith.constant 0 : index
        %get3A_204 = vector.load %arg20[%get3A_202, %get3A_203] : memref<8x1024xf32, #tpu.memory_space<vmem>>, vector<1x1024xf32>
        %convert_element_type3A_205 = arith.extf %broadcast_in_dim3A_201 : vector<1x1024xbf16> to vector<1x1024xf32>
        %max3A_206 = arith.maximumf %get3A_204, %convert_element_type3A_205 : vector<1x1024xf32>
        %swap3A = arith.constant 3 : index
        %swap3A_207 = arith.constant 0 : index
        %swap3A_208 = vector.load %arg20[%swap3A, %swap3A_207] : memref<8x1024xf32, #tpu.memory_space<vmem>>, vector<1x1024xf32>
        tpu.vector_store %arg20[%swap3A, %swap3A_207], %max3A_206 {strides = array<i32>} : memref<8x1024xf32, #tpu.memory_space<vmem>>, vector<1x1024xf32>,
      } else {
      }
      %le3A_152 = arith.constant 5.000000e+00 : f32
      %le3A_153 = arith.cmpf ole, %reduce_min3A_105, %le3A_152 : f32
      %le3A_154 = arith.constant 5.000000e+00 : f32
      %le3A_155 = arith.cmpf ole, %le3A_154, %reduce_max3A_112 : f32
      %and3A_156 = arith.andi %le3A_153, %le3A_155 : i1
      %convert_element_type3A_157 = arith.extui %and3A_156 : i1 to i32
      %cond3A_158 = arith.constant 5.000000e+00 : f32
      %cond3A_159 = arith.constant 0xFF80 : bf16
      %cond3A_160 = arith.constant 0 : i32
      %cond3A_161 = arith.cmpi ne, %convert_element_type3A_157, %cond3A_160 : i32
      scf.if %cond3A_161 {
        %eq3A_192 = vector.broadcast %cond3A_158 : f32 to vector<512x1xf32>
        %eq3A_193 = arith.cmpf oeq, %slice3A_101, %eq3A_192 : vector<512x1xf32>
        %and3A_194 = arith.andi %lt3A_100, %eq3A_193 : vector<512x1xi1>
        %broadcast_in_dim3A_195 = vector.shape_cast %and3A_194 : vector<512x1xi1> to vector<512x1xi1>
        %broadcast_in_dim3A_196 = vector.broadcast %broadcast_in_dim3A_195 : vector<512x1xi1> to vector<512x1024xi1>
        %broadcast_in_dim3A_197 = vector.broadcast %cond3A_159 : bf16 to vector<512x1024xbf16>
        %select_n3A_198 = arith.select %broadcast_in_dim3A_196, %convert_element_type3A_98, %broadcast_in_dim3A_197 : vector<512x1024xi1>, vector<512x1024xbf16>
        %reduce_max3A_199 = arith.constant dense<0xFF80> : vector<1024xbf16>
        %reduce_max3A_200 = vector.multi_reduction <maximumf>, %select_n3A_198, %reduce_max3A_199 [0] : vector<512x1024xbf16> to vector<1024xbf16>
        %broadcast_in_dim3A_201 = vector.shape_cast %reduce_max3A_200 : vector<1024xbf16> to vector<1x1024xbf16>
        %get3A_202 = arith.constant 4 : index
        %get3A_203 = arith.constant 0 : index
        %get3A_204 = vector.load %arg20[%get3A_202, %get3A_203] : memref<8x1024xf32, #tpu.memory_space<vmem>>, vector<1x1024xf32>
        %convert_element_type3A_205 = arith.extf %broadcast_in_dim3A_201 : vector<1x1024xbf16> to vector<1x1024xf32>
        %max3A_206 = arith.maximumf %get3A_204, %convert_element_type3A_205 : vector<1x1024xf32>
        %swap3A = arith.constant 4 : index
        %swap3A_207 = arith.constant 0 : index
        %swap3A_208 = vector.load %arg20[%swap3A, %swap3A_207] : memref<8x1024xf32, #tpu.memory_space<vmem>>, vector<1x1024xf32>
        tpu.vector_store %arg20[%swap3A, %swap3A_207], %max3A_206 {strides = array<i32>} : memref<8x1024xf32, #tpu.memory_space<vmem>>, vector<1x1024xf32>,
      } else {
      }
      %le3A_162 = arith.constant 6.000000e+00 : f32
      %le3A_163 = arith.cmpf ole, %reduce_min3A_105, %le3A_162 : f32
      %le3A_164 = arith.constant 6.000000e+00 : f32
      %le3A_165 = arith.cmpf ole, %le3A_164, %reduce_max3A_112 : f32
      %and3A_166 = arith.andi %le3A_163, %le3A_165 : i1
      %convert_element_type3A_167 = arith.extui %and3A_166 : i1 to i32
      %cond3A_168 = arith.constant 6.000000e+00 : f32
      %cond3A_169 = arith.constant 0xFF80 : bf16
      %cond3A_170 = arith.constant 0 : i32
      %cond3A_171 = arith.cmpi ne, %convert_element_type3A_167, %cond3A_170 : i32
      scf.if %cond3A_171 {
        %eq3A_192 = vector.broadcast %cond3A_168 : f32 to vector<512x1xf32>
        %eq3A_193 = arith.cmpf oeq, %slice3A_101, %eq3A_192 : vector<512x1xf32>
        %and3A_194 = arith.andi %lt3A_100, %eq3A_193 : vector<512x1xi1>
        %broadcast_in_dim3A_195 = vector.shape_cast %and3A_194 : vector<512x1xi1> to vector<512x1xi1>
        %broadcast_in_dim3A_196 = vector.broadcast %broadcast_in_dim3A_195 : vector<512x1xi1> to vector<512x1024xi1>
        %broadcast_in_dim3A_197 = vector.broadcast %cond3A_169 : bf16 to vector<512x1024xbf16>
        %select_n3A_198 = arith.select %broadcast_in_dim3A_196, %convert_element_type3A_98, %broadcast_in_dim3A_197 : vector<512x1024xi1>, vector<512x1024xbf16>
        %reduce_max3A_199 = arith.constant dense<0xFF80> : vector<1024xbf16>
        %reduce_max3A_200 = vector.multi_reduction <maximumf>, %select_n3A_198, %reduce_max3A_199 [0] : vector<512x1024xbf16> to vector<1024xbf16>
        %broadcast_in_dim3A_201 = vector.shape_cast %reduce_max3A_200 : vector<1024xbf16> to vector<1x1024xbf16>
        %get3A_202 = arith.constant 5 : index
        %get3A_203 = arith.constant 0 : index
        %get3A_204 = vector.load %arg20[%get3A_202, %get3A_203] : memref<8x1024xf32, #tpu.memory_space<vmem>>, vector<1x1024xf32>
        %convert_element_type3A_205 = arith.extf %broadcast_in_dim3A_201 : vector<1x1024xbf16> to vector<1x1024xf32>
        %max3A_206 = arith.maximumf %get3A_204, %convert_element_type3A_205 : vector<1x1024xf32>
        %swap3A = arith.constant 5 : index
        %swap3A_207 = arith.constant 0 : index
        %swap3A_208 = vector.load %arg20[%swap3A, %swap3A_207] : memref<8x1024xf32, #tpu.memory_space<vmem>>, vector<1x1024xf32>
        tpu.vector_store %arg20[%swap3A, %swap3A_207], %max3A_206 {strides = array<i32>} : memref<8x1024xf32, #tpu.memory_space<vmem>>, vector<1x1024xf32>,
      } else {
      }
      %le3A_172 = arith.constant 7.000000e+00 : f32
      %le3A_173 = arith.cmpf ole, %reduce_min3A_105, %le3A_172 : f32
      %le3A_174 = arith.constant 7.000000e+00 : f32
      %le3A_175 = arith.cmpf ole, %le3A_174, %reduce_max3A_112 : f32
      %and3A_176 = arith.andi %le3A_173, %le3A_175 : i1
      %convert_element_type3A_177 = arith.extui %and3A_176 : i1 to i32
      %cond3A_178 = arith.constant 7.000000e+00 : f32
      %cond3A_179 = arith.constant 0xFF80 : bf16
      %cond3A_180 = arith.constant 0 : i32
      %cond3A_181 = arith.cmpi ne, %convert_element_type3A_177, %cond3A_180 : i32
      scf.if %cond3A_181 {
        %eq3A_192 = vector.broadcast %cond3A_178 : f32 to vector<512x1xf32>
        %eq3A_193 = arith.cmpf oeq, %slice3A_101, %eq3A_192 : vector<512x1xf32>
        %and3A_194 = arith.andi %lt3A_100, %eq3A_193 : vector<512x1xi1>
        %broadcast_in_dim3A_195 = vector.shape_cast %and3A_194 : vector<512x1xi1> to vector<512x1xi1>
        %broadcast_in_dim3A_196 = vector.broadcast %broadcast_in_dim3A_195 : vector<512x1xi1> to vector<512x1024xi1>
        %broadcast_in_dim3A_197 = vector.broadcast %cond3A_179 : bf16 to vector<512x1024xbf16>
        %select_n3A_198 = arith.select %broadcast_in_dim3A_196, %convert_element_type3A_98, %broadcast_in_dim3A_197 : vector<512x1024xi1>, vector<512x1024xbf16>
        %reduce_max3A_199 = arith.constant dense<0xFF80> : vector<1024xbf16>
        %reduce_max3A_200 = vector.multi_reduction <maximumf>, %select_n3A_198, %reduce_max3A_199 [0] : vector<512x1024xbf16> to vector<1024xbf16>
        %broadcast_in_dim3A_201 = vector.shape_cast %reduce_max3A_200 : vector<1024xbf16> to vector<1x1024xbf16>
        %get3A_202 = arith.constant 6 : index
        %get3A_203 = arith.constant 0 : index
        %get3A_204 = vector.load %arg20[%get3A_202, %get3A_203] : memref<8x1024xf32, #tpu.memory_space<vmem>>, vector<1x1024xf32>
        %convert_element_type3A_205 = arith.extf %broadcast_in_dim3A_201 : vector<1x1024xbf16> to vector<1x1024xf32>
        %max3A_206 = arith.maximumf %get3A_204, %convert_element_type3A_205 : vector<1x1024xf32>
        %swap3A = arith.constant 6 : index
        %swap3A_207 = arith.constant 0 : index
        %swap3A_208 = vector.load %arg20[%swap3A, %swap3A_207] : memref<8x1024xf32, #tpu.memory_space<vmem>>, vector<1x1024xf32>
        tpu.vector_store %arg20[%swap3A, %swap3A_207], %max3A_206 {strides = array<i32>} : memref<8x1024xf32, #tpu.memory_space<vmem>>, vector<1x1024xf32>,
      } else {
      }
      %le3A_182 = arith.constant 8.000000e+00 : f32
      %le3A_183 = arith.cmpf ole, %reduce_min3A_105, %le3A_182 : f32
      %le3A_184 = arith.constant 8.000000e+00 : f32
      %le3A_185 = arith.cmpf ole, %le3A_184, %reduce_max3A_112 : f32
      %and3A_186 = arith.andi %le3A_183, %le3A_185 : i1
      %convert_element_type3A_187 = arith.extui %and3A_186 : i1 to i32
      %cond3A_188 = arith.constant 8.000000e+00 : f32
      %cond3A_189 = arith.constant 0xFF80 : bf16
      %cond3A_190 = arith.constant 0 : i32
      %cond3A_191 = arith.cmpi ne, %convert_element_type3A_187, %cond3A_190 : i32
      scf.if %cond3A_191 {
        %eq3A_192 = vector.broadcast %cond3A_188 : f32 to vector<512x1xf32>
        %eq3A_193 = arith.cmpf oeq, %slice3A_101, %eq3A_192 : vector<512x1xf32>
        %and3A_194 = arith.andi %lt3A_100, %eq3A_193 : vector<512x1xi1>
        %broadcast_in_dim3A_195 = vector.shape_cast %and3A_194 : vector<512x1xi1> to vector<512x1xi1>
        %broadcast_in_dim3A_196 = vector.broadcast %broadcast_in_dim3A_195 : vector<512x1xi1> to vector<512x1024xi1>
        %broadcast_in_dim3A_197 = vector.broadcast %cond3A_189 : bf16 to vector<512x1024xbf16>
        %select_n3A_198 = arith.select %broadcast_in_dim3A_196, %convert_element_type3A_98, %broadcast_in_dim3A_197 : vector<512x1024xi1>, vector<512x1024xbf16>
        %reduce_max3A_199 = arith.constant dense<0xFF80> : vector<1024xbf16>
        %reduce_max3A_200 = vector.multi_reduction <maximumf>, %select_n3A_198, %reduce_max3A_199 [0] : vector<512x1024xbf16> to vector<1024xbf16>
        %broadcast_in_dim3A_201 = vector.shape_cast %reduce_max3A_200 : vector<1024xbf16> to vector<1x1024xbf16>
        %get3A_202 = arith.constant 7 : index
        %get3A_203 = arith.constant 0 : index
        %get3A_204 = vector.load %arg20[%get3A_202, %get3A_203] : memref<8x1024xf32, #tpu.memory_space<vmem>>, vector<1x1024xf32>
        %convert_element_type3A_205 = arith.extf %broadcast_in_dim3A_201 : vector<1x1024xbf16> to vector<1x1024xf32>
        %max3A_206 = arith.maximumf %get3A_204, %convert_element_type3A_205 : vector<1x1024xf32>
        %swap3A = arith.constant 7 : index
        %swap3A_207 = arith.constant 0 : index
        %swap3A_208 = vector.load %arg20[%swap3A, %swap3A_207] : memref<8x1024xf32, #tpu.memory_space<vmem>>, vector<1x1024xf32>
        tpu.vector_store %arg20[%swap3A, %swap3A_207], %max3A_206 {strides = array<i32>} : memref<8x1024xf32, #tpu.memory_space<vmem>>, vector<1x1024xf32>,
      } else {
      }
    } else {
    }
    %eq3A_10 = arith.constant 47 : i32
    %eq3A_11 = arith.cmpi eq, %arg0, %eq3A_10 : i32
    %convert_element_type3A_12 = arith.extui %eq3A_11 : i1 to i32
    %cond3A_13 = arith.constant 0 : i32
    %cond3A_14 = arith.cmpi ne, %convert_element_type3A_12, %cond3A_13 : i32
    scf.if %cond3A_14 {
      %get3A_24 = arith.constant 0 : index
      %get3A_25 = arith.constant 0 : index
      %get3A_26 = vector.load %arg20[%get3A_24, %get3A_25] : memref<8x1024xf32, #tpu.memory_space<vmem>>, vector<8x1024xf32>
      %get3A_27 = arith.constant 0 : index
      %get3A_28 = arith.constant 0 : index
      %get3A_29 = vector.load %arg13[%get3A_27, %get3A_28] : memref<1x1024xf32, #tpu.memory_space<vmem>>, vector<1x1024xf32>
      %add3A = vector.broadcast %get3A_29 : vector<1x1024xf32> to vector<8x1024xf32>
      %add3A_30 = arith.addf %get3A_26, %add3A : vector<8x1024xf32>
      %swap3A = arith.constant 0 : index
      %swap3A_31 = arith.constant 0 : index
      %swap3A_32 = vector.load %arg20[%swap3A, %swap3A_31] : memref<8x1024xf32, #tpu.memory_space<vmem>>, vector<8x1024xf32>
      tpu.vector_store %arg20[%swap3A, %swap3A_31], %add3A_30 {strides = array<i32>} : memref<8x1024xf32, #tpu.memory_space<vmem>>, vector<8x1024xf32>,
    } else {
    }
    %eq3A_15 = arith.constant 48 : i32
    %eq3A_16 = arith.cmpi eq, %arg0, %eq3A_15 : i32
    %convert_element_type3A_17 = arith.extui %eq3A_16 : i1 to i32
    %cond3A_18 = arith.constant 0 : i32
    %cond3A_19 = arith.cmpi ne, %convert_element_type3A_17, %cond3A_18 : i32
    scf.if %cond3A_19 {
      %get3A_24 = arith.constant 0 : index
      %get3A_25 = arith.constant 0 : index
      %get3A_26 = vector.load %arg20[%get3A_24, %get3A_25] : memref<8x1024xf32, #tpu.memory_space<vmem>>, vector<8x1024xf32>
      %convert_element_type3A_27 = arith.truncf %get3A_26 : vector<8x1024xf32> to vector<8x1024xbf16>
      %get3A_28 = arith.constant 0 : index
      %get3A_29 = arith.constant 0 : index
      %get3A_30 = vector.load %arg14[%get3A_28, %get3A_29] : memref<1024x1024xbf16, #tpu.memory_space<vmem>>, vector<1024x1024xbf16>
      %dot_general3A = arith.constant dense<0.000000e+00> : vector<8x1024xf32>
      %dot_general3A_31 = tpu.matmul %convert_element_type3A_27, %get3A_30, %dot_general3A {dimension_numbers = #tpu.dot_dimension_numbers<[1], [0], [0], [1], [0, 0, 1, 1], [], []>, transpose_lhs_hint = false} : vector<8x1024xbf16>, vector<1024x1024xbf16>, vector<8x1024xf32> -> vector<8x1024xf32>
      %get3A_32 = arith.constant 0 : index
      %get3A_33 = arith.constant 0 : index
      %get3A_34 = vector.load %arg15[%get3A_32, %get3A_33] : memref<1x1024xf32, #tpu.memory_space<vmem>>, vector<1x1024xf32>
      %add3A = vector.broadcast %get3A_34 : vector<1x1024xf32> to vector<8x1024xf32>
      %add3A_35 = arith.addf %dot_general3A_31, %add3A : vector<8x1024xf32>
      %max3A = arith.constant 0.000000e+00 : f32
      %max3A_36 = vector.broadcast %max3A : f32 to vector<8x1024xf32>
      %max3A_37 = arith.maximumf %add3A_35, %max3A_36 : vector<8x1024xf32>
      %convert_element_type3A_38 = arith.truncf %max3A_37 : vector<8x1024xf32> to vector<8x1024xbf16>
      %get3A_39 = arith.constant 0 : index
      %get3A_40 = arith.constant 0 : index
      %get3A_41 = vector.load %arg16[%get3A_39, %get3A_40] : memref<1024x1024xbf16, #tpu.memory_space<vmem>>, vector<1024x1024xbf16>
      %dot_general3A_42 = arith.constant dense<0.000000e+00> : vector<8x1024xf32>
      %dot_general3A_43 = tpu.matmul %convert_element_type3A_38, %get3A_41, %dot_general3A_42 {dimension_numbers = #tpu.dot_dimension_numbers<[1], [0], [0], [1], [0, 0, 1, 1], [], []>, transpose_lhs_hint = false} : vector<8x1024xbf16>, vector<1024x1024xbf16>, vector<8x1024xf32> -> vector<8x1024xf32>
      %get3A_44 = arith.constant 0 : index
      %get3A_45 = arith.constant 0 : index
      %get3A_46 = vector.load %arg17[%get3A_44, %get3A_45] : memref<1x1024xf32, #tpu.memory_space<vmem>>, vector<1x1024xf32>
      %add3A_47 = vector.broadcast %get3A_46 : vector<1x1024xf32> to vector<8x1024xf32>
      %add3A_48 = arith.addf %dot_general3A_43, %add3A_47 : vector<8x1024xf32>
      %max3A_49 = arith.constant 0.000000e+00 : f32
      %max3A_50 = vector.broadcast %max3A_49 : f32 to vector<8x1024xf32>
      %max3A_51 = arith.maximumf %add3A_48, %max3A_50 : vector<8x1024xf32>
      %convert_element_type3A_52 = arith.truncf %max3A_51 : vector<8x1024xf32> to vector<8x1024xbf16>
      %swap3A = arith.constant 0 : index
      %swap3A_53 = arith.constant 0 : index
      %swap3A_54 = vector.load %arg22[%swap3A, %swap3A_53] : memref<8x1024xbf16, #tpu.memory_space<vmem>>, vector<8x1024xbf16>
      tpu.vector_store %arg22[%swap3A, %swap3A_53], %convert_element_type3A_52 {strides = array<i32>} : memref<8x1024xbf16, #tpu.memory_space<vmem>>, vector<8x1024xbf16>,
    } else {
    }
    %ge3A = arith.constant 48 : i32
    %ge3A_20 = arith.cmpi sge, %arg0, %ge3A : i32
    %convert_element_type3A_21 = arith.extui %ge3A_20 : i1 to i32
    %cond3A_22 = arith.constant 0 : i32
    %cond3A_23 = arith.cmpi ne, %convert_element_type3A_21, %cond3A_22 : i32
    scf.if %cond3A_23 {
      %get3A_24 = arith.constant 0 : index
      %get3A_25 = arith.constant 0 : index
      %get3A_26 = vector.load %arg22[%get3A_24, %get3A_25] : memref<8x1024xbf16, #tpu.memory_space<vmem>>, vector<8x1024xbf16>
      %get3A_27 = arith.constant 0 : index
      %get3A_28 = arith.constant 0 : index
      %get3A_29 = vector.load %arg18[%get3A_27, %get3A_28] : memref<1024x2048xf32, #tpu.memory_space<vmem>>, vector<1024x2048xf32>
      %convert_element_type3A_30 = arith.truncf %get3A_29 : vector<1024x2048xf32> to vector<1024x2048xbf16>
      %dot_general3A = arith.constant dense<0.000000e+00> : vector<8x2048xf32>
      %dot_general3A_31 = tpu.matmul %get3A_26, %convert_element_type3A_30, %dot_general3A {dimension_numbers = #tpu.dot_dimension_numbers<[1], [0], [0], [1], [0, 0, 1, 1], [], []>, transpose_lhs_hint = false} : vector<8x1024xbf16>, vector<1024x2048xbf16>, vector<8x2048xf32> -> vector<8x2048xf32>
      %get3A_32 = arith.constant 0 : index
      %get3A_33 = arith.constant 0 : index
      %get3A_34 = vector.load %arg19[%get3A_32, %get3A_33] : memref<1x2048xf32, #tpu.memory_space<vmem>>, vector<1x2048xf32>
      %add3A = vector.broadcast %get3A_34 : vector<1x2048xf32> to vector<8x2048xf32>
      %add3A_35 = arith.addf %dot_general3A_31, %add3A : vector<8x2048xf32>
      %swap3A = arith.constant 0 : index
      %swap3A_36 = arith.constant 0 : index
      %swap3A_37 = vector.load %arg21[%swap3A, %swap3A_36] : memref<8x2048xf32, #tpu.memory_space<vmem>>, vector<8x2048xf32>
      tpu.vector_store %arg21[%swap3A, %swap3A_36], %add3A_35 {strides = array<i32>} : memref<8x2048xf32, #tpu.memory_space<vmem>>, vector<8x2048xf32>,
    } else {
    }
    return
  }
  func.func @transform_0(%arg0: i32, %arg1: memref<1x48xi32, #tpu.memory_space<smem>>, %arg2: memref<1x48xi32, #tpu.memory_space<smem>>) -> (i32, i32) {
    %min3A = arith.constant 47 : i32
    %min3A_0 = arith.minsi %arg0, %min3A : i32
    %c0_i32 = arith.constant 0 : i32
    %c0_i32_1 = arith.constant 0 : i32
    return %min3A_0, %c0_i32 : i32, i32
  }
  func.func @transform_1(%arg0: i32, %arg1: memref<1x48xi32, #tpu.memory_space<smem>>, %arg2: memref<1x48xi32, #tpu.memory_space<smem>>) -> (i32, i32, i32) {
    %min3A = arith.constant 47 : i32
    %min3A_0 = arith.minsi %arg0, %min3A : i32
    %get3A = arith.constant 0 : index
    %get3A_1 = arith.index_cast %min3A_0 : i32 to index
    %get3A_2 = memref.load %arg1[%get3A, %get3A_1] : memref<1x48xi32, #tpu.memory_space<smem>>
    %c0_i32 = arith.constant 0 : i32
    %c0_i32_3 = arith.constant 0 : i32
    %c0_i32_4 = arith.constant 0 : i32
    return %get3A_2, %c0_i32, %c0_i32_3 : i32, i32, i32
  }
  func.func @transform_2(%arg0: i32, %arg1: memref<1x48xi32, #tpu.memory_space<smem>>, %arg2: memref<1x48xi32, #tpu.memory_space<smem>>) -> (i32, i32, i32) {
    %min3A = arith.constant 47 : i32
    %min3A_0 = arith.minsi %arg0, %min3A : i32
    %get3A = arith.constant 0 : index
    %get3A_1 = arith.index_cast %min3A_0 : i32 to index
    %get3A_2 = memref.load %arg1[%get3A, %get3A_1] : memref<1x48xi32, #tpu.memory_space<smem>>
    %c0_i32 = arith.constant 0 : i32
    %c0_i32_3 = arith.constant 0 : i32
    %c0_i32_4 = arith.constant 0 : i32
    return %get3A_2, %c0_i32, %c0_i32_3 : i32, i32, i32
  }
  func.func @transform_3(%arg0: i32, %arg1: memref<1x48xi32, #tpu.memory_space<smem>>, %arg2: memref<1x48xi32, #tpu.memory_space<smem>>) -> (i32, i32, i32) {
    %min3A = arith.constant 47 : i32
    %min3A_0 = arith.minsi %arg0, %min3A : i32
    %get3A = arith.constant 0 : index
    %get3A_1 = arith.index_cast %min3A_0 : i32 to index
    %get3A_2 = memref.load %arg1[%get3A, %get3A_1] : memref<1x48xi32, #tpu.memory_space<smem>>
    %c0_i32 = arith.constant 0 : i32
    %c0_i32_3 = arith.constant 0 : i32
    %c0_i32_4 = arith.constant 0 : i32
    return %get3A_2, %c0_i32, %c0_i32_3 : i32, i32, i32
  }
  func.func @transform_4(%arg0: i32, %arg1: memref<1x48xi32, #tpu.memory_space<smem>>, %arg2: memref<1x48xi32, #tpu.memory_space<smem>>) -> (i32, i32, i32) {
    %min3A = arith.constant 47 : i32
    %min3A_0 = arith.minsi %arg0, %min3A : i32
    %get3A = arith.constant 0 : index
    %get3A_1 = arith.index_cast %min3A_0 : i32 to index
    %get3A_2 = memref.load %arg1[%get3A, %get3A_1] : memref<1x48xi32, #tpu.memory_space<smem>>
    %c0_i32 = arith.constant 0 : i32
    %c0_i32_3 = arith.constant 0 : i32
    %c0_i32_4 = arith.constant 0 : i32
    return %get3A_2, %c0_i32, %c0_i32_3 : i32, i32, i32
  }
  func.func @transform_5(%arg0: i32, %arg1: memref<1x48xi32, #tpu.memory_space<smem>>, %arg2: memref<1x48xi32, #tpu.memory_space<smem>>) -> (i32, i32) {
    %c0_i32 = arith.constant 0 : i32
    %c0_i32_0 = arith.constant 0 : i32
    %c0_i32_1 = arith.constant 0 : i32
    return %c0_i32, %c0_i32_0 : i32, i32
  }
  func.func @transform_6(%arg0: i32, %arg1: memref<1x48xi32, #tpu.memory_space<smem>>, %arg2: memref<1x48xi32, #tpu.memory_space<smem>>) -> (i32, i32) {
    %c0_i32 = arith.constant 0 : i32
    %c0_i32_0 = arith.constant 0 : i32
    %c0_i32_1 = arith.constant 0 : i32
    return %c0_i32, %c0_i32_0 : i32, i32
  }
  func.func @transform_7(%arg0: i32, %arg1: memref<1x48xi32, #tpu.memory_space<smem>>, %arg2: memref<1x48xi32, #tpu.memory_space<smem>>) -> (i32, i32) {
    %c0_i32 = arith.constant 0 : i32
    %c0_i32_0 = arith.constant 0 : i32
    %c0_i32_1 = arith.constant 0 : i32
    return %c0_i32, %c0_i32_0 : i32, i32
  }
  func.func @transform_8(%arg0: i32, %arg1: memref<1x48xi32, #tpu.memory_space<smem>>, %arg2: memref<1x48xi32, #tpu.memory_space<smem>>) -> (i32, i32) {
    %c0_i32 = arith.constant 0 : i32
    %c0_i32_0 = arith.constant 0 : i32
    %c0_i32_1 = arith.constant 0 : i32
    return %c0_i32, %c0_i32_0 : i32, i32
  }
  func.func @transform_9(%arg0: i32, %arg1: memref<1x48xi32, #tpu.memory_space<smem>>, %arg2: memref<1x48xi32, #tpu.memory_space<smem>>) -> (i32, i32) {
    %c0_i32 = arith.constant 0 : i32
    %c0_i32_0 = arith.constant 0 : i32
    %c0_i32_1 = arith.constant 0 : i32
    return %c0_i32, %c0_i32_0 : i32, i32
  }
  func.func @transform_10(%arg0: i32, %arg1: memref<1x48xi32, #tpu.memory_space<smem>>, %arg2: memref<1x48xi32, #tpu.memory_space<smem>>) -> (i32, i32) {
    %c0_i32 = arith.constant 0 : i32
    %c0_i32_0 = arith.constant 0 : i32
    %c0_i32_1 = arith.constant 0 : i32
    return %c0_i32, %c0_i32_0 : i32, i32
  }
  func.func @transform_11(%arg0: i32, %arg1: memref<1x48xi32, #tpu.memory_space<smem>>, %arg2: memref<1x48xi32, #tpu.memory_space<smem>>) -> (i32, i32) {
    %c0_i32 = arith.constant 0 : i32
    %c0_i32_0 = arith.constant 0 : i32
    %c0_i32_1 = arith.constant 0 : i32
    return %c0_i32, %c0_i32_0 : i32, i32
  }
  func.func @transform_12(%arg0: i32, %arg1: memref<1x48xi32, #tpu.memory_space<smem>>, %arg2: memref<1x48xi32, #tpu.memory_space<smem>>) -> (i32, i32) {
    %c0_i32 = arith.constant 0 : i32
    %c0_i32_0 = arith.constant 0 : i32
    %c0_i32_1 = arith.constant 0 : i32
    return %c0_i32, %c0_i32_0 : i32, i32
  }
  func.func @transform_13(%arg0: i32, %arg1: memref<1x48xi32, #tpu.memory_space<smem>>, %arg2: memref<1x48xi32, #tpu.memory_space<smem>>) -> (i32, i32) {
    %c0_i32 = arith.constant 0 : i32
    %c0_i32_0 = arith.constant 0 : i32
    %c0_i32_1 = arith.constant 0 : i32
    return %c0_i32, %c0_i32_0 : i32, i32
  }
  func.func @transform_14(%arg0: i32, %arg1: memref<1x48xi32, #tpu.memory_space<smem>>, %arg2: memref<1x48xi32, #tpu.memory_space<smem>>) -> (i32, i32) {
    %c0_i32 = arith.constant 0 : i32
    %c0_i32_0 = arith.constant 0 : i32
    %c0_i32_1 = arith.constant 0 : i32
    return %c0_i32, %c0_i32_0 : i32, i32
  }
  func.func @transform_15(%arg0: i32, %arg1: memref<1x48xi32, #tpu.memory_space<smem>>, %arg2: memref<1x48xi32, #tpu.memory_space<smem>>) -> (i32, i32) {
    %sub3A = arith.constant 48 : i32
    %sub3A_0 = arith.subi %arg0, %sub3A : i32
    %max3A = arith.constant 0 : i32
    %max3A_1 = arith.maxsi %sub3A_0, %max3A : i32
    %c0_i32 = arith.constant 0 : i32
    %c0_i32_2 = arith.constant 0 : i32
    return %c0_i32, %max3A_1 : i32, i32
  }
  func.func @transform_16(%arg0: i32, %arg1: memref<1x48xi32, #tpu.memory_space<smem>>, %arg2: memref<1x48xi32, #tpu.memory_space<smem>>) -> (i32, i32) {
    %sub3A = arith.constant 48 : i32
    %sub3A_0 = arith.subi %arg0, %sub3A : i32
    %max3A = arith.constant 0 : i32
    %max3A_1 = arith.maxsi %sub3A_0, %max3A : i32
    %c0_i32 = arith.constant 0 : i32
    %c0_i32_2 = arith.constant 0 : i32
    return %c0_i32, %max3A_1 : i32, i32
  }
  func.func @transform_17(%arg0: i32, %arg1: memref<1x48xi32, #tpu.memory_space<smem>>, %arg2: memref<1x48xi32, #tpu.memory_space<smem>>) -> (i32, i32) {
    %c0_i32 = arith.constant 0 : i32
    %c0_i32_0 = arith.constant 0 : i32
    %c0_i32_1 = arith.constant 0 : i32
    return %c0_i32, %c0_i32_0 : i32, i32
  }
  func.func @transform_18(%arg0: i32, %arg1: memref<1x48xi32, #tpu.memory_space<smem>>, %arg2: memref<1x48xi32, #tpu.memory_space<smem>>) -> (i32, i32) {
    %sub3A = arith.constant 48 : i32
    %sub3A_0 = arith.subi %arg0, %sub3A : i32
    %max3A = arith.constant 0 : i32
    %max3A_1 = arith.maxsi %sub3A_0, %max3A : i32
    %c0_i32 = arith.constant 0 : i32
    %c0_i32_2 = arith.constant 0 : i32
    return %c0_i32, %max3A_1 : i32, i32
  }
}

</mosaic_0001>

<sc_bundles>
// kernel: kernel.5.cloned.1.call-start
scs
__scs_entry_jumppad:
0x0: {  	(pc) =	sbr.rel $0x88, $3  }
0x1: {  	(tag) =	ssettag $0x0;
	lr =	simm.s32 $0x1  }
0x2: {  	[smem:$0x3F8F] =	sst lr;
	_ =	strace $0xD0000000  }
0x3: {  	_ = 	snop  }
0x4: {  	_ = 	snop  }
0x5: {  	_ = 	snop  }
0x6: {  	_ = 	snop  }
0x7: {  	_ = 	snop  }
__scs_overlays_trampoline_lowered:
0x8: {  	[smem:$0x3F9E] =	sst s0  }
0x9: {  	[smem:$0x3F9F] =	sst s1  }
0xa: {  	[smem:$0x3FA0] =	sst s2  }
0xb: {  	[smem:$0x3FA1] =	sst s3  }
0xc: {  	[smem:$0x3FA2] =	sst s4  }
0xd: {  	[smem:$0x3FA3] =	sst s5  }
0xe: {  	[smem:$0x3FA4] =	sst s6  }
0xf: {  	[smem:$0x3FA5] =	sst s7  }
0x10: {  	[smem:$0x3FA6] =	sst s8  }
0x11: {  	[smem:$0x3FA7] =	sst s9;
	s0 =	simm.s32 @!p0 $0x0  }
0x12: {  	s1 =	sld [smem:$0x3F8D];
	s0 =	simm.s32 @p0 $0x1  }
0x13: {  	[smem:$0x3FA8] =	sst s0;
	s0 =	simm.s32 @!p1 $0x0  }
0x14: {  	s2 =	sld [smem:$0x3F8C];
	s0 =	simm.s32 @p1 $0x1  }
0x15: {  	[smem:$0x3FA9] =	sst s0;
	s0 =	simm.s32 @!p2 $0x0  }
0x16: {  	s3 =	sld [smem:$0x3FDB];
	s0 =	simm.s32 @p2 $0x1  }
0x17: {  	s4 =	simm.s32 $0x1BF5;
	[smem:$0x3FAB] =	sst s0  }
0x18: {  	s0 =	sld [smem:$0x3F8E];
	_ =	swait.ge [sflag:s4], $0x0  }
0x19: {  	s7 =	sld [smem:$0x3F8F]  }
0x1a: {  	s8 =	sadd.s32 $0xFFFFE003, lr  }
0x1b: {  	s9 =	sadd.s32 $0xFFFFFEF7, lr;
	s5 =	simm.s32 $0xFFFFFFFF;
	p2 =	slt.u32 s8, $0xFFFFF086  }
0x1c: {  	p1 =	slt.u32 s9, $0xF7A;
	s5 =	simm.s32 @!p2 $0x0  }
0x1d: {  	s5 =	simm.s32 @p1 $0x1;
	p0 =	seq.s32 s7, s2  }
0x1e: {  	s7 =	smul.u32 @!p0 $0xF7A, s2;
	p2 =	seq.s32 @!p0 s5, $0x0  }
0x1f: {  	s9 =	smul.u32 $0xF7A, s1;
	s8 =	simm.s32 @!p0 $0x1BF5;
	p2 =	por !p2, p0  }
0x20: {  	[sflag:s8] =	ssyncset.s32 @!p0 $0xFFFFF086;
	s6 =	sadd.s32 @!p0 s3, s7;
	s7 =	simm.s32 @!p0 $0x108  }
0x21: {  	s3 =	sadd.s32 s3, s9;
	s6 =	sadd.s32 @!p0 $0x88, s6;
	s7 =	simm.s32 @p2 $0x1082  }
0x22: {  	[simem:s7], [sflag:s8] =	dma.local @!p0 [hbm:s6], $0xF7A  }
0x23: {  	s9 =	sor.u32 $0xD0000000, s2;
	s6 =	simm.s32 $0x108;
	_ =	swait.ge @!p0 [sflag:s8], $0x0  }
0x24: {  	s3 =	sadd.s32 $0x88, s3;
	s6 =	simm.s32 @!p1 $0x1082;
	[sflag:s4] =	ssyncset.s32 $0xFFFFF086  }
0x25: {  	[simem:s6], [sflag:s4] =	dma.local [hbm:s3], $0xF7A  }
0x26: {  	[smem:$0x3F8F] =	sst s1;
	(tag) =	ssettag s2;
	_ =	strace s9  }
0x27: {  	s1 =	sld [smem:$0x3F9F]  }
0x28: {  	s2 =	sld [smem:$0x3FA0]  }
0x29: {  	s4 =	sld [smem:$0x3FA2]  }
0x2a: {  	p0 =	seq.s32 s5, $0x0;
	s5 =	sld [smem:$0x3FA3]  }
0x2b: {  	s6 =	sld [smem:$0x3FA4]  }
0x2c: {  	s7 =	sld [smem:$0x3FA5]  }
0x2d: {  	s3 =	simm.s32 $0x108;
	s8 =	sld [smem:$0x3FA6]  }
0x2e: {  	s3 =	simm.s32 @!p0 $0x1082;
	s9 =	sld [smem:$0x3FA7]  }
0x2f: {  	lr =	sadd.s32 s0, s3;
	s0 =	sld [smem:$0x3F9E]  }
0x30: {  	s3 =	sld [smem:$0x3FA1]  }
0x31: {  	[smem:$0x3FAA] =	sst s10  }
0x32: {  	s10 =	sld [smem:$0x3FA8];
	_ =	sdelay $0x3  }
0x33: {  	p0 =	seq.s32 s10, $0x1;
	s10 =	sld [smem:$0x3FAA];
	_ =	sdelay $0x3  }
0x34: {  	[smem:$0x3FAA] =	sst s10  }
0x35: {  	s10 =	sld [smem:$0x3FA9];
	_ =	sdelay $0x3  }
0x36: {  	p1 =	seq.s32 s10, $0x1;
	s10 =	sld [smem:$0x3FAA];
	_ =	sdelay $0x3  }
0x37: {  	[smem:$0x3FAA] =	sst s10  }
0x38: {  	s10 =	sld [smem:$0x3FAB]  }
0x39: {  	_ = 	snop;
	(pc) =	sbr.ind lr, $3  }
0x3a: {  	_ = 	snop  }
0x3b: {  	_ = 	snop  }
0x3c: {  	p2 =	seq.s32 s10, $0x1;
	s10 =	sld [smem:$0x3FAA]  }
0x3d: {  	_ =	shalt  }
0x3e: {  	_ =	shalt  }
0x3f: {  	_ =	shalt  }
0x40: {  	_ =	shalt  }
0x41: {  	_ =	shalt  }
0x42: {  	_ =	shalt  }
0x43: {  	_ =	shalt  }
0x44: {  	_ =	shalt  }
0x45: {  	_ =	shalt  }
0x46: {  	_ =	shalt  }
0x47: {  	_ =	shalt  }
0x48: {  	_ =	shalt  }
0x49: {  	_ =	shalt  }
0x4a: {  	_ =	shalt  }
0x4b: {  	_ =	shalt  }
0x4c: {  	_ =	shalt  }
0x4d: {  	_ =	shalt  }
0x4e: {  	_ =	shalt  }
0x4f: {  	_ =	shalt  }
0x50: {  	_ =	shalt  }
0x51: {  	_ =	shalt  }
0x52: {  	_ =	shalt  }
0x53: {  	_ =	shalt  }
0x54: {  	_ =	shalt  }
0x55: {  	_ =	shalt  }
0x56: {  	_ =	shalt  }
0x57: {  	_ =	shalt  }
0x58: {  	_ =	shalt  }
0x59: {  	_ =	shalt  }
0x5a: {  	_ =	shalt  }
0x5b: {  	_ =	shalt  }
0x5c: {  	_ =	shalt  }
0x5d: {  	_ =	shalt  }
0x5e: {  	_ =	shalt  }
0x5f: {  	_ =	shalt  }
0x60: {  	_ =	shalt  }
0x61: {  	_ =	shalt  }
0x62: {  	_ =	shalt  }
0x63: {  	_ =	shalt  }
0x64: {  	_ =	shalt  }
0x65: {  	_ =	shalt  }
0x66: {  	_ =	shalt  }
0x67: {  	_ =	shalt  }
0x68: {  	_ =	shalt  }
0x69: {  	_ =	shalt  }
0x6a: {  	_ =	shalt  }
0x6b: {  	_ =	shalt  }
0x6c: {  	_ =	shalt  }
0x6d: {  	_ =	shalt  }
0x6e: {  	_ =	shalt  }
0x6f: {  	_ =	shalt  }
0x70: {  	_ =	shalt  }
0x71: {  	_ =	shalt  }
0x72: {  	_ =	shalt  }
0x73: {  	_ =	shalt  }
0x74: {  	_ =	shalt  }
0x75: {  	_ =	shalt  }
0x76: {  	_ =	shalt  }
0x77: {  	_ =	shalt  }
0x78: {  	_ =	shalt  }
0x79: {  	_ =	shalt  }
0x7a: {  	_ =	shalt  }
0x7b: {  	_ =	shalt  }
0x7c: {  	_ =	shalt  }
0x7d: {  	_ =	shalt  }
0x7e: {  	_ =	shalt  }
0x7f: {  	_ =	shalt  }
0x80: {  	_ =	shalt  }
0x81: {  	_ =	shalt  }
0x82: {  	_ =	shalt  }
0x83: {  	_ =	shalt  }
0x84: {  	_ =	shalt  }
0x85: {  	_ =	shalt  }
0x86: {  	_ =	shalt  }
0x87: {  	_ =	shalt  }
.Lfunc_end0:
.L_simem_size_0:
called_computation_lowered:
.L_overlay_start_0:
0x88: {  	s2 =	sld [smem:$0x3FD9]  }
0x89: {  	s3 =	sld [smem:$0x3FFE];
	_ =	sdelay $0x1  }
0x8a: {  	s1 =	srdreg.scid  }
0x8b: {  	s0 =	sand.u32 $0x1, s1  }
0x8c: {  	s14 =	sshll.u32 s0, $0xA;
	s2 =	sadd.s32 s3, s2  }
0x8d: {  	s2 =	sadd.s32 s2, s14  }
0x8e: {  	[smem:$0x3FB6] =	sst s2  }
0x8f: {  	_ = 	snop  }
0x90: {  	s2 =	sld [smem:$0x3FD0];
	_ =	sdelay $0x2  }
0x91: {  	s15 =	simm.s32 $0xA;
	s4 =	simm.s32 $0x10  }
0x92: {  	[smem:s4], [sflag:s15] =	dma.local [hbm:s2], $0x1  }
0x93: {  	_ =	swait.eq [sflag:s15], $0x1  }
0x94: {  	[sflag:s15] =	ssyncset.done $0x0  }
0x95: {  	[sflag:s15] =	ssyncadd.s32 $0xFFFFFFFF  }
0x96: {  	s16 =	sld [smem:$0x10];
	(tm) =	ssettm $0x1  }
0x97: {  	s17 =	sld [smem:$0x3FFB];
	_ =	sdelay $0x3  }
0x98: {  	_ =	strace s17  }
0x99: {  	s3 =	sld [smem:$0x3FFC];
	_ =	sdelay $0x3  }
0x9a: {  	_ =	strace s3  }
0x9b: {  	s3 =	sld [smem:$0x3FFD];
	_ =	sdelay $0x3  }
0x9c: {  	_ =	strace s3  }
0x9d: {  	_ =	strace $0x8FFFFFFF  }
0x9e: {  	s18 =	sld [smem:$0x3FDB];
	_ =	sdelay $0x1  }
0x9f: {  	s19 =	simm.s32 $_scs_section_size  }
0xa0: {  	s5 =	simm.s32 $_size__tile_overlayer_lowered;
	s6 =	simm.s32 $_tile_overlayer_lowered  }
0xa1: {  	s22 =	simm.s32 $0x1BFF;
	s21 =	sshll.u32 s6, $0x1;
	s3 =	sadd.s32 s19, s18  }
0xa2: {  	s7 =	simm.s32 $0x0;
	s20 =	sshll.u32 s5, $0x1;
	s5 =	sadd.s32 s21, s3  }
0xa3: {  	[timem:s7], [sflag:s22] =	dma.local [hbm:s5], s20  }
0xa4: {  	_ =	swait.ge [sflag:s22], s20  }
0xa5: {  	s4 =	ssub.s32 $0x0, s20;
	[sflag:s22] =	ssyncset.done $0x0  }
0xa6: {  	[sflag:s22] =	ssyncadd.s32 s4;
	_ =	sdelay $0x1  }
0xa7: {  	s23 =	simm.s32 $0x1B8B  }
0xa8: {  	_ =	swait.ge [sflag:s23], $0x1  }
0xa9: {  	[sflag:s23] =	ssyncset.done $0x0  }
0xaa: {  	s25 =	simm.s32 $0x1B8E;
	s24 =	sld [smem:$0x3FFE];
	[sflag:s23] =	ssyncadd.s32 $0xFFFFFFFF  }
0xab: {  	s26 =	simm.s32 $execute0_lowered;
	[smem:$0x3FD2] =	sst s25  }
0xac: {  	s5 =	sshll.u32 s26, $0x1;
	_ =	strace $0x80000046;
	[dreg:$0x1] =	wrdreg $0xFFFFFFFF  }
0xad: {  	s28 =	simm.s32 $_size_execute0_lowered;
	s3 =	sadd.s32 s3, s5;
	[dreg:$0x0] =	wrdreg $0x0  }
0xae: {  	s5 =	sshll.u32 s28, $0x1;
	[dreg:$0x2] =	wrdreg s3  }
0xaf: {  	[dreg:$0x3] =	wrdreg s5  }
0xb0: {  	[dreg:$0x4] =	wrdreg $0xC0  }
0xb1: {  	_ =	task [dreg:s7], $0x5FFFF  }
0xb2: {  	[dreg:$0x1] =	wrdreg $0xFFFFFFFF  }
0xb3: {  	[dreg:$0x0] =	wrdreg $0x60  }
0xb4: {  	[dreg:$0x2] =	wrdreg s24  }
0xb5: {  	[dreg:$0x3] =	wrdreg s16  }
0xb6: {  	[dreg:$0x4] =	wrdreg $0x9  }
0xb7: {  	_ =	task.clear_ibuf [dreg:s7], $0x5FFFF;
	_ =	strace $0x90000046  }
0xb8: {  	s29 =	simm.s32 $0x9;
	_ =	strace $0x8000004E  }
0xb9: {  	_ =	swait.ge [sflag:s29], $0x1  }
0xba: {  	[sflag:s29] =	ssyncadd.s32 $0xFFFFFFFF  }
0xbb: {  	_ =	strace $0x9000004E  }
0xbc: {  	_ =	sfence  }
0xbd: {  	s30 =	sld [smem:$0x0];
	_ =	sdelay $0x2  }
0xbe: {  	s31 =	sshll.u32 s1, $0xD;
	s1 =	sshrl.u32 s1, $0x2  }
0xbf: {  	s3 =	sand.u32 $0x4000, s31;
	s1 =	sadd.s32 s1, s30  }
0xc0: {  	s0 =	sor.u32 s3, s0;
	s1 =	sshll.u32 s1, $0x11  }
0xc1: {  	s0 =	sor.u32 s1, s0  }
0xc2: {  	s0 =	sadd.s32 $0x8F2B, s0  }
0xc3: {  	[sflag:s0] =	ssyncadd.remote.s32 $0x1  }
0xc4: {  	_ =	sfence.sel $0xFFFF  }
0xc5: {  	[dreg:$0x0] =	wrdreg $0xFFFFFFFF;
	(pc) =	sbr.abs _section_cstart, $3  }
0xc6: {  	[dreg:$0x1] =	wrdreg $0xFFFFFFFF  }
0xc7: {  	_ =	task.clear_ibuf [dreg:s7], $0x2FFFF;
	_ =	strace $0x9FFFFFFF  }
0xc8: {  	(tm) =	ssettm $0x7FFFFFFF  }
0xc9: {  	_ =	shalt  }
tec
execute0_lowered:
.L_overlay_start_1:
0x0: {  	(tag) =	ssettag $0x1  }
0x1: {  	s12 =	rddreg [dreg:$0x0]  }
0x2: {  	s20 =	rddreg [dreg:$0x1];
	s1 =	srdreg.scid  }
0x3: {  	s0 =	rddreg [dreg:$0x2];
	s2 =	simm.s32 $0x0;
	s21 =	sand.u32 $0x1, s1  }
0x4: {  	[smem:$0x7FF] =	sst s2;
	s1 =	stileid.u32;
	s19 =	sadd.s32 $0x2E00, s12  }
0x5: {  	s3 =	sshll.u32 s21, $0x4;
	_ =	strace $0x80000047;
	s4 =	sshll.u32 s1, $0x6  }
0x6: {  	s22 =	sor.u32 s1, s3;
	s4 =	sand.u32 $0x40, s4;
	_ =	strace $0x80000048  }
0x7: {  	s15 =	sshll.u32 s22, $0x2;
	s3 =	sshll.u32 s22, $0xD;
	s5 =	sshll.u32 s22, $0x6  }
0x8: {  	s4 =	sadd.s32 s20, s4;
	s3 =	sadd.s32 s19, s3;
	s5 =	sand.u32 $0x780, s5  }
0x9: {  	[tilespmem:s2], [sflag:$0x1] =	stream.linear.gather [hbm4b:s3+s2], $0x4000, $0x200038;
	[tilespmem:$0x8100] =	vst v63  }
0xa: {  	s8 =	sor.u32 $0x1, s15;
	s4 =	sadd.s32 s5, s4;
	s5 =	simm.s32 $0x8000  }
0xb: {  	[tilespmem:s5], [sflag:$0x3] =	stream.linear.gather [hbm4b:s4+s2], $0x80, $0x200038;
	[tilespmem:$0x8100] =	vst v63  }
0xc: {  	s6 =	sshll.u32 s8, $0xB;
	_ =	strace $0x90000048  }
0xd: {  	s7 =	simm.s32 $0x4000;
	s6 =	sadd.s32 s19, s6;
	_ =	strace $0x80000049  }
0xe: {  	[tilespmem:s7], [sflag:$0x2] =	stream.linear.gather [hbm4b:s6+s2], $0x4000, $0x200038;
	[tilespmem:$0x8100] =	vst v63  }
0xf: {  	s8 =	sshll.u32 s8, $0x4;
	_ =	strace $0x90000049  }
0x10: {  	s9 =	simm.s32 $0x8080;
	s8 =	sadd.s32 s20, s8;
	_ =	strace $0x8000004A  }
0x11: {  	[tilespmem:s9], [sflag:$0x4] =	stream.linear.gather [hbm4b:s8+s2], $0x80, $0x200038;
	[tilespmem:$0x8100] =	vst v63  }
0x12: {  	_ =	strace $0x9000004A  }
0x13: {  	s10 =	simm.s32 $0x1;
	_ =	strace $0x8000004B  }
0x14: {  	_ =	swait.ge [sflag:s10], $0x4000  }
0x15: {  	[sflag:s10] =	ssyncset.done $0x0  }
0x16: {  	[sflag:s10] =	ssyncadd.s32 $0xFFFFC000  }
0x17: {  	_ =	strace $0x9000004B  }
0x18: {  	s11 =	simm.s32 $0x3;
	_ =	strace $0x8000004C  }
0x19: {  	_ =	swait.ge [sflag:s11], $0x80  }
0x1a: {  	[sflag:s11] =	ssyncset.done $0x0  }
0x1b: {  	[sflag:s11] =	ssyncadd.s32 $0xFFFFFF80  }
0x1c: {  	s13 =	simm.s32 $0x80;
	_ =	strace $0x9000004C  }
0x1d: {  	s14 =	simm.s32 $0x5;
	s12 =	sadd.s32 $0x42E00, s12;
	_ =	strace $0x8000004D  }
0x1e: {  	[hbm4b:s12+s13] =	stream.indirect.scatter [tilespmem:s2], [sflag:$0x5], $0x80, s5, s13, $0x2000b8;
	[tilespmem:$0x8100] =	vst v63  }
0x1f: {  	_ =	swait.ge [sflag:s14], $0x4000  }
0x20: {  	[sflag:s14] =	ssyncset.done $0x0  }
0x21: {  	s16 =	sor.u32 $0x2, s15;
	[sflag:s14] =	ssyncadd.s32 $0xFFFFC000  }
0x22: {  	s15 =	sshll.u32 s16, $0xB;
	_ =	strace $0x9000004D  }
0x23: {  	s15 =	sadd.s32 s19, s15;
	_ =	strace $0x80000049  }
0x24: {  	[tilespmem:s2], [sflag:$0x1] =	stream.linear.gather [hbm4b:s15+s2], $0x4000, $0x200038;
	[tilespmem:$0x8100] =	vst v63  }
0x25: {  	s16 =	sshll.u32 s16, $0x4;
	_ =	strace $0x90000049  }
0x26: {  	s16 =	sadd.s32 s20, s16;
	_ =	strace $0x8000004A  }
0x27: {  	[tilespmem:s5], [sflag:$0x3] =	stream.linear.gather [hbm4b:s16+s2], $0x80, $0x200038;
	[tilespmem:$0x8100] =	vst v63  }
0x28: {  	_ =	strace $0x9000004A  }
0x29: {  	s17 =	simm.s32 $0x2;
	_ =	strace $0x8000004B  }
0x2a: {  	_ =	swait.ge [sflag:s17], $0x4000  }
0x2b: {  	[sflag:s17] =	ssyncset.done $0x0  }
0x2c: {  	[sflag:s17] =	ssyncadd.s32 $0xFFFFC000  }
0x2d: {  	_ =	strace $0x9000004B  }
0x2e: {  	s18 =	simm.s32 $0x4;
	_ =	strace $0x8000004C  }
0x2f: {  	_ =	swait.ge [sflag:s18], $0x80  }
0x30: {  	[sflag:s18] =	ssyncset.done $0x0  }
0x31: {  	[sflag:s18] =	ssyncadd.s32 $0xFFFFFF80  }
0x32: {  	_ =	strace $0x9000004C  }
0x33: {  	_ =	strace $0x8000004D  }
0x34: {  	[hbm4b:s12+s13] =	stream.indirect.scatter [tilespmem:s7], [sflag:$0x5], $0x80, s9, s13, $0x2000b8;
	[tilespmem:$0x8100] =	vst v63  }
0x35: {  	_ =	swait.ge [sflag:s14], $0x4000  }
0x36: {  	[sflag:s14] =	ssyncset.done $0x0  }
0x37: {  	s22 =	sshllo.u32 s22, $0x2;
	[sflag:s14] =	ssyncadd.s32 $0xFFFFC000  }
0x38: {  	s23 =	sshll.u32 s22, $0xB;
	_ =	strace $0x9000004D  }
0x39: {  	s19 =	sadd.s32 s19, s23;
	_ =	strace $0x80000049  }
0x3a: {  	[tilespmem:s7], [sflag:$0x2] =	stream.linear.gather [hbm4b:s19+s2], $0x4000, $0x200038;
	[tilespmem:$0x8100] =	vst v63  }
0x3b: {  	s22 =	sshll.u32 s22, $0x4;
	_ =	strace $0x90000049  }
0x3c: {  	s20 =	sadd.s32 s20, s22;
	_ =	strace $0x8000004A  }
0x3d: {  	[tilespmem:s9], [sflag:$0x4] =	stream.linear.gather [hbm4b:s20+s2], $0x80, $0x200038;
	[tilespmem:$0x8100] =	vst v63  }
0x3e: {  	_ =	strace $0x9000004A  }
0x3f: {  	_ =	strace $0x8000004B  }
0x40: {  	_ =	swait.ge [sflag:s10], $0x4000  }
0x41: {  	[sflag:s10] =	ssyncset.done $0x0  }
0x42: {  	[sflag:s10] =	ssyncadd.s32 $0xFFFFC000  }
0x43: {  	_ =	strace $0x9000004B  }
0x44: {  	_ =	strace $0x8000004C  }
0x45: {  	_ =	swait.ge [sflag:s11], $0x80  }
0x46: {  	[sflag:s11] =	ssyncset.done $0x0  }
0x47: {  	[sflag:s11] =	ssyncadd.s32 $0xFFFFFF80  }
0x48: {  	_ =	strace $0x9000004C  }
0x49: {  	_ =	strace $0x8000004D  }
0x4a: {  	[hbm4b:s12+s13] =	stream.indirect.scatter [tilespmem:s2], [sflag:$0x5], $0x80, s5, s13, $0x2000b8;
	[tilespmem:$0x8100] =	vst v63  }
0x4b: {  	_ =	swait.ge [sflag:s14], $0x4000  }
0x4c: {  	[sflag:s14] =	ssyncset.done $0x0  }
0x4d: {  	[sflag:s14] =	ssyncadd.s32 $0xFFFFC000  }
0x4e: {  	_ =	strace $0x9000004D  }
0x4f: {  	_ =	strace $0x8000004B  }
0x50: {  	_ =	swait.ge [sflag:s17], $0x4000  }
0x51: {  	[sflag:s17] =	ssyncset.done $0x0  }
0x52: {  	[sflag:s17] =	ssyncadd.s32 $0xFFFFC000  }
0x53: {  	_ =	strace $0x9000004B  }
0x54: {  	s21 =	ssub.s32 $0x2, s21;
	_ =	strace $0x8000004C  }
0x55: {  	s31 =	sshrl.u32 s21, $0x1;
	_ =	swait.ge [sflag:s18], $0x80  }
0x56: {  	s21 =	ssub.s32 s21, s31;
	[sflag:s18] =	ssyncset.done $0x0  }
0x57: {  	s21 =	smax.u32 s21, $0x1;
	[sflag:s18] =	ssyncadd.s32 $0xFFFFFF80  }
0x58: {  	p0 =	sne.s32 s21, $0x1;
	_ =	strace $0x9000004C  }
.Ltmp0:
0x59: {  	_ =	strace $0x8000004D;
	(pc) =	sbr.rel @!p0 .LBB2_2-.Ltmp0, $4  }
0x5a: {  	[hbm4b:s12+s13] =	stream.indirect.scatter [tilespmem:s7], [sflag:$0x5], $0x80, s9, s13, $0x2000b8;
	[tilespmem:$0x8100] =	vst v63  }
0x5b: {  	_ =	swait.ge [sflag:s14], $0x4000  }
0x5c: {  	[sflag:s14] =	ssyncset.done $0x0  }
0x5d: {  	s21 =	sadd.s32 $0xFFFFFFFF, s21;
	[sflag:s14] =	ssyncadd.s32 $0xFFFFC000  }
.LBB2_1:
0x5e: {  	p0 =	sne.s32 s21, $0x1;
	s21 =	sadd.s32 $0xFFFFFFFF, s21;
	_ =	strace $0x9000004D  }
0x5f: {  	_ =	strace $0x80000048  }
0x60: {  	[tilespmem:s2], [sflag:$0x1] =	stream.linear.gather [hbm4b:s3+s2], $0x4000, $0x200038;
	[tilespmem:$0x8100] =	vst v63  }
0x61: {  	_ = 	snop  }
0x62: {  	[tilespmem:s5], [sflag:$0x3] =	stream.linear.gather [hbm4b:s4+s2], $0x80, $0x200038;
	[tilespmem:$0x8100] =	vst v63  }
0x63: {  	_ =	strace $0x90000048  }
0x64: {  	_ =	strace $0x80000049  }
0x65: {  	[tilespmem:s7], [sflag:$0x2] =	stream.linear.gather [hbm4b:s6+s2], $0x4000, $0x200038;
	[tilespmem:$0x8100] =	vst v63  }
0x66: {  	_ =	strace $0x90000049  }
0x67: {  	_ =	strace $0x8000004A  }
0x68: {  	[tilespmem:s9], [sflag:$0x4] =	stream.linear.gather [hbm4b:s8+s2], $0x80, $0x200038;
	[tilespmem:$0x8100] =	vst v63  }
0x69: {  	_ =	strace $0x9000004A  }
0x6a: {  	_ =	strace $0x8000004B  }
0x6b: {  	_ =	swait.ge [sflag:s10], $0x4000  }
0x6c: {  	[sflag:s10] =	ssyncset.done $0x0  }
0x6d: {  	[sflag:s10] =	ssyncadd.s32 $0xFFFFC000  }
0x6e: {  	_ =	strace $0x9000004B  }
0x6f: {  	_ =	strace $0x8000004C  }
0x70: {  	_ =	swait.ge [sflag:s11], $0x80  }
0x71: {  	[sflag:s11] =	ssyncset.done $0x0  }
0x72: {  	[sflag:s11] =	ssyncadd.s32 $0xFFFFFF80  }
0x73: {  	_ =	strace $0x9000004C  }
0x74: {  	_ =	strace $0x8000004D  }
0x75: {  	[hbm4b:s12+s13] =	stream.indirect.scatter [tilespmem:s2], [sflag:$0x5], $0x80, s5, s13, $0x2000b8;
	[tilespmem:$0x8100] =	vst v63  }
0x76: {  	_ =	swait.ge [sflag:s14], $0x4000  }
0x77: {  	[sflag:s14] =	ssyncset.done $0x0  }
0x78: {  	[sflag:s14] =	ssyncadd.s32 $0xFFFFC000  }
0x79: {  	_ =	strace $0x9000004D  }
0x7a: {  	_ =	strace $0x80000049  }
0x7b: {  	[tilespmem:s2], [sflag:$0x1] =	stream.linear.gather [hbm4b:s15+s2], $0x4000, $0x200038;
	[tilespmem:$0x8100] =	vst v63  }
0x7c: {  	_ =	strace $0x90000049  }
0x7d: {  	_ =	strace $0x8000004A  }
0x7e: {  	[tilespmem:s5], [sflag:$0x3] =	stream.linear.gather [hbm4b:s16+s2], $0x80, $0x200038;
	[tilespmem:$0x8100] =	vst v63  }
0x7f: {  	_ =	strace $0x9000004A  }
0x80: {  	_ =	strace $0x8000004B  }
0x81: {  	_ =	swait.ge [sflag:s17], $0x4000  }
0x82: {  	[sflag:s17] =	ssyncset.done $0x0  }
0x83: {  	[sflag:s17] =	ssyncadd.s32 $0xFFFFC000  }
0x84: {  	_ =	strace $0x9000004B  }
0x85: {  	_ =	strace $0x8000004C  }
0x86: {  	_ =	swait.ge [sflag:s18], $0x80  }
0x87: {  	[sflag:s18] =	ssyncset.done $0x0  }
0x88: {  	[sflag:s18] =	ssyncadd.s32 $0xFFFFFF80  }
0x89: {  	_ =	strace $0x9000004C  }
0x8a: {  	_ =	strace $0x8000004D  }
0x8b: {  	[hbm4b:s12+s13] =	stream.indirect.scatter [tilespmem:s7], [sflag:$0x5], $0x80, s9, s13, $0x2000b8;
	[tilespmem:$0x8100] =	vst v63  }
0x8c: {  	_ =	swait.ge [sflag:s14], $0x4000  }
0x8d: {  	[sflag:s14] =	ssyncset.done $0x0  }
0x8e: {  	[sflag:s14] =	ssyncadd.s32 $0xFFFFC000  }
0x8f: {  	_ =	strace $0x9000004D  }
0x90: {  	_ =	strace $0x80000049  }
0x91: {  	[tilespmem:s7], [sflag:$0x2] =	stream.linear.gather [hbm4b:s19+s2], $0x4000, $0x200038;
	[tilespmem:$0x8100] =	vst v63  }
0x92: {  	_ =	strace $0x90000049  }
0x93: {  	_ =	strace $0x8000004A  }
0x94: {  	[tilespmem:s9], [sflag:$0x4] =	stream.linear.gather [hbm4b:s20+s2], $0x80, $0x200038;
	[tilespmem:$0x8100] =	vst v63  }
0x95: {  	_ =	strace $0x9000004A  }
0x96: {  	_ =	strace $0x8000004B  }
0x97: {  	_ =	swait.ge [sflag:s10], $0x4000  }
0x98: {  	[sflag:s10] =	ssyncset.done $0x0  }
0x99: {  	[sflag:s10] =	ssyncadd.s32 $0xFFFFC000  }
0x9a: {  	_ =	strace $0x9000004B  }
0x9b: {  	_ =	strace $0x8000004C  }
0x9c: {  	_ =	swait.ge [sflag:s11], $0x80  }
0x9d: {  	[sflag:s11] =	ssyncset.done $0x0  }
0x9e: {  	[sflag:s11] =	ssyncadd.s32 $0xFFFFFF80  }
0x9f: {  	_ =	strace $0x9000004C  }
0xa0: {  	_ =	strace $0x8000004D  }
0xa1: {  	[hbm4b:s12+s13] =	stream.indirect.scatter [tilespmem:s2], [sflag:$0x5], $0x80, s5, s13, $0x2000b8;
	[tilespmem:$0x8100] =	vst v63  }
0xa2: {  	_ =	swait.ge [sflag:s14], $0x4000  }
0xa3: {  	[sflag:s14] =	ssyncset.done $0x0  }
0xa4: {  	[sflag:s14] =	ssyncadd.s32 $0xFFFFC000  }
0xa5: {  	_ =	strace $0x9000004D  }
0xa6: {  	_ =	strace $0x8000004B  }
0xa7: {  	_ =	swait.ge [sflag:s17], $0x4000  }
0xa8: {  	[sflag:s17] =	ssyncset.done $0x0  }
0xa9: {  	[sflag:s17] =	ssyncadd.s32 $0xFFFFC000  }
0xaa: {  	_ =	strace $0x9000004B  }
0xab: {  	_ =	strace $0x8000004C  }
0xac: {  	_ =	swait.ge [sflag:s18], $0x80  }
0xad: {  	[sflag:s18] =	ssyncset.done $0x0  }
0xae: {  	[sflag:s18] =	ssyncadd.s32 $0xFFFFFF80  }
0xaf: {  	_ =	strace $0x9000004C  }
.Ltmp1:
0xb0: {  	_ =	strace $0x8000004D;
	(pc) =	sbr.rel @p0 .LBB2_1-.Ltmp1, $4  }
0xb1: {  	[hbm4b:s12+s13] =	stream.indirect.scatter [tilespmem:s7], [sflag:$0x5], $0x80, s9, s13, $0x2000b8;
	[tilespmem:$0x8100] =	vst v63  }
0xb2: {  	_ =	swait.ge [sflag:s14], $0x4000  }
0xb3: {  	[sflag:s14] =	ssyncset.done $0x0  }
0xb4: {  	[sflag:s14] =	ssyncadd.s32 $0xFFFFC000  }
.LBB2_2:
0xb5: {  	_ =	strace $0x9000004D  }
0xb6: {  	_ =	sfence.sel $0x180000  }
0xb7: {  	[bflag:$0x0] =	sbarrier.arrive $0xFFFF  }
0xb8: {  	p0 =	sne.s32 s1, $0x0;
	_ =	strace $0x90000047  }
0xb9: {  	s0 =	sadd.s32 @!p0 $0x100000, s0;
	[bflag:$0x2] =	sbarrier.arrive $0xFFFF  }
0xba: {  	[sflag:s0] =	ssyncadd.tile.s32 @!p0 $0x1;
	_ =	shalt  }
.Lfunc_end2:
_tile_overlayer_lowered:
.L_overlay_start_2:
0xbb: {  	(tag) =	ssettag $0x2  }
0xbc: {  	s0 =	rddreg [dreg:$0x0];
	s2 =	stileid.u32  }
0xbd: {  	s1 =	rddreg [dreg:$0x1];
	p0 =	sne.s32 s2, $0x0  }
0xbe: {  	s3 =	rddreg [dreg:$0x2];
	[bflag:$0x3] =	sbarrier.arrive $0xFFFF;
	s2 =	simm.s32 @!p0 $0x1C01  }
0xbf: {  	[timem:s3], [sflag:s2] =	dma.local @!p0 [hbm:s0], s1  }
0xc0: {  	s0 =	simm.s32 @!p0 $0x1  }
0xc1: {  	_ =	swait.ge @!p0 [sflag:s0], s1  }
0xc2: {  	s1 =	ssub.s32 @!p0 $0x0, s1;
	[sflag:s0] =	ssyncset.done @!p0 $0x0  }
0xc3: {  	[sflag:s0] =	ssyncadd.s32 @!p0 s1  }
0xc4: {  	[bflag:$0x3] =	sbarrier.arrive $0xFFFF  }
0xc5: {  	_ =	shalt  }

</sc_bundles>
